<compile_context>
chip_gen: v7x
topology: tpu7x:2x2x1
jax: 0.10.2.dev20260603
libtpu: 0.0.44.dev20260713+nightly
codegen_flags: <defaults>
</compile_context>

<pallas_src>
import functools

import jax
import jax.numpy as jnp
from jax import lax
from jax.experimental import pallas as pl
from jax.experimental.pallas import tpu as pltpu
from jax.experimental.pallas import tpu_sc as plsc

N = 10000
D = 128
E = 320000

NC = 2
NS = 16
NW = NC * NS

BLK = 1024
IDX_ROWS = BLK // 128
HALF = 256
EPT = 10240
E_PAD = NW * EPT
ZROWS = 640
N_ACC = NS * ZROWS

ROWS = 400



def _dense_body(h_ref, w_ref, al_ref, ar_ref, feat_ref, el_ref, er_ref):
    feat = jnp.dot(h_ref[...], w_ref[...], preferred_element_type=jnp.float32)
    feat_ref[...] = feat
    el_ref[...] = jnp.sum(feat * al_ref[...], axis=1, keepdims=True)
    er_ref[...] = jnp.sum(feat * ar_ref[...], axis=1, keepdims=True)


def _dense_layer(h, W, al, ar):
    return pl.pallas_call(
        _dense_body,
        grid=(N // ROWS,),
        in_specs=[
            pl.BlockSpec((ROWS, D), lambda i: (i, 0)),
            pl.BlockSpec((D, D), lambda i: (0, 0)),
            pl.BlockSpec((1, D), lambda i: (0, 0)),
            pl.BlockSpec((1, D), lambda i: (0, 0)),
        ],
        out_specs=[
            pl.BlockSpec((ROWS, D), lambda i: (i, 0)),
            pl.BlockSpec((ROWS, 1), lambda i: (i, 0)),
            pl.BlockSpec((ROWS, 1), lambda i: (i, 0)),
        ],
        out_shape=[
            jax.ShapeDtypeStruct((N, D), jnp.float32),
            jax.ShapeDtypeStruct((N, 1), jnp.float32),
            jax.ShapeDtypeStruct((N, 1), jnp.float32),
        ],
    )(h, W, al[None, :], ar[None, :])


def _post_body(num_ref, den_ref, b_ref, g_ref, be_ref, out_ref, *, elu):
    num = num_ref[0] + num_ref[1]
    den = den_ref[0] + den_ref[1]
    out = jnp.where(den > 0.0, num / den, 0.0) + b_ref[...]
    mu = jnp.mean(out, axis=0, keepdims=True)
    var = jnp.mean((out - mu) * (out - mu), axis=0, keepdims=True)
    out = (out - mu) * jax.lax.rsqrt(var + 1e-5) * g_ref[...] + be_ref[...]
    if elu:
        out = jnp.where(out > 0.0, out, jnp.exp(jnp.minimum(out, 0.0)) - 1.0)
    out_ref[...] = out


def _post_layer(num, den, b, g, be, elu):
    return pl.pallas_call(
        functools.partial(_post_body, elu=elu),
        out_shape=jax.ShapeDtypeStruct((N, D), jnp.float32),
    )(num, den, b[None, :], g[None, :], be[None, :])



def _edge_body(feat_h, el_h, er_h, src_h, dst_h, zrow_h, zden_h,
               num_out, den_out,
               num_acc, den_acc,
               src_c, dst_c, els_v, erd_v, ex_v, rows_v,
               sem_rows, sem_s):
    cid = lax.axis_index("c")
    sid = lax.axis_index("s")
    wid = sid * NC + cid

    pltpu.sync_copy(zrow_h, num_acc.at[pl.ds(sid * ZROWS, ZROWS)])
    pltpu.sync_copy(zden_h, den_acc.at[pl.ds(sid * ZROWS, ZROWS)])
    plsc.subcore_barrier()

    rbase_t = (wid * EPT) // 128

    def blk_body(k, carry):
        rbase = pl.multiple_of(rbase_t + k * IDX_ROWS, 8)
        pltpu.sync_copy(src_h.at[pl.ds(rbase, IDX_ROWS)], src_c)
        pltpu.sync_copy(dst_h.at[pl.ds(rbase, IDX_ROWS)], dst_c)
        descs_s = []
        for j in range(IDX_ROWS):
            descs_s.append(pltpu.async_copy(
                el_h.at[src_c.at[j]], els_v.at[pl.ds(j * 128, 128)], sem_s))
            descs_s.append(pltpu.async_copy(
                er_h.at[dst_c.at[j]], erd_v.at[pl.ds(j * 128, 128)], sem_s))
        for d in descs_s:
            d.wait()
        for v in range(BLK // 16):
            sl = pl.ds(v * 16, 16)
            e = els_v[sl] + erd_v[sl]
            e = jnp.where(e >= 0.0, e, 0.2 * e)
            ex_v[sl] = jnp.exp(e)
        for j in range(IDX_ROWS):
            pltpu.sync_copy(ex_v.at[pl.ds(j * 128, 128)],
                            den_acc.at[dst_c.at[j]], add=True)

        for half in range(BLK // HALF):
            jo = half * (HALF // 128)
            descs_r = []
            for j in range(HALF // 128):
                descs_r.append(pltpu.async_copy(
                    feat_h.at[src_c.at[jo + j]],
                    rows_v.at[pl.ds(j * 128, 128)], sem_rows))
            for d in descs_r:
                d.wait()

            def row_body(i, c2):
                s = plsc.load_gather(
                    ex_v, [jnp.zeros((16,), jnp.int32) + (half * HALF + i)])
                for j in range(D // 16):
                    sl = pl.ds(j * 16, 16)
                    rows_v[i, sl] = rows_v[i, sl] * s
                return c2

            lax.fori_loop(0, HALF, row_body, 0)
            for j in range(HALF // 128):
                pltpu.sync_copy(rows_v.at[pl.ds(j * 128, 128)],
                                num_acc.at[dst_c.at[jo + j]], add=True)
        return carry

    lax.fori_loop(0, EPT // BLK, blk_body, 0)
    plsc.subcore_barrier()

    pltpu.sync_copy(num_acc.at[pl.ds(sid * 624, 624)],
                    num_out.at[cid, pl.ds(sid * 624, 624)])

    @pl.when(sid == NS - 1)
    def _():
        pltpu.sync_copy(num_acc.at[pl.ds(624 * NS, N - 624 * NS)],
                        num_out.at[cid, pl.ds(624 * NS, N - 624 * NS)])

    @pl.when(sid < 10)
    def _():
        pltpu.sync_copy(den_acc.at[pl.ds(sid * 1024, 1024)],
                        den_out.at[pl.ds(cid * N_ACC + sid * 1024, 1024)])


@functools.partial(jax.jit, static_argnames=())
def _edge_phase_sc(feat, el, er_p, src2, dst2, zrow, zden):
    mesh = plsc.VectorSubcoreMesh(core_axis_name="c", subcore_axis_name="s")
    f = pl.kernel(
        _edge_body,
        out_type=[
            jax.ShapeDtypeStruct((NC, N, D), jnp.float32),
            jax.ShapeDtypeStruct((NC * N_ACC,), jnp.float32),
        ],
        mesh=mesh,
        compiler_params=pltpu.CompilerParams(needs_layout_passes=False),
        scratch_types=[
            pltpu.VMEM_SHARED((N_ACC, D), jnp.float32),
            pltpu.VMEM_SHARED((N_ACC,), jnp.float32),
            pltpu.VMEM((IDX_ROWS, 128), jnp.int32),
            pltpu.VMEM((IDX_ROWS, 128), jnp.int32),
            pltpu.VMEM((BLK,), jnp.float32),
            pltpu.VMEM((BLK,), jnp.float32),
            pltpu.VMEM((BLK,), jnp.float32),
            pltpu.VMEM((HALF, D), jnp.float32),
            pltpu.SemaphoreType.DMA,
            pltpu.SemaphoreType.DMA,
        ],
    )
    return f(feat, el, er_p, src2, dst2, zrow, zden)



def kernel(node_weight, edge_index, edge_weight, W1, al1, ar1, b1, g1, be1,
           W2, al2, ar2, b2, g2, be2, W3, al3, ar3, b3, g3, be3):
    src = edge_index[0].astype(jnp.int32)
    dst = edge_index[1].astype(jnp.int32)
    pad = E_PAD - E
    src2 = jnp.concatenate([src, jnp.zeros((pad,), jnp.int32)]
                           ).reshape(E_PAD // 128, 128)
    dst2 = jnp.concatenate([dst, jnp.full((pad,), N, jnp.int32)]
                           ).reshape(E_PAD // 128, 128)
    zrow = jnp.zeros((ZROWS, D), jnp.float32)
    zden = jnp.zeros((ZROWS,), jnp.float32)

    h = node_weight
    layers = [(W1, al1, ar1, b1, g1, be1, True),
              (W2, al2, ar2, b2, g2, be2, True),
              (W3, al3, ar3, b3, g3, be3, False)]
    for (W, al, ar, b, g, be, elu) in layers:
        feat, el, er = _dense_layer(h, W, al, ar)
        er_p = jnp.concatenate([er[:, 0], jnp.zeros((16,), jnp.float32)])
        num, den = _edge_phase_sc(feat, el[:, 0], er_p, src2, dst2,
                                  zrow, zden)
        den = den.reshape(NC, N_ACC)[:, :N, None]
        h = _post_layer(num, den, b, g, be, elu)
    return h

# --- scband reference (transcript-rebuilt; emitter-appended) ---
"""Pipeline reference for scband-gat-18571438588582 (READ-ONLY COPY).

The authoritative reference and input builder live on the scoring server;
editing this copy changes nothing except your own understanding.
"""

import jax, jax.numpy as jnp
import numpy as np

N = 10000
E = 320000
D = 128

def setup_inputs(seed: int = 0):
    key = jax.random.key(seed)
    ks = jax.random.split(key, 16)
    inp = {}
    inp['node_weight'] = jax.random.normal(ks[0], (N, D), dtype=jnp.float32)
    inp['edge_index'] = jax.random.randint(ks[1], (2, E), 0, N)
    inp['edge_weight'] = jax.random.normal(ks[2], (E,), dtype=jnp.float32)
    s = float(1.0 / np.sqrt(D))
    for l in range(1, 4):
        base = 3 + (l - 1) * 3
        inp['W%d' % l] = jax.random.uniform(ks[base], (D, D), jnp.float32, -s, s)
        inp['al%d' % l] = jax.random.uniform(ks[base + 1], (D,), jnp.float32, -s, s)
        inp['ar%d' % l] = jax.random.uniform(ks[base + 2], (D,), jnp.float32, -s, s)
        inp['b%d' % l] = jnp.zeros((D,), jnp.float32)
        inp['g%d' % l] = jnp.ones((D,), jnp.float32)
        inp['be%d' % l] = jnp.zeros((D,), jnp.float32)
    return inp

def _gat(h, src, dst, W, al, ar, b):
    feat = h @ W
    el = jnp.sum(feat * al, axis=-1)
    er = jnp.sum(feat * ar, axis=-1)
    e = jax.nn.leaky_relu(el[src] + er[dst], negative_slope=0.2)
    emax = jax.ops.segment_max(e, dst, num_segments=N)
    emax = jnp.where(jnp.isfinite(emax), emax, 0.0)
    ex = jnp.exp(e - emax[dst])
    den = jax.ops.segment_sum(ex, dst, num_segments=N)
    alpha = ex / den[dst]
    msg = feat[src] * alpha[:, None]
    out = jax.ops.segment_sum(msg, dst, num_segments=N)
    return out + b

def _bn(h, g, be):
    mu = jnp.mean(h, axis=0)
    var = jnp.var(h, axis=0)
    return (h - mu) / jnp.sqrt(var + 1e-5) * g + be

def reference(node_weight, edge_index, edge_weight, W1, al1, ar1, b1, g1, be1, W2, al2, ar2, b2, g2, be2, W3, al3, ar3, b3, g3, be3):
    src = edge_index[0]
    dst = edge_index[1]
    h = _gat(node_weight, src, dst, W1, al1, ar1, b1)
    h = jax.nn.elu(_bn(h, g1, be1))
    h = _gat(h, src, dst, W2, al2, ar2, b2)
    h = jax.nn.elu(_bn(h, g2, be2))
    h = _gat(h, src, dst, W3, al3, ar3, b3)
    h = _bn(h, g3, be3)
    return h

if __name__ == "__main__":
    import jax
    _d = setup_inputs()
    print(jax.jit(kernel)(*tuple(_d.values())))

</pallas_src>

<mosaic_0001>
#map = affine_map<(d0, d1) -> (0, 0)>
#map1 = affine_map<(d0, d1) -> (0)>
#map2 = affine_map<(d0, d1) -> (0, 0, 0)>
module attributes {stable_mosaic.version = 14 : i64} {
  func.func @_edge_body(%arg0: i32, %arg1: i32, %arg2: memref<10000x128xf32, #tpu.memory_space<hbm>>, %arg3: memref<10000xf32, #tpu.memory_space<hbm>>, %arg4: memref<10016xf32, #tpu.memory_space<hbm>>, %arg5: memref<2560x128xi32, #tpu.memory_space<hbm>>, %arg6: memref<2560x128xi32, #tpu.memory_space<hbm>>, %arg7: memref<640x128xf32, #tpu.memory_space<hbm>>, %arg8: memref<640xf32, #tpu.memory_space<hbm>>, %arg9: memref<2x10000x128xf32, #tpu.memory_space<hbm>>, %arg10: memref<20480xf32, #tpu.memory_space<hbm>>, %arg11: memref<10240x128xf32, #tpu.memory_space<vmem_shared>>, %arg12: memref<10240xf32, #tpu.memory_space<vmem_shared>>, %arg13: memref<8x128xi32, #tpu.memory_space<vmem>>, %arg14: memref<8x128xi32, #tpu.memory_space<vmem>>, %arg15: memref<1024xf32, #tpu.memory_space<vmem>>, %arg16: memref<1024xf32, #tpu.memory_space<vmem>>, %arg17: memref<1024xf32, #tpu.memory_space<vmem>>, %arg18: memref<256x128xf32, #tpu.memory_space<vmem>>, %arg19: memref<!tpu.dma_semaphore, #tpu.memory_space<semaphore_mem>>, %arg20: memref<!tpu.dma_semaphore, #tpu.memory_space<semaphore_mem>>) attributes {dimension_semantics = [#tpu.dimension_semantics<core_parallel>, #tpu.dimension_semantics<subcore_parallel>], iteration_bounds = array<i64: 2, 16>, scalar_prefetch = 0 : i64, scratch_operands = 10 : i64, tpu.core_type = #tpu.core_type<sc_vector_subcore>, window_params = [{transform_indices = #map}, {transform_indices = #map1}, {transform_indices = #map1}, {transform_indices = #map}, {transform_indices = #map}, {transform_indices = #map}, {transform_indices = #map1}, {transform_indices = #map2}, {transform_indices = #map1}]} {
    %mul3A = arith.constant 2 : i32
    %mul3A_0 = arith.muli %arg1, %mul3A : i32
    %add3A = arith.addi %mul3A_0, %arg0 : i32
    %mul3A_1 = arith.constant 640 : i32
    %mul3A_2 = arith.muli %arg1, %mul3A_1 : i32
    "tpu.region"() ({
      %run_scoped3A = tpu.sem_alloc : memref<!tpu.dma_semaphore, #tpu.memory_space<semaphore_mem>>
      %dma_start3A = arith.constant 0 : i32
      %dma_start3A_39 = tpu.memref_slice %arg11[%mul3A_2, %dma_start3A] : memref<10240x128xf32, #tpu.memory_space<vmem_shared>> -> memref<640x128xf32, #tpu.memory_space<vmem_shared>>
      tpu.enqueue_dma source(%arg7 : memref<640x128xf32, #tpu.memory_space<hbm>>) target(%dma_start3A_39 : memref<640x128xf32, #tpu.memory_space<vmem_shared>>) target_semaphore(%run_scoped3A : memref<!tpu.dma_semaphore, #tpu.memory_space<semaphore_mem>>)
      %dma_wait3A = arith.constant 0 : i32
      %dma_wait3A_40 = tpu.memref_slice %arg11[%mul3A_2, %dma_wait3A] : memref<10240x128xf32, #tpu.memory_space<vmem_shared>> -> memref<640x128xf32, #tpu.memory_space<vmem_shared>>
      tpu.wait_dma2 semaphore(%run_scoped3A : memref<!tpu.dma_semaphore, #tpu.memory_space<semaphore_mem>>) src(%arg7 : memref<640x128xf32, #tpu.memory_space<hbm>>) dst(%dma_wait3A_40 : memref<640x128xf32, #tpu.memory_space<vmem_shared>>)
      tpu.yield
    }) : () -> ()
    %mul3A_3 = arith.constant 640 : i32
    %mul3A_4 = arith.muli %arg1, %mul3A_3 : i32
    "tpu.region"() ({
      %run_scoped3A = tpu.sem_alloc : memref<!tpu.dma_semaphore, #tpu.memory_space<semaphore_mem>>
      %dma_start3A = tpu.memref_slice %arg12[%mul3A_4] : memref<10240xf32, #tpu.memory_space<vmem_shared>> -> memref<640xf32, #tpu.memory_space<vmem_shared>>
      tpu.enqueue_dma source(%arg8 : memref<640xf32, #tpu.memory_space<hbm>>) target(%dma_start3A : memref<640xf32, #tpu.memory_space<vmem_shared>>) target_semaphore(%run_scoped3A : memref<!tpu.dma_semaphore, #tpu.memory_space<semaphore_mem>>)
      %dma_wait3A = tpu.memref_slice %arg12[%mul3A_4] : memref<10240xf32, #tpu.memory_space<vmem_shared>> -> memref<640xf32, #tpu.memory_space<vmem_shared>>
      tpu.wait_dma2 semaphore(%run_scoped3A : memref<!tpu.dma_semaphore, #tpu.memory_space<semaphore_mem>>) src(%arg8 : memref<640xf32, #tpu.memory_space<hbm>>) dst(%dma_wait3A : memref<640xf32, #tpu.memory_space<vmem_shared>>)
      tpu.yield
    }) : () -> ()
    %barrier3A = arith.constant 0 : index
    tpu.barrier barrier_id(%barrier3A)
    %mul3A_5 = arith.constant 10240 : i32
    %mul3A_6 = arith.muli %add3A, %mul3A_5 : i32
    %jit3A = arith.constant 128 : i32
    %div3A = arith.divsi %mul3A_6, %jit3A : i32
    %sign3A = arith.constant 0 : i32
    %sign3A_7 = arith.cmpi sgt, %mul3A_6, %sign3A : i32
    %sign3A_8 = arith.extui %sign3A_7 : i1 to i32
    %sign3A_9 = arith.constant 0 : i32
    %sign3A_10 = arith.cmpi slt, %mul3A_6, %sign3A_9 : i32
    %sign3A_11 = arith.extui %sign3A_10 : i1 to i32
    %sign3A_12 = arith.subi %sign3A_8, %sign3A_11 : i32
    %sign3A_13 = arith.constant 0 : i32
    %sign3A_14 = arith.cmpi sgt, %jit3A, %sign3A_13 : i32
    %sign3A_15 = arith.extui %sign3A_14 : i1 to i32
    %sign3A_16 = arith.constant 0 : i32
    %sign3A_17 = arith.cmpi slt, %jit3A, %sign3A_16 : i32
    %sign3A_18 = arith.extui %sign3A_17 : i1 to i32
    %sign3A_19 = arith.subi %sign3A_15, %sign3A_18 : i32
    %ne3A = arith.cmpi ne, %sign3A_12, %sign3A_19 : i32
    %rem3A = arith.remsi %mul3A_6, %jit3A : i32
    %ne3A_20 = arith.constant 0 : i32
    %ne3A_21 = arith.cmpi ne, %rem3A, %ne3A_20 : i32
    %and3A = arith.andi %ne3A, %ne3A_21 : i1
    %sub3A = arith.constant 1 : i32
    %sub3A_22 = arith.subi %div3A, %sub3A : i32
    %select_n3A = arith.select %and3A, %sub3A_22, %div3A : i32
    %scan3A = arith.constant 0 : i32
    %scan3A_23 = arith.constant 0 : i32
    %scan3A_24 = arith.constant 10 : i32
    %scan3A_25 = arith.addi %scan3A_23, %scan3A_24 : i32
    %scan3A_26 = arith.constant 1 : i32
    scf.for %scan3A_39 = %scan3A_23 to %scan3A_25 step %scan3A_26  : i32 {
      %mul3A_40 = arith.constant 8 : i32
      %mul3A_41 = arith.muli %scan3A_39, %mul3A_40 : i32
      %add3A_42 = arith.addi %select_n3A, %mul3A_41 : i32
      %multiple_of3A = tpu.assume_multiple %add3A_42, 8 : i32
      "tpu.region"() ({
        %run_scoped3A_1452 = tpu.sem_alloc : memref<!tpu.dma_semaphore, #tpu.memory_space<semaphore_mem>>
        %dma_start3A_1453 = arith.constant 0 : i32
        %dma_start3A_1454 = tpu.memref_slice %arg5[%multiple_of3A, %dma_start3A_1453] : memref<2560x128xi32, #tpu.memory_space<hbm>> -> memref<8x128xi32, #tpu.memory_space<hbm>>
        %dma_start3A_1455 = arith.constant 0 : i32
        %dma_start3A_1456 = tpu.memref_slice %arg5[%multiple_of3A, %dma_start3A_1455] : memref<2560x128xi32, #tpu.memory_space<hbm>> -> memref<8x128xi32, #tpu.memory_space<hbm>>
        tpu.enqueue_dma source(%dma_start3A_1456 : memref<8x128xi32, #tpu.memory_space<hbm>>) target(%arg13 : memref<8x128xi32, #tpu.memory_space<vmem>>) target_semaphore(%run_scoped3A_1452 : memref<!tpu.dma_semaphore, #tpu.memory_space<semaphore_mem>>)
        %dma_wait3A_1457 = arith.constant 0 : i32
        %dma_wait3A_1458 = tpu.memref_slice %arg5[%multiple_of3A, %dma_wait3A_1457] : memref<2560x128xi32, #tpu.memory_space<hbm>> -> memref<8x128xi32, #tpu.memory_space<hbm>>
        %dma_wait3A_1459 = arith.constant 0 : i32
        %dma_wait3A_1460 = tpu.memref_slice %arg5[%multiple_of3A, %dma_wait3A_1459] : memref<2560x128xi32, #tpu.memory_space<hbm>> -> memref<8x128xi32, #tpu.memory_space<hbm>>
        tpu.wait_dma2 semaphore(%run_scoped3A_1452 : memref<!tpu.dma_semaphore, #tpu.memory_space<semaphore_mem>>) src(%dma_wait3A_1460 : memref<8x128xi32, #tpu.memory_space<hbm>>) dst(%arg13 : memref<8x128xi32, #tpu.memory_space<vmem>>)
        tpu.yield
      }) : () -> ()
      "tpu.region"() ({
        %run_scoped3A_1452 = tpu.sem_alloc : memref<!tpu.dma_semaphore, #tpu.memory_space<semaphore_mem>>
        %dma_start3A_1453 = arith.constant 0 : i32
        %dma_start3A_1454 = tpu.memref_slice %arg6[%multiple_of3A, %dma_start3A_1453] : memref<2560x128xi32, #tpu.memory_space<hbm>> -> memref<8x128xi32, #tpu.memory_space<hbm>>
        %dma_start3A_1455 = arith.constant 0 : i32
        %dma_start3A_1456 = tpu.memref_slice %arg6[%multiple_of3A, %dma_start3A_1455] : memref<2560x128xi32, #tpu.memory_space<hbm>> -> memref<8x128xi32, #tpu.memory_space<hbm>>
        tpu.enqueue_dma source(%dma_start3A_1456 : memref<8x128xi32, #tpu.memory_space<hbm>>) target(%arg14 : memref<8x128xi32, #tpu.memory_space<vmem>>) target_semaphore(%run_scoped3A_1452 : memref<!tpu.dma_semaphore, #tpu.memory_space<semaphore_mem>>)
        %dma_wait3A_1457 = arith.constant 0 : i32
        %dma_wait3A_1458 = tpu.memref_slice %arg6[%multiple_of3A, %dma_wait3A_1457] : memref<2560x128xi32, #tpu.memory_space<hbm>> -> memref<8x128xi32, #tpu.memory_space<hbm>>
        %dma_wait3A_1459 = arith.constant 0 : i32
        %dma_wait3A_1460 = tpu.memref_slice %arg6[%multiple_of3A, %dma_wait3A_1459] : memref<2560x128xi32, #tpu.memory_space<hbm>> -> memref<8x128xi32, #tpu.memory_space<hbm>>
        tpu.wait_dma2 semaphore(%run_scoped3A_1452 : memref<!tpu.dma_semaphore, #tpu.memory_space<semaphore_mem>>) src(%dma_wait3A_1460 : memref<8x128xi32, #tpu.memory_space<hbm>>) dst(%arg14 : memref<8x128xi32, #tpu.memory_space<vmem>>)
        tpu.yield
      }) : () -> ()
      %dma_start3A = arith.constant 0 : i32
      %dma_start3A_43 = arith.constant 0 : i32
      %dma_start3A_44 = tpu.memref_slice %arg15[%dma_start3A_43] : memref<1024xf32, #tpu.memory_space<vmem>> -> memref<128xf32, #tpu.memory_space<vmem>>
      %dma_start3A_45 = arith.constant 0 : i32
      %dma_start3A_46 = tpu.memref_slice %arg13[%dma_start3A, %dma_start3A_45] : memref<8x128xi32, #tpu.memory_space<vmem>> -> memref<1x128xi32, #tpu.memory_space<vmem>>
      %dma_start3A_47 = tpu.memref_squeeze %dma_start3A_46 : memref<1x128xi32, #tpu.memory_space<vmem>> -> memref<128xi32, #tpu.memory_space<vmem>>
      %dma_start3A_48 = arith.constant 0 : i32
      %dma_start3A_49 = tpu.memref_slice %arg3[%dma_start3A_48] : memref<10000xf32, #tpu.memory_space<hbm>> -> memref<10000xf32, #tpu.memory_space<hbm>>
      tpu.enqueue_indirect_dma source(%dma_start3A_49 : memref<10000xf32, #tpu.memory_space<hbm>>) target(%dma_start3A_44 : memref<128xf32, #tpu.memory_space<vmem>>) offsets(%dma_start3A_47 : memref<128xi32, #tpu.memory_space<vmem>>) semaphore(%arg20 : memref<!tpu.dma_semaphore, #tpu.memory_space<semaphore_mem>>)
      %dma_start3A_50 = arith.constant 0 : i32
      %dma_start3A_51 = arith.constant 0 : i32
      %dma_start3A_52 = tpu.memref_slice %arg16[%dma_start3A_51] : memref<1024xf32, #tpu.memory_space<vmem>> -> memref<128xf32, #tpu.memory_space<vmem>>
      %dma_start3A_53 = arith.constant 0 : i32
      %dma_start3A_54 = tpu.memref_slice %arg14[%dma_start3A_50, %dma_start3A_53] : memref<8x128xi32, #tpu.memory_space<vmem>> -> memref<1x128xi32, #tpu.memory_space<vmem>>
      %dma_start3A_55 = tpu.memref_squeeze %dma_start3A_54 : memref<1x128xi32, #tpu.memory_space<vmem>> -> memref<128xi32, #tpu.memory_space<vmem>>
      %dma_start3A_56 = arith.constant 0 : i32
      %dma_start3A_57 = tpu.memref_slice %arg4[%dma_start3A_56] : memref<10016xf32, #tpu.memory_space<hbm>> -> memref<10016xf32, #tpu.memory_space<hbm>>
      tpu.enqueue_indirect_dma source(%dma_start3A_57 : memref<10016xf32, #tpu.memory_space<hbm>>) target(%dma_start3A_52 : memref<128xf32, #tpu.memory_space<vmem>>) offsets(%dma_start3A_55 : memref<128xi32, #tpu.memory_space<vmem>>) semaphore(%arg20 : memref<!tpu.dma_semaphore, #tpu.memory_space<semaphore_mem>>)
      %dma_start3A_58 = arith.constant 1 : i32
      %dma_start3A_59 = arith.constant 128 : i32
      %dma_start3A_60 = tpu.memref_slice %arg15[%dma_start3A_59] : memref<1024xf32, #tpu.memory_space<vmem>> -> memref<128xf32, #tpu.memory_space<vmem>>
      %dma_start3A_61 = arith.constant 0 : i32
      %dma_start3A_62 = tpu.memref_slice %arg13[%dma_start3A_58, %dma_start3A_61] : memref<8x128xi32, #tpu.memory_space<vmem>> -> memref<1x128xi32, #tpu.memory_space<vmem>>
      %dma_start3A_63 = tpu.memref_squeeze %dma_start3A_62 : memref<1x128xi32, #tpu.memory_space<vmem>> -> memref<128xi32, #tpu.memory_space<vmem>>
      %dma_start3A_64 = arith.constant 0 : i32
      %dma_start3A_65 = tpu.memref_slice %arg3[%dma_start3A_64] : memref<10000xf32, #tpu.memory_space<hbm>> -> memref<10000xf32, #tpu.memory_space<hbm>>
      tpu.enqueue_indirect_dma source(%dma_start3A_65 : memref<10000xf32, #tpu.memory_space<hbm>>) target(%dma_start3A_60 : memref<128xf32, #tpu.memory_space<vmem>>) offsets(%dma_start3A_63 : memref<128xi32, #tpu.memory_space<vmem>>) semaphore(%arg20 : memref<!tpu.dma_semaphore, #tpu.memory_space<semaphore_mem>>)
      %dma_start3A_66 = arith.constant 1 : i32
      %dma_start3A_67 = arith.constant 128 : i32
      %dma_start3A_68 = tpu.memref_slice %arg16[%dma_start3A_67] : memref<1024xf32, #tpu.memory_space<vmem>> -> memref<128xf32, #tpu.memory_space<vmem>>
      %dma_start3A_69 = arith.constant 0 : i32
      %dma_start3A_70 = tpu.memref_slice %arg14[%dma_start3A_66, %dma_start3A_69] : memref<8x128xi32, #tpu.memory_space<vmem>> -> memref<1x128xi32, #tpu.memory_space<vmem>>
      %dma_start3A_71 = tpu.memref_squeeze %dma_start3A_70 : memref<1x128xi32, #tpu.memory_space<vmem>> -> memref<128xi32, #tpu.memory_space<vmem>>
      %dma_start3A_72 = arith.constant 0 : i32
      %dma_start3A_73 = tpu.memref_slice %arg4[%dma_start3A_72] : memref<10016xf32, #tpu.memory_space<hbm>> -> memref<10016xf32, #tpu.memory_space<hbm>>
      tpu.enqueue_indirect_dma source(%dma_start3A_73 : memref<10016xf32, #tpu.memory_space<hbm>>) target(%dma_start3A_68 : memref<128xf32, #tpu.memory_space<vmem>>) offsets(%dma_start3A_71 : memref<128xi32, #tpu.memory_space<vmem>>) semaphore(%arg20 : memref<!tpu.dma_semaphore, #tpu.memory_space<semaphore_mem>>)
      %dma_start3A_74 = arith.constant 2 : i32
      %dma_start3A_75 = arith.constant 256 : i32
      %dma_start3A_76 = tpu.memref_slice %arg15[%dma_start3A_75] : memref<1024xf32, #tpu.memory_space<vmem>> -> memref<128xf32, #tpu.memory_space<vmem>>
      %dma_start3A_77 = arith.constant 0 : i32
      %dma_start3A_78 = tpu.memref_slice %arg13[%dma_start3A_74, %dma_start3A_77] : memref<8x128xi32, #tpu.memory_space<vmem>> -> memref<1x128xi32, #tpu.memory_space<vmem>>
      %dma_start3A_79 = tpu.memref_squeeze %dma_start3A_78 : memref<1x128xi32, #tpu.memory_space<vmem>> -> memref<128xi32, #tpu.memory_space<vmem>>
      %dma_start3A_80 = arith.constant 0 : i32
      %dma_start3A_81 = tpu.memref_slice %arg3[%dma_start3A_80] : memref<10000xf32, #tpu.memory_space<hbm>> -> memref<10000xf32, #tpu.memory_space<hbm>>
      tpu.enqueue_indirect_dma source(%dma_start3A_81 : memref<10000xf32, #tpu.memory_space<hbm>>) target(%dma_start3A_76 : memref<128xf32, #tpu.memory_space<vmem>>) offsets(%dma_start3A_79 : memref<128xi32, #tpu.memory_space<vmem>>) semaphore(%arg20 : memref<!tpu.dma_semaphore, #tpu.memory_space<semaphore_mem>>)
      %dma_start3A_82 = arith.constant 2 : i32
      %dma_start3A_83 = arith.constant 256 : i32
      %dma_start3A_84 = tpu.memref_slice %arg16[%dma_start3A_83] : memref<1024xf32, #tpu.memory_space<vmem>> -> memref<128xf32, #tpu.memory_space<vmem>>
      %dma_start3A_85 = arith.constant 0 : i32
      %dma_start3A_86 = tpu.memref_slice %arg14[%dma_start3A_82, %dma_start3A_85] : memref<8x128xi32, #tpu.memory_space<vmem>> -> memref<1x128xi32, #tpu.memory_space<vmem>>
      %dma_start3A_87 = tpu.memref_squeeze %dma_start3A_86 : memref<1x128xi32, #tpu.memory_space<vmem>> -> memref<128xi32, #tpu.memory_space<vmem>>
      %dma_start3A_88 = arith.constant 0 : i32
      %dma_start3A_89 = tpu.memref_slice %arg4[%dma_start3A_88] : memref<10016xf32, #tpu.memory_space<hbm>> -> memref<10016xf32, #tpu.memory_space<hbm>>
      tpu.enqueue_indirect_dma source(%dma_start3A_89 : memref<10016xf32, #tpu.memory_space<hbm>>) target(%dma_start3A_84 : memref<128xf32, #tpu.memory_space<vmem>>) offsets(%dma_start3A_87 : memref<128xi32, #tpu.memory_space<vmem>>) semaphore(%arg20 : memref<!tpu.dma_semaphore, #tpu.memory_space<semaphore_mem>>)
      %dma_start3A_90 = arith.constant 3 : i32
      %dma_start3A_91 = arith.constant 384 : i32
      %dma_start3A_92 = tpu.memref_slice %arg15[%dma_start3A_91] : memref<1024xf32, #tpu.memory_space<vmem>> -> memref<128xf32, #tpu.memory_space<vmem>>
      %dma_start3A_93 = arith.constant 0 : i32
      %dma_start3A_94 = tpu.memref_slice %arg13[%dma_start3A_90, %dma_start3A_93] : memref<8x128xi32, #tpu.memory_space<vmem>> -> memref<1x128xi32, #tpu.memory_space<vmem>>
      %dma_start3A_95 = tpu.memref_squeeze %dma_start3A_94 : memref<1x128xi32, #tpu.memory_space<vmem>> -> memref<128xi32, #tpu.memory_space<vmem>>
      %dma_start3A_96 = arith.constant 0 : i32
      %dma_start3A_97 = tpu.memref_slice %arg3[%dma_start3A_96] : memref<10000xf32, #tpu.memory_space<hbm>> -> memref<10000xf32, #tpu.memory_space<hbm>>
      tpu.enqueue_indirect_dma source(%dma_start3A_97 : memref<10000xf32, #tpu.memory_space<hbm>>) target(%dma_start3A_92 : memref<128xf32, #tpu.memory_space<vmem>>) offsets(%dma_start3A_95 : memref<128xi32, #tpu.memory_space<vmem>>) semaphore(%arg20 : memref<!tpu.dma_semaphore, #tpu.memory_space<semaphore_mem>>)
      %dma_start3A_98 = arith.constant 3 : i32
      %dma_start3A_99 = arith.constant 384 : i32
      %dma_start3A_100 = tpu.memref_slice %arg16[%dma_start3A_99] : memref<1024xf32, #tpu.memory_space<vmem>> -> memref<128xf32, #tpu.memory_space<vmem>>
      %dma_start3A_101 = arith.constant 0 : i32
      %dma_start3A_102 = tpu.memref_slice %arg14[%dma_start3A_98, %dma_start3A_101] : memref<8x128xi32, #tpu.memory_space<vmem>> -> memref<1x128xi32, #tpu.memory_space<vmem>>
      %dma_start3A_103 = tpu.memref_squeeze %dma_start3A_102 : memref<1x128xi32, #tpu.memory_space<vmem>> -> memref<128xi32, #tpu.memory_space<vmem>>
      %dma_start3A_104 = arith.constant 0 : i32
      %dma_start3A_105 = tpu.memref_slice %arg4[%dma_start3A_104] : memref<10016xf32, #tpu.memory_space<hbm>> -> memref<10016xf32, #tpu.memory_space<hbm>>
      tpu.enqueue_indirect_dma source(%dma_start3A_105 : memref<10016xf32, #tpu.memory_space<hbm>>) target(%dma_start3A_100 : memref<128xf32, #tpu.memory_space<vmem>>) offsets(%dma_start3A_103 : memref<128xi32, #tpu.memory_space<vmem>>) semaphore(%arg20 : memref<!tpu.dma_semaphore, #tpu.memory_space<semaphore_mem>>)
      %dma_start3A_106 = arith.constant 4 : i32
      %dma_start3A_107 = arith.constant 512 : i32
      %dma_start3A_108 = tpu.memref_slice %arg15[%dma_start3A_107] : memref<1024xf32, #tpu.memory_space<vmem>> -> memref<128xf32, #tpu.memory_space<vmem>>
      %dma_start3A_109 = arith.constant 0 : i32
      %dma_start3A_110 = tpu.memref_slice %arg13[%dma_start3A_106, %dma_start3A_109] : memref<8x128xi32, #tpu.memory_space<vmem>> -> memref<1x128xi32, #tpu.memory_space<vmem>>
      %dma_start3A_111 = tpu.memref_squeeze %dma_start3A_110 : memref<1x128xi32, #tpu.memory_space<vmem>> -> memref<128xi32, #tpu.memory_space<vmem>>
      %dma_start3A_112 = arith.constant 0 : i32
      %dma_start3A_113 = tpu.memref_slice %arg3[%dma_start3A_112] : memref<10000xf32, #tpu.memory_space<hbm>> -> memref<10000xf32, #tpu.memory_space<hbm>>
      tpu.enqueue_indirect_dma source(%dma_start3A_113 : memref<10000xf32, #tpu.memory_space<hbm>>) target(%dma_start3A_108 : memref<128xf32, #tpu.memory_space<vmem>>) offsets(%dma_start3A_111 : memref<128xi32, #tpu.memory_space<vmem>>) semaphore(%arg20 : memref<!tpu.dma_semaphore, #tpu.memory_space<semaphore_mem>>)
      %dma_start3A_114 = arith.constant 4 : i32
      %dma_start3A_115 = arith.constant 512 : i32
      %dma_start3A_116 = tpu.memref_slice %arg16[%dma_start3A_115] : memref<1024xf32, #tpu.memory_space<vmem>> -> memref<128xf32, #tpu.memory_space<vmem>>
      %dma_start3A_117 = arith.constant 0 : i32
      %dma_start3A_118 = tpu.memref_slice %arg14[%dma_start3A_114, %dma_start3A_117] : memref<8x128xi32, #tpu.memory_space<vmem>> -> memref<1x128xi32, #tpu.memory_space<vmem>>
      %dma_start3A_119 = tpu.memref_squeeze %dma_start3A_118 : memref<1x128xi32, #tpu.memory_space<vmem>> -> memref<128xi32, #tpu.memory_space<vmem>>
      %dma_start3A_120 = arith.constant 0 : i32
      %dma_start3A_121 = tpu.memref_slice %arg4[%dma_start3A_120] : memref<10016xf32, #tpu.memory_space<hbm>> -> memref<10016xf32, #tpu.memory_space<hbm>>
      tpu.enqueue_indirect_dma source(%dma_start3A_121 : memref<10016xf32, #tpu.memory_space<hbm>>) target(%dma_start3A_116 : memref<128xf32, #tpu.memory_space<vmem>>) offsets(%dma_start3A_119 : memref<128xi32, #tpu.memory_space<vmem>>) semaphore(%arg20 : memref<!tpu.dma_semaphore, #tpu.memory_space<semaphore_mem>>)
      %dma_start3A_122 = arith.constant 5 : i32
      %dma_start3A_123 = arith.constant 640 : i32
      %dma_start3A_124 = tpu.memref_slice %arg15[%dma_start3A_123] : memref<1024xf32, #tpu.memory_space<vmem>> -> memref<128xf32, #tpu.memory_space<vmem>>
      %dma_start3A_125 = arith.constant 0 : i32
      %dma_start3A_126 = tpu.memref_slice %arg13[%dma_start3A_122, %dma_start3A_125] : memref<8x128xi32, #tpu.memory_space<vmem>> -> memref<1x128xi32, #tpu.memory_space<vmem>>
      %dma_start3A_127 = tpu.memref_squeeze %dma_start3A_126 : memref<1x128xi32, #tpu.memory_space<vmem>> -> memref<128xi32, #tpu.memory_space<vmem>>
      %dma_start3A_128 = arith.constant 0 : i32
      %dma_start3A_129 = tpu.memref_slice %arg3[%dma_start3A_128] : memref<10000xf32, #tpu.memory_space<hbm>> -> memref<10000xf32, #tpu.memory_space<hbm>>
      tpu.enqueue_indirect_dma source(%dma_start3A_129 : memref<10000xf32, #tpu.memory_space<hbm>>) target(%dma_start3A_124 : memref<128xf32, #tpu.memory_space<vmem>>) offsets(%dma_start3A_127 : memref<128xi32, #tpu.memory_space<vmem>>) semaphore(%arg20 : memref<!tpu.dma_semaphore, #tpu.memory_space<semaphore_mem>>)
      %dma_start3A_130 = arith.constant 5 : i32
      %dma_start3A_131 = arith.constant 640 : i32
      %dma_start3A_132 = tpu.memref_slice %arg16[%dma_start3A_131] : memref<1024xf32, #tpu.memory_space<vmem>> -> memref<128xf32, #tpu.memory_space<vmem>>
      %dma_start3A_133 = arith.constant 0 : i32
      %dma_start3A_134 = tpu.memref_slice %arg14[%dma_start3A_130, %dma_start3A_133] : memref<8x128xi32, #tpu.memory_space<vmem>> -> memref<1x128xi32, #tpu.memory_space<vmem>>
      %dma_start3A_135 = tpu.memref_squeeze %dma_start3A_134 : memref<1x128xi32, #tpu.memory_space<vmem>> -> memref<128xi32, #tpu.memory_space<vmem>>
      %dma_start3A_136 = arith.constant 0 : i32
      %dma_start3A_137 = tpu.memref_slice %arg4[%dma_start3A_136] : memref<10016xf32, #tpu.memory_space<hbm>> -> memref<10016xf32, #tpu.memory_space<hbm>>
      tpu.enqueue_indirect_dma source(%dma_start3A_137 : memref<10016xf32, #tpu.memory_space<hbm>>) target(%dma_start3A_132 : memref<128xf32, #tpu.memory_space<vmem>>) offsets(%dma_start3A_135 : memref<128xi32, #tpu.memory_space<vmem>>) semaphore(%arg20 : memref<!tpu.dma_semaphore, #tpu.memory_space<semaphore_mem>>)
      %dma_start3A_138 = arith.constant 6 : i32
      %dma_start3A_139 = arith.constant 768 : i32
      %dma_start3A_140 = tpu.memref_slice %arg15[%dma_start3A_139] : memref<1024xf32, #tpu.memory_space<vmem>> -> memref<128xf32, #tpu.memory_space<vmem>>
      %dma_start3A_141 = arith.constant 0 : i32
      %dma_start3A_142 = tpu.memref_slice %arg13[%dma_start3A_138, %dma_start3A_141] : memref<8x128xi32, #tpu.memory_space<vmem>> -> memref<1x128xi32, #tpu.memory_space<vmem>>
      %dma_start3A_143 = tpu.memref_squeeze %dma_start3A_142 : memref<1x128xi32, #tpu.memory_space<vmem>> -> memref<128xi32, #tpu.memory_space<vmem>>
      %dma_start3A_144 = arith.constant 0 : i32
      %dma_start3A_145 = tpu.memref_slice %arg3[%dma_start3A_144] : memref<10000xf32, #tpu.memory_space<hbm>> -> memref<10000xf32, #tpu.memory_space<hbm>>
      tpu.enqueue_indirect_dma source(%dma_start3A_145 : memref<10000xf32, #tpu.memory_space<hbm>>) target(%dma_start3A_140 : memref<128xf32, #tpu.memory_space<vmem>>) offsets(%dma_start3A_143 : memref<128xi32, #tpu.memory_space<vmem>>) semaphore(%arg20 : memref<!tpu.dma_semaphore, #tpu.memory_space<semaphore_mem>>)
      %dma_start3A_146 = arith.constant 6 : i32
      %dma_start3A_147 = arith.constant 768 : i32
      %dma_start3A_148 = tpu.memref_slice %arg16[%dma_start3A_147] : memref<1024xf32, #tpu.memory_space<vmem>> -> memref<128xf32, #tpu.memory_space<vmem>>
      %dma_start3A_149 = arith.constant 0 : i32
      %dma_start3A_150 = tpu.memref_slice %arg14[%dma_start3A_146, %dma_start3A_149] : memref<8x128xi32, #tpu.memory_space<vmem>> -> memref<1x128xi32, #tpu.memory_space<vmem>>
      %dma_start3A_151 = tpu.memref_squeeze %dma_start3A_150 : memref<1x128xi32, #tpu.memory_space<vmem>> -> memref<128xi32, #tpu.memory_space<vmem>>
      %dma_start3A_152 = arith.constant 0 : i32
      %dma_start3A_153 = tpu.memref_slice %arg4[%dma_start3A_152] : memref<10016xf32, #tpu.memory_space<hbm>> -> memref<10016xf32, #tpu.memory_space<hbm>>
      tpu.enqueue_indirect_dma source(%dma_start3A_153 : memref<10016xf32, #tpu.memory_space<hbm>>) target(%dma_start3A_148 : memref<128xf32, #tpu.memory_space<vmem>>) offsets(%dma_start3A_151 : memref<128xi32, #tpu.memory_space<vmem>>) semaphore(%arg20 : memref<!tpu.dma_semaphore, #tpu.memory_space<semaphore_mem>>)
      %dma_start3A_154 = arith.constant 7 : i32
      %dma_start3A_155 = arith.constant 896 : i32
      %dma_start3A_156 = tpu.memref_slice %arg15[%dma_start3A_155] : memref<1024xf32, #tpu.memory_space<vmem>> -> memref<128xf32, #tpu.memory_space<vmem>>
      %dma_start3A_157 = arith.constant 0 : i32
      %dma_start3A_158 = tpu.memref_slice %arg13[%dma_start3A_154, %dma_start3A_157] : memref<8x128xi32, #tpu.memory_space<vmem>> -> memref<1x128xi32, #tpu.memory_space<vmem>>
      %dma_start3A_159 = tpu.memref_squeeze %dma_start3A_158 : memref<1x128xi32, #tpu.memory_space<vmem>> -> memref<128xi32, #tpu.memory_space<vmem>>
      %dma_start3A_160 = arith.constant 0 : i32
      %dma_start3A_161 = tpu.memref_slice %arg3[%dma_start3A_160] : memref<10000xf32, #tpu.memory_space<hbm>> -> memref<10000xf32, #tpu.memory_space<hbm>>
      tpu.enqueue_indirect_dma source(%dma_start3A_161 : memref<10000xf32, #tpu.memory_space<hbm>>) target(%dma_start3A_156 : memref<128xf32, #tpu.memory_space<vmem>>) offsets(%dma_start3A_159 : memref<128xi32, #tpu.memory_space<vmem>>) semaphore(%arg20 : memref<!tpu.dma_semaphore, #tpu.memory_space<semaphore_mem>>)
      %dma_start3A_162 = arith.constant 7 : i32
      %dma_start3A_163 = arith.constant 896 : i32
      %dma_start3A_164 = tpu.memref_slice %arg16[%dma_start3A_163] : memref<1024xf32, #tpu.memory_space<vmem>> -> memref<128xf32, #tpu.memory_space<vmem>>
      %dma_start3A_165 = arith.constant 0 : i32
      %dma_start3A_166 = tpu.memref_slice %arg14[%dma_start3A_162, %dma_start3A_165] : memref<8x128xi32, #tpu.memory_space<vmem>> -> memref<1x128xi32, #tpu.memory_space<vmem>>
      %dma_start3A_167 = tpu.memref_squeeze %dma_start3A_166 : memref<1x128xi32, #tpu.memory_space<vmem>> -> memref<128xi32, #tpu.memory_space<vmem>>
      %dma_start3A_168 = arith.constant 0 : i32
      %dma_start3A_169 = tpu.memref_slice %arg4[%dma_start3A_168] : memref<10016xf32, #tpu.memory_space<hbm>> -> memref<10016xf32, #tpu.memory_space<hbm>>
      tpu.enqueue_indirect_dma source(%dma_start3A_169 : memref<10016xf32, #tpu.memory_space<hbm>>) target(%dma_start3A_164 : memref<128xf32, #tpu.memory_space<vmem>>) offsets(%dma_start3A_167 : memref<128xi32, #tpu.memory_space<vmem>>) semaphore(%arg20 : memref<!tpu.dma_semaphore, #tpu.memory_space<semaphore_mem>>)
      %dma_wait3A = arith.constant 0 : i32
      %dma_wait3A_170 = arith.constant 0 : i32
      %dma_wait3A_171 = tpu.memref_slice %arg15[%dma_wait3A_170] : memref<1024xf32, #tpu.memory_space<vmem>> -> memref<128xf32, #tpu.memory_space<vmem>>
      %dma_wait3A_172 = arith.constant 0 : i32
      %dma_wait3A_173 = tpu.memref_slice %arg13[%dma_wait3A, %dma_wait3A_172] : memref<8x128xi32, #tpu.memory_space<vmem>> -> memref<1x128xi32, #tpu.memory_space<vmem>>
      %dma_wait3A_174 = tpu.memref_squeeze %dma_wait3A_173 : memref<1x128xi32, #tpu.memory_space<vmem>> -> memref<128xi32, #tpu.memory_space<vmem>>
      %dma_wait3A_175 = arith.constant 0 : i32
      %dma_wait3A_176 = tpu.memref_slice %arg3[%dma_wait3A_175] : memref<10000xf32, #tpu.memory_space<hbm>> -> memref<10000xf32, #tpu.memory_space<hbm>>
      tpu.wait_indirect_dma semaphore(%arg20 : memref<!tpu.dma_semaphore, #tpu.memory_space<semaphore_mem>>) src(%dma_wait3A_176 : memref<10000xf32, #tpu.memory_space<hbm>>) dst(%dma_wait3A_171 : memref<128xf32, #tpu.memory_space<vmem>>)
      %dma_wait3A_177 = arith.constant 0 : i32
      %dma_wait3A_178 = arith.constant 0 : i32
      %dma_wait3A_179 = tpu.memref_slice %arg16[%dma_wait3A_178] : memref<1024xf32, #tpu.memory_space<vmem>> -> memref<128xf32, #tpu.memory_space<vmem>>
      %dma_wait3A_180 = arith.constant 0 : i32
      %dma_wait3A_181 = tpu.memref_slice %arg14[%dma_wait3A_177, %dma_wait3A_180] : memref<8x128xi32, #tpu.memory_space<vmem>> -> memref<1x128xi32, #tpu.memory_space<vmem>>
      %dma_wait3A_182 = tpu.memref_squeeze %dma_wait3A_181 : memref<1x128xi32, #tpu.memory_space<vmem>> -> memref<128xi32, #tpu.memory_space<vmem>>
      %dma_wait3A_183 = arith.constant 0 : i32
      %dma_wait3A_184 = tpu.memref_slice %arg4[%dma_wait3A_183] : memref<10016xf32, #tpu.memory_space<hbm>> -> memref<10016xf32, #tpu.memory_space<hbm>>
      tpu.wait_indirect_dma semaphore(%arg20 : memref<!tpu.dma_semaphore, #tpu.memory_space<semaphore_mem>>) src(%dma_wait3A_184 : memref<10016xf32, #tpu.memory_space<hbm>>) dst(%dma_wait3A_179 : memref<128xf32, #tpu.memory_space<vmem>>)
      %dma_wait3A_185 = arith.constant 1 : i32
      %dma_wait3A_186 = arith.constant 128 : i32
      %dma_wait3A_187 = tpu.memref_slice %arg15[%dma_wait3A_186] : memref<1024xf32, #tpu.memory_space<vmem>> -> memref<128xf32, #tpu.memory_space<vmem>>
      %dma_wait3A_188 = arith.constant 0 : i32
      %dma_wait3A_189 = tpu.memref_slice %arg13[%dma_wait3A_185, %dma_wait3A_188] : memref<8x128xi32, #tpu.memory_space<vmem>> -> memref<1x128xi32, #tpu.memory_space<vmem>>
      %dma_wait3A_190 = tpu.memref_squeeze %dma_wait3A_189 : memref<1x128xi32, #tpu.memory_space<vmem>> -> memref<128xi32, #tpu.memory_space<vmem>>
      %dma_wait3A_191 = arith.constant 0 : i32
      %dma_wait3A_192 = tpu.memref_slice %arg3[%dma_wait3A_191] : memref<10000xf32, #tpu.memory_space<hbm>> -> memref<10000xf32, #tpu.memory_space<hbm>>
      tpu.wait_indirect_dma semaphore(%arg20 : memref<!tpu.dma_semaphore, #tpu.memory_space<semaphore_mem>>) src(%dma_wait3A_192 : memref<10000xf32, #tpu.memory_space<hbm>>) dst(%dma_wait3A_187 : memref<128xf32, #tpu.memory_space<vmem>>)
      %dma_wait3A_193 = arith.constant 1 : i32
      %dma_wait3A_194 = arith.constant 128 : i32
      %dma_wait3A_195 = tpu.memref_slice %arg16[%dma_wait3A_194] : memref<1024xf32, #tpu.memory_space<vmem>> -> memref<128xf32, #tpu.memory_space<vmem>>
      %dma_wait3A_196 = arith.constant 0 : i32
      %dma_wait3A_197 = tpu.memref_slice %arg14[%dma_wait3A_193, %dma_wait3A_196] : memref<8x128xi32, #tpu.memory_space<vmem>> -> memref<1x128xi32, #tpu.memory_space<vmem>>
      %dma_wait3A_198 = tpu.memref_squeeze %dma_wait3A_197 : memref<1x128xi32, #tpu.memory_space<vmem>> -> memref<128xi32, #tpu.memory_space<vmem>>
      %dma_wait3A_199 = arith.constant 0 : i32
      %dma_wait3A_200 = tpu.memref_slice %arg4[%dma_wait3A_199] : memref<10016xf32, #tpu.memory_space<hbm>> -> memref<10016xf32, #tpu.memory_space<hbm>>
      tpu.wait_indirect_dma semaphore(%arg20 : memref<!tpu.dma_semaphore, #tpu.memory_space<semaphore_mem>>) src(%dma_wait3A_200 : memref<10016xf32, #tpu.memory_space<hbm>>) dst(%dma_wait3A_195 : memref<128xf32, #tpu.memory_space<vmem>>)
      %dma_wait3A_201 = arith.constant 2 : i32
      %dma_wait3A_202 = arith.constant 256 : i32
      %dma_wait3A_203 = tpu.memref_slice %arg15[%dma_wait3A_202] : memref<1024xf32, #tpu.memory_space<vmem>> -> memref<128xf32, #tpu.memory_space<vmem>>
      %dma_wait3A_204 = arith.constant 0 : i32
      %dma_wait3A_205 = tpu.memref_slice %arg13[%dma_wait3A_201, %dma_wait3A_204] : memref<8x128xi32, #tpu.memory_space<vmem>> -> memref<1x128xi32, #tpu.memory_space<vmem>>
      %dma_wait3A_206 = tpu.memref_squeeze %dma_wait3A_205 : memref<1x128xi32, #tpu.memory_space<vmem>> -> memref<128xi32, #tpu.memory_space<vmem>>
      %dma_wait3A_207 = arith.constant 0 : i32
      %dma_wait3A_208 = tpu.memref_slice %arg3[%dma_wait3A_207] : memref<10000xf32, #tpu.memory_space<hbm>> -> memref<10000xf32, #tpu.memory_space<hbm>>
      tpu.wait_indirect_dma semaphore(%arg20 : memref<!tpu.dma_semaphore, #tpu.memory_space<semaphore_mem>>) src(%dma_wait3A_208 : memref<10000xf32, #tpu.memory_space<hbm>>) dst(%dma_wait3A_203 : memref<128xf32, #tpu.memory_space<vmem>>)
      %dma_wait3A_209 = arith.constant 2 : i32
      %dma_wait3A_210 = arith.constant 256 : i32
      %dma_wait3A_211 = tpu.memref_slice %arg16[%dma_wait3A_210] : memref<1024xf32, #tpu.memory_space<vmem>> -> memref<128xf32, #tpu.memory_space<vmem>>
      %dma_wait3A_212 = arith.constant 0 : i32
      %dma_wait3A_213 = tpu.memref_slice %arg14[%dma_wait3A_209, %dma_wait3A_212] : memref<8x128xi32, #tpu.memory_space<vmem>> -> memref<1x128xi32, #tpu.memory_space<vmem>>
      %dma_wait3A_214 = tpu.memref_squeeze %dma_wait3A_213 : memref<1x128xi32, #tpu.memory_space<vmem>> -> memref<128xi32, #tpu.memory_space<vmem>>
      %dma_wait3A_215 = arith.constant 0 : i32
      %dma_wait3A_216 = tpu.memref_slice %arg4[%dma_wait3A_215] : memref<10016xf32, #tpu.memory_space<hbm>> -> memref<10016xf32, #tpu.memory_space<hbm>>
      tpu.wait_indirect_dma semaphore(%arg20 : memref<!tpu.dma_semaphore, #tpu.memory_space<semaphore_mem>>) src(%dma_wait3A_216 : memref<10016xf32, #tpu.memory_space<hbm>>) dst(%dma_wait3A_211 : memref<128xf32, #tpu.memory_space<vmem>>)
      %dma_wait3A_217 = arith.constant 3 : i32
      %dma_wait3A_218 = arith.constant 384 : i32
      %dma_wait3A_219 = tpu.memref_slice %arg15[%dma_wait3A_218] : memref<1024xf32, #tpu.memory_space<vmem>> -> memref<128xf32, #tpu.memory_space<vmem>>
      %dma_wait3A_220 = arith.constant 0 : i32
      %dma_wait3A_221 = tpu.memref_slice %arg13[%dma_wait3A_217, %dma_wait3A_220] : memref<8x128xi32, #tpu.memory_space<vmem>> -> memref<1x128xi32, #tpu.memory_space<vmem>>
      %dma_wait3A_222 = tpu.memref_squeeze %dma_wait3A_221 : memref<1x128xi32, #tpu.memory_space<vmem>> -> memref<128xi32, #tpu.memory_space<vmem>>
      %dma_wait3A_223 = arith.constant 0 : i32
      %dma_wait3A_224 = tpu.memref_slice %arg3[%dma_wait3A_223] : memref<10000xf32, #tpu.memory_space<hbm>> -> memref<10000xf32, #tpu.memory_space<hbm>>
      tpu.wait_indirect_dma semaphore(%arg20 : memref<!tpu.dma_semaphore, #tpu.memory_space<semaphore_mem>>) src(%dma_wait3A_224 : memref<10000xf32, #tpu.memory_space<hbm>>) dst(%dma_wait3A_219 : memref<128xf32, #tpu.memory_space<vmem>>)
      %dma_wait3A_225 = arith.constant 3 : i32
      %dma_wait3A_226 = arith.constant 384 : i32
      %dma_wait3A_227 = tpu.memref_slice %arg16[%dma_wait3A_226] : memref<1024xf32, #tpu.memory_space<vmem>> -> memref<128xf32, #tpu.memory_space<vmem>>
      %dma_wait3A_228 = arith.constant 0 : i32
      %dma_wait3A_229 = tpu.memref_slice %arg14[%dma_wait3A_225, %dma_wait3A_228] : memref<8x128xi32, #tpu.memory_space<vmem>> -> memref<1x128xi32, #tpu.memory_space<vmem>>
      %dma_wait3A_230 = tpu.memref_squeeze %dma_wait3A_229 : memref<1x128xi32, #tpu.memory_space<vmem>> -> memref<128xi32, #tpu.memory_space<vmem>>
      %dma_wait3A_231 = arith.constant 0 : i32
      %dma_wait3A_232 = tpu.memref_slice %arg4[%dma_wait3A_231] : memref<10016xf32, #tpu.memory_space<hbm>> -> memref<10016xf32, #tpu.memory_space<hbm>>
      tpu.wait_indirect_dma semaphore(%arg20 : memref<!tpu.dma_semaphore, #tpu.memory_space<semaphore_mem>>) src(%dma_wait3A_232 : memref<10016xf32, #tpu.memory_space<hbm>>) dst(%dma_wait3A_227 : memref<128xf32, #tpu.memory_space<vmem>>)
      %dma_wait3A_233 = arith.constant 4 : i32
      %dma_wait3A_234 = arith.constant 512 : i32
      %dma_wait3A_235 = tpu.memref_slice %arg15[%dma_wait3A_234] : memref<1024xf32, #tpu.memory_space<vmem>> -> memref<128xf32, #tpu.memory_space<vmem>>
      %dma_wait3A_236 = arith.constant 0 : i32
      %dma_wait3A_237 = tpu.memref_slice %arg13[%dma_wait3A_233, %dma_wait3A_236] : memref<8x128xi32, #tpu.memory_space<vmem>> -> memref<1x128xi32, #tpu.memory_space<vmem>>
      %dma_wait3A_238 = tpu.memref_squeeze %dma_wait3A_237 : memref<1x128xi32, #tpu.memory_space<vmem>> -> memref<128xi32, #tpu.memory_space<vmem>>
      %dma_wait3A_239 = arith.constant 0 : i32
      %dma_wait3A_240 = tpu.memref_slice %arg3[%dma_wait3A_239] : memref<10000xf32, #tpu.memory_space<hbm>> -> memref<10000xf32, #tpu.memory_space<hbm>>
      tpu.wait_indirect_dma semaphore(%arg20 : memref<!tpu.dma_semaphore, #tpu.memory_space<semaphore_mem>>) src(%dma_wait3A_240 : memref<10000xf32, #tpu.memory_space<hbm>>) dst(%dma_wait3A_235 : memref<128xf32, #tpu.memory_space<vmem>>)
      %dma_wait3A_241 = arith.constant 4 : i32
      %dma_wait3A_242 = arith.constant 512 : i32
      %dma_wait3A_243 = tpu.memref_slice %arg16[%dma_wait3A_242] : memref<1024xf32, #tpu.memory_space<vmem>> -> memref<128xf32, #tpu.memory_space<vmem>>
      %dma_wait3A_244 = arith.constant 0 : i32
      %dma_wait3A_245 = tpu.memref_slice %arg14[%dma_wait3A_241, %dma_wait3A_244] : memref<8x128xi32, #tpu.memory_space<vmem>> -> memref<1x128xi32, #tpu.memory_space<vmem>>
      %dma_wait3A_246 = tpu.memref_squeeze %dma_wait3A_245 : memref<1x128xi32, #tpu.memory_space<vmem>> -> memref<128xi32, #tpu.memory_space<vmem>>
      %dma_wait3A_247 = arith.constant 0 : i32
      %dma_wait3A_248 = tpu.memref_slice %arg4[%dma_wait3A_247] : memref<10016xf32, #tpu.memory_space<hbm>> -> memref<10016xf32, #tpu.memory_space<hbm>>
      tpu.wait_indirect_dma semaphore(%arg20 : memref<!tpu.dma_semaphore, #tpu.memory_space<semaphore_mem>>) src(%dma_wait3A_248 : memref<10016xf32, #tpu.memory_space<hbm>>) dst(%dma_wait3A_243 : memref<128xf32, #tpu.memory_space<vmem>>)
      %dma_wait3A_249 = arith.constant 5 : i32
      %dma_wait3A_250 = arith.constant 640 : i32
      %dma_wait3A_251 = tpu.memref_slice %arg15[%dma_wait3A_250] : memref<1024xf32, #tpu.memory_space<vmem>> -> memref<128xf32, #tpu.memory_space<vmem>>
      %dma_wait3A_252 = arith.constant 0 : i32
      %dma_wait3A_253 = tpu.memref_slice %arg13[%dma_wait3A_249, %dma_wait3A_252] : memref<8x128xi32, #tpu.memory_space<vmem>> -> memref<1x128xi32, #tpu.memory_space<vmem>>
      %dma_wait3A_254 = tpu.memref_squeeze %dma_wait3A_253 : memref<1x128xi32, #tpu.memory_space<vmem>> -> memref<128xi32, #tpu.memory_space<vmem>>
      %dma_wait3A_255 = arith.constant 0 : i32
      %dma_wait3A_256 = tpu.memref_slice %arg3[%dma_wait3A_255] : memref<10000xf32, #tpu.memory_space<hbm>> -> memref<10000xf32, #tpu.memory_space<hbm>>
      tpu.wait_indirect_dma semaphore(%arg20 : memref<!tpu.dma_semaphore, #tpu.memory_space<semaphore_mem>>) src(%dma_wait3A_256 : memref<10000xf32, #tpu.memory_space<hbm>>) dst(%dma_wait3A_251 : memref<128xf32, #tpu.memory_space<vmem>>)
      %dma_wait3A_257 = arith.constant 5 : i32
      %dma_wait3A_258 = arith.constant 640 : i32
      %dma_wait3A_259 = tpu.memref_slice %arg16[%dma_wait3A_258] : memref<1024xf32, #tpu.memory_space<vmem>> -> memref<128xf32, #tpu.memory_space<vmem>>
      %dma_wait3A_260 = arith.constant 0 : i32
      %dma_wait3A_261 = tpu.memref_slice %arg14[%dma_wait3A_257, %dma_wait3A_260] : memref<8x128xi32, #tpu.memory_space<vmem>> -> memref<1x128xi32, #tpu.memory_space<vmem>>
      %dma_wait3A_262 = tpu.memref_squeeze %dma_wait3A_261 : memref<1x128xi32, #tpu.memory_space<vmem>> -> memref<128xi32, #tpu.memory_space<vmem>>
      %dma_wait3A_263 = arith.constant 0 : i32
      %dma_wait3A_264 = tpu.memref_slice %arg4[%dma_wait3A_263] : memref<10016xf32, #tpu.memory_space<hbm>> -> memref<10016xf32, #tpu.memory_space<hbm>>
      tpu.wait_indirect_dma semaphore(%arg20 : memref<!tpu.dma_semaphore, #tpu.memory_space<semaphore_mem>>) src(%dma_wait3A_264 : memref<10016xf32, #tpu.memory_space<hbm>>) dst(%dma_wait3A_259 : memref<128xf32, #tpu.memory_space<vmem>>)
      %dma_wait3A_265 = arith.constant 6 : i32
      %dma_wait3A_266 = arith.constant 768 : i32
      %dma_wait3A_267 = tpu.memref_slice %arg15[%dma_wait3A_266] : memref<1024xf32, #tpu.memory_space<vmem>> -> memref<128xf32, #tpu.memory_space<vmem>>
      %dma_wait3A_268 = arith.constant 0 : i32
      %dma_wait3A_269 = tpu.memref_slice %arg13[%dma_wait3A_265, %dma_wait3A_268] : memref<8x128xi32, #tpu.memory_space<vmem>> -> memref<1x128xi32, #tpu.memory_space<vmem>>
      %dma_wait3A_270 = tpu.memref_squeeze %dma_wait3A_269 : memref<1x128xi32, #tpu.memory_space<vmem>> -> memref<128xi32, #tpu.memory_space<vmem>>
      %dma_wait3A_271 = arith.constant 0 : i32
      %dma_wait3A_272 = tpu.memref_slice %arg3[%dma_wait3A_271] : memref<10000xf32, #tpu.memory_space<hbm>> -> memref<10000xf32, #tpu.memory_space<hbm>>
      tpu.wait_indirect_dma semaphore(%arg20 : memref<!tpu.dma_semaphore, #tpu.memory_space<semaphore_mem>>) src(%dma_wait3A_272 : memref<10000xf32, #tpu.memory_space<hbm>>) dst(%dma_wait3A_267 : memref<128xf32, #tpu.memory_space<vmem>>)
      %dma_wait3A_273 = arith.constant 6 : i32
      %dma_wait3A_274 = arith.constant 768 : i32
      %dma_wait3A_275 = tpu.memref_slice %arg16[%dma_wait3A_274] : memref<1024xf32, #tpu.memory_space<vmem>> -> memref<128xf32, #tpu.memory_space<vmem>>
      %dma_wait3A_276 = arith.constant 0 : i32
      %dma_wait3A_277 = tpu.memref_slice %arg14[%dma_wait3A_273, %dma_wait3A_276] : memref<8x128xi32, #tpu.memory_space<vmem>> -> memref<1x128xi32, #tpu.memory_space<vmem>>
      %dma_wait3A_278 = tpu.memref_squeeze %dma_wait3A_277 : memref<1x128xi32, #tpu.memory_space<vmem>> -> memref<128xi32, #tpu.memory_space<vmem>>
      %dma_wait3A_279 = arith.constant 0 : i32
      %dma_wait3A_280 = tpu.memref_slice %arg4[%dma_wait3A_279] : memref<10016xf32, #tpu.memory_space<hbm>> -> memref<10016xf32, #tpu.memory_space<hbm>>
      tpu.wait_indirect_dma semaphore(%arg20 : memref<!tpu.dma_semaphore, #tpu.memory_space<semaphore_mem>>) src(%dma_wait3A_280 : memref<10016xf32, #tpu.memory_space<hbm>>) dst(%dma_wait3A_275 : memref<128xf32, #tpu.memory_space<vmem>>)
      %dma_wait3A_281 = arith.constant 7 : i32
      %dma_wait3A_282 = arith.constant 896 : i32
      %dma_wait3A_283 = tpu.memref_slice %arg15[%dma_wait3A_282] : memref<1024xf32, #tpu.memory_space<vmem>> -> memref<128xf32, #tpu.memory_space<vmem>>
      %dma_wait3A_284 = arith.constant 0 : i32
      %dma_wait3A_285 = tpu.memref_slice %arg13[%dma_wait3A_281, %dma_wait3A_284] : memref<8x128xi32, #tpu.memory_space<vmem>> -> memref<1x128xi32, #tpu.memory_space<vmem>>
      %dma_wait3A_286 = tpu.memref_squeeze %dma_wait3A_285 : memref<1x128xi32, #tpu.memory_space<vmem>> -> memref<128xi32, #tpu.memory_space<vmem>>
      %dma_wait3A_287 = arith.constant 0 : i32
      %dma_wait3A_288 = tpu.memref_slice %arg3[%dma_wait3A_287] : memref<10000xf32, #tpu.memory_space<hbm>> -> memref<10000xf32, #tpu.memory_space<hbm>>
      tpu.wait_indirect_dma semaphore(%arg20 : memref<!tpu.dma_semaphore, #tpu.memory_space<semaphore_mem>>) src(%dma_wait3A_288 : memref<10000xf32, #tpu.memory_space<hbm>>) dst(%dma_wait3A_283 : memref<128xf32, #tpu.memory_space<vmem>>)
      %dma_wait3A_289 = arith.constant 7 : i32
      %dma_wait3A_290 = arith.constant 896 : i32
      %dma_wait3A_291 = tpu.memref_slice %arg16[%dma_wait3A_290] : memref<1024xf32, #tpu.memory_space<vmem>> -> memref<128xf32, #tpu.memory_space<vmem>>
      %dma_wait3A_292 = arith.constant 0 : i32
      %dma_wait3A_293 = tpu.memref_slice %arg14[%dma_wait3A_289, %dma_wait3A_292] : memref<8x128xi32, #tpu.memory_space<vmem>> -> memref<1x128xi32, #tpu.memory_space<vmem>>
      %dma_wait3A_294 = tpu.memref_squeeze %dma_wait3A_293 : memref<1x128xi32, #tpu.memory_space<vmem>> -> memref<128xi32, #tpu.memory_space<vmem>>
      %dma_wait3A_295 = arith.constant 0 : i32
      %dma_wait3A_296 = tpu.memref_slice %arg4[%dma_wait3A_295] : memref<10016xf32, #tpu.memory_space<hbm>> -> memref<10016xf32, #tpu.memory_space<hbm>>
      tpu.wait_indirect_dma semaphore(%arg20 : memref<!tpu.dma_semaphore, #tpu.memory_space<semaphore_mem>>) src(%dma_wait3A_296 : memref<10016xf32, #tpu.memory_space<hbm>>) dst(%dma_wait3A_291 : memref<128xf32, #tpu.memory_space<vmem>>)
      %get3A = arith.constant 0 : index
      %get3A_297 = tpu.vector_load %arg15[%get3A] {strides = array<i32>} : memref<1024xf32, #tpu.memory_space<vmem>>, vector<16xf32>,
      %get3A_298 = arith.constant 0 : index
      %get3A_299 = tpu.vector_load %arg16[%get3A_298] {strides = array<i32>} : memref<1024xf32, #tpu.memory_space<vmem>>, vector<16xf32>,
      %add3A_300 = arith.addf %get3A_297, %get3A_299 : vector<16xf32>
      %ge3A = arith.constant 0.000000e+00 : f32
      %ge3A_301 = vector.broadcast %ge3A : f32 to vector<16xf32>
      %ge3A_302 = arith.cmpf oge, %add3A_300, %ge3A_301 : vector<16xf32>
      %mul3A_303 = arith.constant 2.000000e-01 : f32
      %mul3A_304 = vector.broadcast %mul3A_303 : f32 to vector<16xf32>
      %mul3A_305 = arith.mulf %mul3A_304, %add3A_300 : vector<16xf32>
      %select_n3A_306 = arith.select %ge3A_302, %add3A_300, %mul3A_305 : vector<16xi1>, vector<16xf32>
      %exp3A = math.exp %select_n3A_306 : vector<16xf32>
      %swap3A = arith.constant 0 : index
      %swap3A_307 = tpu.vector_load %arg17[%swap3A] {strides = array<i32>} : memref<1024xf32, #tpu.memory_space<vmem>>, vector<16xf32>,
      tpu.vector_store %arg17[%swap3A], %exp3A {strides = array<i32>} : memref<1024xf32, #tpu.memory_space<vmem>>, vector<16xf32>,
      %get3A_308 = arith.constant 16 : index
      %get3A_309 = tpu.vector_load %arg15[%get3A_308] {strides = array<i32>} : memref<1024xf32, #tpu.memory_space<vmem>>, vector<16xf32>,
      %get3A_310 = arith.constant 16 : index
      %get3A_311 = tpu.vector_load %arg16[%get3A_310] {strides = array<i32>} : memref<1024xf32, #tpu.memory_space<vmem>>, vector<16xf32>,
      %add3A_312 = arith.addf %get3A_309, %get3A_311 : vector<16xf32>
      %ge3A_313 = arith.constant 0.000000e+00 : f32
      %ge3A_314 = vector.broadcast %ge3A_313 : f32 to vector<16xf32>
      %ge3A_315 = arith.cmpf oge, %add3A_312, %ge3A_314 : vector<16xf32>
      %mul3A_316 = arith.constant 2.000000e-01 : f32
      %mul3A_317 = vector.broadcast %mul3A_316 : f32 to vector<16xf32>
      %mul3A_318 = arith.mulf %mul3A_317, %add3A_312 : vector<16xf32>
      %select_n3A_319 = arith.select %ge3A_315, %add3A_312, %mul3A_318 : vector<16xi1>, vector<16xf32>
      %exp3A_320 = math.exp %select_n3A_319 : vector<16xf32>
      %swap3A_321 = arith.constant 16 : index
      %swap3A_322 = tpu.vector_load %arg17[%swap3A_321] {strides = array<i32>} : memref<1024xf32, #tpu.memory_space<vmem>>, vector<16xf32>,
      tpu.vector_store %arg17[%swap3A_321], %exp3A_320 {strides = array<i32>} : memref<1024xf32, #tpu.memory_space<vmem>>, vector<16xf32>,
      %get3A_323 = arith.constant 32 : index
      %get3A_324 = tpu.vector_load %arg15[%get3A_323] {strides = array<i32>} : memref<1024xf32, #tpu.memory_space<vmem>>, vector<16xf32>,
      %get3A_325 = arith.constant 32 : index
      %get3A_326 = tpu.vector_load %arg16[%get3A_325] {strides = array<i32>} : memref<1024xf32, #tpu.memory_space<vmem>>, vector<16xf32>,
      %add3A_327 = arith.addf %get3A_324, %get3A_326 : vector<16xf32>
      %ge3A_328 = arith.constant 0.000000e+00 : f32
      %ge3A_329 = vector.broadcast %ge3A_328 : f32 to vector<16xf32>
      %ge3A_330 = arith.cmpf oge, %add3A_327, %ge3A_329 : vector<16xf32>
      %mul3A_331 = arith.constant 2.000000e-01 : f32
      %mul3A_332 = vector.broadcast %mul3A_331 : f32 to vector<16xf32>
      %mul3A_333 = arith.mulf %mul3A_332, %add3A_327 : vector<16xf32>
      %select_n3A_334 = arith.select %ge3A_330, %add3A_327, %mul3A_333 : vector<16xi1>, vector<16xf32>
      %exp3A_335 = math.exp %select_n3A_334 : vector<16xf32>
      %swap3A_336 = arith.constant 32 : index
      %swap3A_337 = tpu.vector_load %arg17[%swap3A_336] {strides = array<i32>} : memref<1024xf32, #tpu.memory_space<vmem>>, vector<16xf32>,
      tpu.vector_store %arg17[%swap3A_336], %exp3A_335 {strides = array<i32>} : memref<1024xf32, #tpu.memory_space<vmem>>, vector<16xf32>,
      %get3A_338 = arith.constant 48 : index
      %get3A_339 = tpu.vector_load %arg15[%get3A_338] {strides = array<i32>} : memref<1024xf32, #tpu.memory_space<vmem>>, vector<16xf32>,
      %get3A_340 = arith.constant 48 : index
      %get3A_341 = tpu.vector_load %arg16[%get3A_340] {strides = array<i32>} : memref<1024xf32, #tpu.memory_space<vmem>>, vector<16xf32>,
      %add3A_342 = arith.addf %get3A_339, %get3A_341 : vector<16xf32>
      %ge3A_343 = arith.constant 0.000000e+00 : f32
      %ge3A_344 = vector.broadcast %ge3A_343 : f32 to vector<16xf32>
      %ge3A_345 = arith.cmpf oge, %add3A_342, %ge3A_344 : vector<16xf32>
      %mul3A_346 = arith.constant 2.000000e-01 : f32
      %mul3A_347 = vector.broadcast %mul3A_346 : f32 to vector<16xf32>
      %mul3A_348 = arith.mulf %mul3A_347, %add3A_342 : vector<16xf32>
      %select_n3A_349 = arith.select %ge3A_345, %add3A_342, %mul3A_348 : vector<16xi1>, vector<16xf32>
      %exp3A_350 = math.exp %select_n3A_349 : vector<16xf32>
      %swap3A_351 = arith.constant 48 : index
      %swap3A_352 = tpu.vector_load %arg17[%swap3A_351] {strides = array<i32>} : memref<1024xf32, #tpu.memory_space<vmem>>, vector<16xf32>,
      tpu.vector_store %arg17[%swap3A_351], %exp3A_350 {strides = array<i32>} : memref<1024xf32, #tpu.memory_space<vmem>>, vector<16xf32>,
      %get3A_353 = arith.constant 64 : index
      %get3A_354 = tpu.vector_load %arg15[%get3A_353] {strides = array<i32>} : memref<1024xf32, #tpu.memory_space<vmem>>, vector<16xf32>,
      %get3A_355 = arith.constant 64 : index
      %get3A_356 = tpu.vector_load %arg16[%get3A_355] {strides = array<i32>} : memref<1024xf32, #tpu.memory_space<vmem>>, vector<16xf32>,
      %add3A_357 = arith.addf %get3A_354, %get3A_356 : vector<16xf32>
      %ge3A_358 = arith.constant 0.000000e+00 : f32
      %ge3A_359 = vector.broadcast %ge3A_358 : f32 to vector<16xf32>
      %ge3A_360 = arith.cmpf oge, %add3A_357, %ge3A_359 : vector<16xf32>
      %mul3A_361 = arith.constant 2.000000e-01 : f32
      %mul3A_362 = vector.broadcast %mul3A_361 : f32 to vector<16xf32>
      %mul3A_363 = arith.mulf %mul3A_362, %add3A_357 : vector<16xf32>
      %select_n3A_364 = arith.select %ge3A_360, %add3A_357, %mul3A_363 : vector<16xi1>, vector<16xf32>
      %exp3A_365 = math.exp %select_n3A_364 : vector<16xf32>
      %swap3A_366 = arith.constant 64 : index
      %swap3A_367 = tpu.vector_load %arg17[%swap3A_366] {strides = array<i32>} : memref<1024xf32, #tpu.memory_space<vmem>>, vector<16xf32>,
      tpu.vector_store %arg17[%swap3A_366], %exp3A_365 {strides = array<i32>} : memref<1024xf32, #tpu.memory_space<vmem>>, vector<16xf32>,
      %get3A_368 = arith.constant 80 : index
      %get3A_369 = tpu.vector_load %arg15[%get3A_368] {strides = array<i32>} : memref<1024xf32, #tpu.memory_space<vmem>>, vector<16xf32>,
      %get3A_370 = arith.constant 80 : index
      %get3A_371 = tpu.vector_load %arg16[%get3A_370] {strides = array<i32>} : memref<1024xf32, #tpu.memory_space<vmem>>, vector<16xf32>,
      %add3A_372 = arith.addf %get3A_369, %get3A_371 : vector<16xf32>
      %ge3A_373 = arith.constant 0.000000e+00 : f32
      %ge3A_374 = vector.broadcast %ge3A_373 : f32 to vector<16xf32>
      %ge3A_375 = arith.cmpf oge, %add3A_372, %ge3A_374 : vector<16xf32>
      %mul3A_376 = arith.constant 2.000000e-01 : f32
      %mul3A_377 = vector.broadcast %mul3A_376 : f32 to vector<16xf32>
      %mul3A_378 = arith.mulf %mul3A_377, %add3A_372 : vector<16xf32>
      %select_n3A_379 = arith.select %ge3A_375, %add3A_372, %mul3A_378 : vector<16xi1>, vector<16xf32>
      %exp3A_380 = math.exp %select_n3A_379 : vector<16xf32>
      %swap3A_381 = arith.constant 80 : index
      %swap3A_382 = tpu.vector_load %arg17[%swap3A_381] {strides = array<i32>} : memref<1024xf32, #tpu.memory_space<vmem>>, vector<16xf32>,
      tpu.vector_store %arg17[%swap3A_381], %exp3A_380 {strides = array<i32>} : memref<1024xf32, #tpu.memory_space<vmem>>, vector<16xf32>,
      %get3A_383 = arith.constant 96 : index
      %get3A_384 = tpu.vector_load %arg15[%get3A_383] {strides = array<i32>} : memref<1024xf32, #tpu.memory_space<vmem>>, vector<16xf32>,
      %get3A_385 = arith.constant 96 : index
      %get3A_386 = tpu.vector_load %arg16[%get3A_385] {strides = array<i32>} : memref<1024xf32, #tpu.memory_space<vmem>>, vector<16xf32>,
      %add3A_387 = arith.addf %get3A_384, %get3A_386 : vector<16xf32>
      %ge3A_388 = arith.constant 0.000000e+00 : f32
      %ge3A_389 = vector.broadcast %ge3A_388 : f32 to vector<16xf32>
      %ge3A_390 = arith.cmpf oge, %add3A_387, %ge3A_389 : vector<16xf32>
      %mul3A_391 = arith.constant 2.000000e-01 : f32
      %mul3A_392 = vector.broadcast %mul3A_391 : f32 to vector<16xf32>
      %mul3A_393 = arith.mulf %mul3A_392, %add3A_387 : vector<16xf32>
      %select_n3A_394 = arith.select %ge3A_390, %add3A_387, %mul3A_393 : vector<16xi1>, vector<16xf32>
      %exp3A_395 = math.exp %select_n3A_394 : vector<16xf32>
      %swap3A_396 = arith.constant 96 : index
      %swap3A_397 = tpu.vector_load %arg17[%swap3A_396] {strides = array<i32>} : memref<1024xf32, #tpu.memory_space<vmem>>, vector<16xf32>,
      tpu.vector_store %arg17[%swap3A_396], %exp3A_395 {strides = array<i32>} : memref<1024xf32, #tpu.memory_space<vmem>>, vector<16xf32>,
      %get3A_398 = arith.constant 112 : index
      %get3A_399 = tpu.vector_load %arg15[%get3A_398] {strides = array<i32>} : memref<1024xf32, #tpu.memory_space<vmem>>, vector<16xf32>,
      %get3A_400 = arith.constant 112 : index
      %get3A_401 = tpu.vector_load %arg16[%get3A_400] {strides = array<i32>} : memref<1024xf32, #tpu.memory_space<vmem>>, vector<16xf32>,
      %add3A_402 = arith.addf %get3A_399, %get3A_401 : vector<16xf32>
      %ge3A_403 = arith.constant 0.000000e+00 : f32
      %ge3A_404 = vector.broadcast %ge3A_403 : f32 to vector<16xf32>
      %ge3A_405 = arith.cmpf oge, %add3A_402, %ge3A_404 : vector<16xf32>
      %mul3A_406 = arith.constant 2.000000e-01 : f32
      %mul3A_407 = vector.broadcast %mul3A_406 : f32 to vector<16xf32>
      %mul3A_408 = arith.mulf %mul3A_407, %add3A_402 : vector<16xf32>
      %select_n3A_409 = arith.select %ge3A_405, %add3A_402, %mul3A_408 : vector<16xi1>, vector<16xf32>
      %exp3A_410 = math.exp %select_n3A_409 : vector<16xf32>
      %swap3A_411 = arith.constant 112 : index
      %swap3A_412 = tpu.vector_load %arg17[%swap3A_411] {strides = array<i32>} : memref<1024xf32, #tpu.memory_space<vmem>>, vector<16xf32>,
      tpu.vector_store %arg17[%swap3A_411], %exp3A_410 {strides = array<i32>} : memref<1024xf32, #tpu.memory_space<vmem>>, vector<16xf32>,
      %get3A_413 = arith.constant 128 : index
      %get3A_414 = tpu.vector_load %arg15[%get3A_413] {strides = array<i32>} : memref<1024xf32, #tpu.memory_space<vmem>>, vector<16xf32>,
      %get3A_415 = arith.constant 128 : index
      %get3A_416 = tpu.vector_load %arg16[%get3A_415] {strides = array<i32>} : memref<1024xf32, #tpu.memory_space<vmem>>, vector<16xf32>,
      %add3A_417 = arith.addf %get3A_414, %get3A_416 : vector<16xf32>
      %ge3A_418 = arith.constant 0.000000e+00 : f32
      %ge3A_419 = vector.broadcast %ge3A_418 : f32 to vector<16xf32>
      %ge3A_420 = arith.cmpf oge, %add3A_417, %ge3A_419 : vector<16xf32>
      %mul3A_421 = arith.constant 2.000000e-01 : f32
      %mul3A_422 = vector.broadcast %mul3A_421 : f32 to vector<16xf32>
      %mul3A_423 = arith.mulf %mul3A_422, %add3A_417 : vector<16xf32>
      %select_n3A_424 = arith.select %ge3A_420, %add3A_417, %mul3A_423 : vector<16xi1>, vector<16xf32>
      %exp3A_425 = math.exp %select_n3A_424 : vector<16xf32>
      %swap3A_426 = arith.constant 128 : index
      %swap3A_427 = tpu.vector_load %arg17[%swap3A_426] {strides = array<i32>} : memref<1024xf32, #tpu.memory_space<vmem>>, vector<16xf32>,
      tpu.vector_store %arg17[%swap3A_426], %exp3A_425 {strides = array<i32>} : memref<1024xf32, #tpu.memory_space<vmem>>, vector<16xf32>,
      %get3A_428 = arith.constant 144 : index
      %get3A_429 = tpu.vector_load %arg15[%get3A_428] {strides = array<i32>} : memref<1024xf32, #tpu.memory_space<vmem>>, vector<16xf32>,
      %get3A_430 = arith.constant 144 : index
      %get3A_431 = tpu.vector_load %arg16[%get3A_430] {strides = array<i32>} : memref<1024xf32, #tpu.memory_space<vmem>>, vector<16xf32>,
      %add3A_432 = arith.addf %get3A_429, %get3A_431 : vector<16xf32>
      %ge3A_433 = arith.constant 0.000000e+00 : f32
      %ge3A_434 = vector.broadcast %ge3A_433 : f32 to vector<16xf32>
      %ge3A_435 = arith.cmpf oge, %add3A_432, %ge3A_434 : vector<16xf32>
      %mul3A_436 = arith.constant 2.000000e-01 : f32
      %mul3A_437 = vector.broadcast %mul3A_436 : f32 to vector<16xf32>
      %mul3A_438 = arith.mulf %mul3A_437, %add3A_432 : vector<16xf32>
      %select_n3A_439 = arith.select %ge3A_435, %add3A_432, %mul3A_438 : vector<16xi1>, vector<16xf32>
      %exp3A_440 = math.exp %select_n3A_439 : vector<16xf32>
      %swap3A_441 = arith.constant 144 : index
      %swap3A_442 = tpu.vector_load %arg17[%swap3A_441] {strides = array<i32>} : memref<1024xf32, #tpu.memory_space<vmem>>, vector<16xf32>,
      tpu.vector_store %arg17[%swap3A_441], %exp3A_440 {strides = array<i32>} : memref<1024xf32, #tpu.memory_space<vmem>>, vector<16xf32>,
      %get3A_443 = arith.constant 160 : index
      %get3A_444 = tpu.vector_load %arg15[%get3A_443] {strides = array<i32>} : memref<1024xf32, #tpu.memory_space<vmem>>, vector<16xf32>,
      %get3A_445 = arith.constant 160 : index
      %get3A_446 = tpu.vector_load %arg16[%get3A_445] {strides = array<i32>} : memref<1024xf32, #tpu.memory_space<vmem>>, vector<16xf32>,
      %add3A_447 = arith.addf %get3A_444, %get3A_446 : vector<16xf32>
      %ge3A_448 = arith.constant 0.000000e+00 : f32
      %ge3A_449 = vector.broadcast %ge3A_448 : f32 to vector<16xf32>
      %ge3A_450 = arith.cmpf oge, %add3A_447, %ge3A_449 : vector<16xf32>
      %mul3A_451 = arith.constant 2.000000e-01 : f32
      %mul3A_452 = vector.broadcast %mul3A_451 : f32 to vector<16xf32>
      %mul3A_453 = arith.mulf %mul3A_452, %add3A_447 : vector<16xf32>
      %select_n3A_454 = arith.select %ge3A_450, %add3A_447, %mul3A_453 : vector<16xi1>, vector<16xf32>
      %exp3A_455 = math.exp %select_n3A_454 : vector<16xf32>
      %swap3A_456 = arith.constant 160 : index
      %swap3A_457 = tpu.vector_load %arg17[%swap3A_456] {strides = array<i32>} : memref<1024xf32, #tpu.memory_space<vmem>>, vector<16xf32>,
      tpu.vector_store %arg17[%swap3A_456], %exp3A_455 {strides = array<i32>} : memref<1024xf32, #tpu.memory_space<vmem>>, vector<16xf32>,
      %get3A_458 = arith.constant 176 : index
      %get3A_459 = tpu.vector_load %arg15[%get3A_458] {strides = array<i32>} : memref<1024xf32, #tpu.memory_space<vmem>>, vector<16xf32>,
      %get3A_460 = arith.constant 176 : index
      %get3A_461 = tpu.vector_load %arg16[%get3A_460] {strides = array<i32>} : memref<1024xf32, #tpu.memory_space<vmem>>, vector<16xf32>,
      %add3A_462 = arith.addf %get3A_459, %get3A_461 : vector<16xf32>
      %ge3A_463 = arith.constant 0.000000e+00 : f32
      %ge3A_464 = vector.broadcast %ge3A_463 : f32 to vector<16xf32>
      %ge3A_465 = arith.cmpf oge, %add3A_462, %ge3A_464 : vector<16xf32>
      %mul3A_466 = arith.constant 2.000000e-01 : f32
      %mul3A_467 = vector.broadcast %mul3A_466 : f32 to vector<16xf32>
      %mul3A_468 = arith.mulf %mul3A_467, %add3A_462 : vector<16xf32>
      %select_n3A_469 = arith.select %ge3A_465, %add3A_462, %mul3A_468 : vector<16xi1>, vector<16xf32>
      %exp3A_470 = math.exp %select_n3A_469 : vector<16xf32>
      %swap3A_471 = arith.constant 176 : index
      %swap3A_472 = tpu.vector_load %arg17[%swap3A_471] {strides = array<i32>} : memref<1024xf32, #tpu.memory_space<vmem>>, vector<16xf32>,
      tpu.vector_store %arg17[%swap3A_471], %exp3A_470 {strides = array<i32>} : memref<1024xf32, #tpu.memory_space<vmem>>, vector<16xf32>,
      %get3A_473 = arith.constant 192 : index
      %get3A_474 = tpu.vector_load %arg15[%get3A_473] {strides = array<i32>} : memref<1024xf32, #tpu.memory_space<vmem>>, vector<16xf32>,
      %get3A_475 = arith.constant 192 : index
      %get3A_476 = tpu.vector_load %arg16[%get3A_475] {strides = array<i32>} : memref<1024xf32, #tpu.memory_space<vmem>>, vector<16xf32>,
      %add3A_477 = arith.addf %get3A_474, %get3A_476 : vector<16xf32>
      %ge3A_478 = arith.constant 0.000000e+00 : f32
      %ge3A_479 = vector.broadcast %ge3A_478 : f32 to vector<16xf32>
      %ge3A_480 = arith.cmpf oge, %add3A_477, %ge3A_479 : vector<16xf32>
      %mul3A_481 = arith.constant 2.000000e-01 : f32
      %mul3A_482 = vector.broadcast %mul3A_481 : f32 to vector<16xf32>
      %mul3A_483 = arith.mulf %mul3A_482, %add3A_477 : vector<16xf32>
      %select_n3A_484 = arith.select %ge3A_480, %add3A_477, %mul3A_483 : vector<16xi1>, vector<16xf32>
      %exp3A_485 = math.exp %select_n3A_484 : vector<16xf32>
      %swap3A_486 = arith.constant 192 : index
      %swap3A_487 = tpu.vector_load %arg17[%swap3A_486] {strides = array<i32>} : memref<1024xf32, #tpu.memory_space<vmem>>, vector<16xf32>,
      tpu.vector_store %arg17[%swap3A_486], %exp3A_485 {strides = array<i32>} : memref<1024xf32, #tpu.memory_space<vmem>>, vector<16xf32>,
      %get3A_488 = arith.constant 208 : index
      %get3A_489 = tpu.vector_load %arg15[%get3A_488] {strides = array<i32>} : memref<1024xf32, #tpu.memory_space<vmem>>, vector<16xf32>,
      %get3A_490 = arith.constant 208 : index
      %get3A_491 = tpu.vector_load %arg16[%get3A_490] {strides = array<i32>} : memref<1024xf32, #tpu.memory_space<vmem>>, vector<16xf32>,
      %add3A_492 = arith.addf %get3A_489, %get3A_491 : vector<16xf32>
      %ge3A_493 = arith.constant 0.000000e+00 : f32
      %ge3A_494 = vector.broadcast %ge3A_493 : f32 to vector<16xf32>
      %ge3A_495 = arith.cmpf oge, %add3A_492, %ge3A_494 : vector<16xf32>
      %mul3A_496 = arith.constant 2.000000e-01 : f32
      %mul3A_497 = vector.broadcast %mul3A_496 : f32 to vector<16xf32>
      %mul3A_498 = arith.mulf %mul3A_497, %add3A_492 : vector<16xf32>
      %select_n3A_499 = arith.select %ge3A_495, %add3A_492, %mul3A_498 : vector<16xi1>, vector<16xf32>
      %exp3A_500 = math.exp %select_n3A_499 : vector<16xf32>
      %swap3A_501 = arith.constant 208 : index
      %swap3A_502 = tpu.vector_load %arg17[%swap3A_501] {strides = array<i32>} : memref<1024xf32, #tpu.memory_space<vmem>>, vector<16xf32>,
      tpu.vector_store %arg17[%swap3A_501], %exp3A_500 {strides = array<i32>} : memref<1024xf32, #tpu.memory_space<vmem>>, vector<16xf32>,
      %get3A_503 = arith.constant 224 : index
      %get3A_504 = tpu.vector_load %arg15[%get3A_503] {strides = array<i32>} : memref<1024xf32, #tpu.memory_space<vmem>>, vector<16xf32>,
      %get3A_505 = arith.constant 224 : index
      %get3A_506 = tpu.vector_load %arg16[%get3A_505] {strides = array<i32>} : memref<1024xf32, #tpu.memory_space<vmem>>, vector<16xf32>,
      %add3A_507 = arith.addf %get3A_504, %get3A_506 : vector<16xf32>
      %ge3A_508 = arith.constant 0.000000e+00 : f32
      %ge3A_509 = vector.broadcast %ge3A_508 : f32 to vector<16xf32>
      %ge3A_510 = arith.cmpf oge, %add3A_507, %ge3A_509 : vector<16xf32>
      %mul3A_511 = arith.constant 2.000000e-01 : f32
      %mul3A_512 = vector.broadcast %mul3A_511 : f32 to vector<16xf32>
      %mul3A_513 = arith.mulf %mul3A_512, %add3A_507 : vector<16xf32>
      %select_n3A_514 = arith.select %ge3A_510, %add3A_507, %mul3A_513 : vector<16xi1>, vector<16xf32>
      %exp3A_515 = math.exp %select_n3A_514 : vector<16xf32>
      %swap3A_516 = arith.constant 224 : index
      %swap3A_517 = tpu.vector_load %arg17[%swap3A_516] {strides = array<i32>} : memref<1024xf32, #tpu.memory_space<vmem>>, vector<16xf32>,
      tpu.vector_store %arg17[%swap3A_516], %exp3A_515 {strides = array<i32>} : memref<1024xf32, #tpu.memory_space<vmem>>, vector<16xf32>,
      %get3A_518 = arith.constant 240 : index
      %get3A_519 = tpu.vector_load %arg15[%get3A_518] {strides = array<i32>} : memref<1024xf32, #tpu.memory_space<vmem>>, vector<16xf32>,
      %get3A_520 = arith.constant 240 : index
      %get3A_521 = tpu.vector_load %arg16[%get3A_520] {strides = array<i32>} : memref<1024xf32, #tpu.memory_space<vmem>>, vector<16xf32>,
      %add3A_522 = arith.addf %get3A_519, %get3A_521 : vector<16xf32>
      %ge3A_523 = arith.constant 0.000000e+00 : f32
      %ge3A_524 = vector.broadcast %ge3A_523 : f32 to vector<16xf32>
      %ge3A_525 = arith.cmpf oge, %add3A_522, %ge3A_524 : vector<16xf32>
      %mul3A_526 = arith.constant 2.000000e-01 : f32
      %mul3A_527 = vector.broadcast %mul3A_526 : f32 to vector<16xf32>
      %mul3A_528 = arith.mulf %mul3A_527, %add3A_522 : vector<16xf32>
      %select_n3A_529 = arith.select %ge3A_525, %add3A_522, %mul3A_528 : vector<16xi1>, vector<16xf32>
      %exp3A_530 = math.exp %select_n3A_529 : vector<16xf32>
      %swap3A_531 = arith.constant 240 : index
      %swap3A_532 = tpu.vector_load %arg17[%swap3A_531] {strides = array<i32>} : memref<1024xf32, #tpu.memory_space<vmem>>, vector<16xf32>,
      tpu.vector_store %arg17[%swap3A_531], %exp3A_530 {strides = array<i32>} : memref<1024xf32, #tpu.memory_space<vmem>>, vector<16xf32>,
      %get3A_533 = arith.constant 256 : index
      %get3A_534 = tpu.vector_load %arg15[%get3A_533] {strides = array<i32>} : memref<1024xf32, #tpu.memory_space<vmem>>, vector<16xf32>,
      %get3A_535 = arith.constant 256 : index
      %get3A_536 = tpu.vector_load %arg16[%get3A_535] {strides = array<i32>} : memref<1024xf32, #tpu.memory_space<vmem>>, vector<16xf32>,
      %add3A_537 = arith.addf %get3A_534, %get3A_536 : vector<16xf32>
      %ge3A_538 = arith.constant 0.000000e+00 : f32
      %ge3A_539 = vector.broadcast %ge3A_538 : f32 to vector<16xf32>
      %ge3A_540 = arith.cmpf oge, %add3A_537, %ge3A_539 : vector<16xf32>
      %mul3A_541 = arith.constant 2.000000e-01 : f32
      %mul3A_542 = vector.broadcast %mul3A_541 : f32 to vector<16xf32>
      %mul3A_543 = arith.mulf %mul3A_542, %add3A_537 : vector<16xf32>
      %select_n3A_544 = arith.select %ge3A_540, %add3A_537, %mul3A_543 : vector<16xi1>, vector<16xf32>
      %exp3A_545 = math.exp %select_n3A_544 : vector<16xf32>
      %swap3A_546 = arith.constant 256 : index
      %swap3A_547 = tpu.vector_load %arg17[%swap3A_546] {strides = array<i32>} : memref<1024xf32, #tpu.memory_space<vmem>>, vector<16xf32>,
      tpu.vector_store %arg17[%swap3A_546], %exp3A_545 {strides = array<i32>} : memref<1024xf32, #tpu.memory_space<vmem>>, vector<16xf32>,
      %get3A_548 = arith.constant 272 : index
      %get3A_549 = tpu.vector_load %arg15[%get3A_548] {strides = array<i32>} : memref<1024xf32, #tpu.memory_space<vmem>>, vector<16xf32>,
      %get3A_550 = arith.constant 272 : index
      %get3A_551 = tpu.vector_load %arg16[%get3A_550] {strides = array<i32>} : memref<1024xf32, #tpu.memory_space<vmem>>, vector<16xf32>,
      %add3A_552 = arith.addf %get3A_549, %get3A_551 : vector<16xf32>
      %ge3A_553 = arith.constant 0.000000e+00 : f32
      %ge3A_554 = vector.broadcast %ge3A_553 : f32 to vector<16xf32>
      %ge3A_555 = arith.cmpf oge, %add3A_552, %ge3A_554 : vector<16xf32>
      %mul3A_556 = arith.constant 2.000000e-01 : f32
      %mul3A_557 = vector.broadcast %mul3A_556 : f32 to vector<16xf32>
      %mul3A_558 = arith.mulf %mul3A_557, %add3A_552 : vector<16xf32>
      %select_n3A_559 = arith.select %ge3A_555, %add3A_552, %mul3A_558 : vector<16xi1>, vector<16xf32>
      %exp3A_560 = math.exp %select_n3A_559 : vector<16xf32>
      %swap3A_561 = arith.constant 272 : index
      %swap3A_562 = tpu.vector_load %arg17[%swap3A_561] {strides = array<i32>} : memref<1024xf32, #tpu.memory_space<vmem>>, vector<16xf32>,
      tpu.vector_store %arg17[%swap3A_561], %exp3A_560 {strides = array<i32>} : memref<1024xf32, #tpu.memory_space<vmem>>, vector<16xf32>,
      %get3A_563 = arith.constant 288 : index
      %get3A_564 = tpu.vector_load %arg15[%get3A_563] {strides = array<i32>} : memref<1024xf32, #tpu.memory_space<vmem>>, vector<16xf32>,
      %get3A_565 = arith.constant 288 : index
      %get3A_566 = tpu.vector_load %arg16[%get3A_565] {strides = array<i32>} : memref<1024xf32, #tpu.memory_space<vmem>>, vector<16xf32>,
      %add3A_567 = arith.addf %get3A_564, %get3A_566 : vector<16xf32>
      %ge3A_568 = arith.constant 0.000000e+00 : f32
      %ge3A_569 = vector.broadcast %ge3A_568 : f32 to vector<16xf32>
      %ge3A_570 = arith.cmpf oge, %add3A_567, %ge3A_569 : vector<16xf32>
      %mul3A_571 = arith.constant 2.000000e-01 : f32
      %mul3A_572 = vector.broadcast %mul3A_571 : f32 to vector<16xf32>
      %mul3A_573 = arith.mulf %mul3A_572, %add3A_567 : vector<16xf32>
      %select_n3A_574 = arith.select %ge3A_570, %add3A_567, %mul3A_573 : vector<16xi1>, vector<16xf32>
      %exp3A_575 = math.exp %select_n3A_574 : vector<16xf32>
      %swap3A_576 = arith.constant 288 : index
      %swap3A_577 = tpu.vector_load %arg17[%swap3A_576] {strides = array<i32>} : memref<1024xf32, #tpu.memory_space<vmem>>, vector<16xf32>,
      tpu.vector_store %arg17[%swap3A_576], %exp3A_575 {strides = array<i32>} : memref<1024xf32, #tpu.memory_space<vmem>>, vector<16xf32>,
      %get3A_578 = arith.constant 304 : index
      %get3A_579 = tpu.vector_load %arg15[%get3A_578] {strides = array<i32>} : memref<1024xf32, #tpu.memory_space<vmem>>, vector<16xf32>,
      %get3A_580 = arith.constant 304 : index
      %get3A_581 = tpu.vector_load %arg16[%get3A_580] {strides = array<i32>} : memref<1024xf32, #tpu.memory_space<vmem>>, vector<16xf32>,
      %add3A_582 = arith.addf %get3A_579, %get3A_581 : vector<16xf32>
      %ge3A_583 = arith.constant 0.000000e+00 : f32
      %ge3A_584 = vector.broadcast %ge3A_583 : f32 to vector<16xf32>
      %ge3A_585 = arith.cmpf oge, %add3A_582, %ge3A_584 : vector<16xf32>
      %mul3A_586 = arith.constant 2.000000e-01 : f32
      %mul3A_587 = vector.broadcast %mul3A_586 : f32 to vector<16xf32>
      %mul3A_588 = arith.mulf %mul3A_587, %add3A_582 : vector<16xf32>
      %select_n3A_589 = arith.select %ge3A_585, %add3A_582, %mul3A_588 : vector<16xi1>, vector<16xf32>
      %exp3A_590 = math.exp %select_n3A_589 : vector<16xf32>
      %swap3A_591 = arith.constant 304 : index
      %swap3A_592 = tpu.vector_load %arg17[%swap3A_591] {strides = array<i32>} : memref<1024xf32, #tpu.memory_space<vmem>>, vector<16xf32>,
      tpu.vector_store %arg17[%swap3A_591], %exp3A_590 {strides = array<i32>} : memref<1024xf32, #tpu.memory_space<vmem>>, vector<16xf32>,
      %get3A_593 = arith.constant 320 : index
      %get3A_594 = tpu.vector_load %arg15[%get3A_593] {strides = array<i32>} : memref<1024xf32, #tpu.memory_space<vmem>>, vector<16xf32>,
      %get3A_595 = arith.constant 320 : index
      %get3A_596 = tpu.vector_load %arg16[%get3A_595] {strides = array<i32>} : memref<1024xf32, #tpu.memory_space<vmem>>, vector<16xf32>,
      %add3A_597 = arith.addf %get3A_594, %get3A_596 : vector<16xf32>
      %ge3A_598 = arith.constant 0.000000e+00 : f32
      %ge3A_599 = vector.broadcast %ge3A_598 : f32 to vector<16xf32>
      %ge3A_600 = arith.cmpf oge, %add3A_597, %ge3A_599 : vector<16xf32>
      %mul3A_601 = arith.constant 2.000000e-01 : f32
      %mul3A_602 = vector.broadcast %mul3A_601 : f32 to vector<16xf32>
      %mul3A_603 = arith.mulf %mul3A_602, %add3A_597 : vector<16xf32>
      %select_n3A_604 = arith.select %ge3A_600, %add3A_597, %mul3A_603 : vector<16xi1>, vector<16xf32>
      %exp3A_605 = math.exp %select_n3A_604 : vector<16xf32>
      %swap3A_606 = arith.constant 320 : index
      %swap3A_607 = tpu.vector_load %arg17[%swap3A_606] {strides = array<i32>} : memref<1024xf32, #tpu.memory_space<vmem>>, vector<16xf32>,
      tpu.vector_store %arg17[%swap3A_606], %exp3A_605 {strides = array<i32>} : memref<1024xf32, #tpu.memory_space<vmem>>, vector<16xf32>,
      %get3A_608 = arith.constant 336 : index
      %get3A_609 = tpu.vector_load %arg15[%get3A_608] {strides = array<i32>} : memref<1024xf32, #tpu.memory_space<vmem>>, vector<16xf32>,
      %get3A_610 = arith.constant 336 : index
      %get3A_611 = tpu.vector_load %arg16[%get3A_610] {strides = array<i32>} : memref<1024xf32, #tpu.memory_space<vmem>>, vector<16xf32>,
      %add3A_612 = arith.addf %get3A_609, %get3A_611 : vector<16xf32>
      %ge3A_613 = arith.constant 0.000000e+00 : f32
      %ge3A_614 = vector.broadcast %ge3A_613 : f32 to vector<16xf32>
      %ge3A_615 = arith.cmpf oge, %add3A_612, %ge3A_614 : vector<16xf32>
      %mul3A_616 = arith.constant 2.000000e-01 : f32
      %mul3A_617 = vector.broadcast %mul3A_616 : f32 to vector<16xf32>
      %mul3A_618 = arith.mulf %mul3A_617, %add3A_612 : vector<16xf32>
      %select_n3A_619 = arith.select %ge3A_615, %add3A_612, %mul3A_618 : vector<16xi1>, vector<16xf32>
      %exp3A_620 = math.exp %select_n3A_619 : vector<16xf32>
      %swap3A_621 = arith.constant 336 : index
      %swap3A_622 = tpu.vector_load %arg17[%swap3A_621] {strides = array<i32>} : memref<1024xf32, #tpu.memory_space<vmem>>, vector<16xf32>,
      tpu.vector_store %arg17[%swap3A_621], %exp3A_620 {strides = array<i32>} : memref<1024xf32, #tpu.memory_space<vmem>>, vector<16xf32>,
      %get3A_623 = arith.constant 352 : index
      %get3A_624 = tpu.vector_load %arg15[%get3A_623] {strides = array<i32>} : memref<1024xf32, #tpu.memory_space<vmem>>, vector<16xf32>,
      %get3A_625 = arith.constant 352 : index
      %get3A_626 = tpu.vector_load %arg16[%get3A_625] {strides = array<i32>} : memref<1024xf32, #tpu.memory_space<vmem>>, vector<16xf32>,
      %add3A_627 = arith.addf %get3A_624, %get3A_626 : vector<16xf32>
      %ge3A_628 = arith.constant 0.000000e+00 : f32
      %ge3A_629 = vector.broadcast %ge3A_628 : f32 to vector<16xf32>
      %ge3A_630 = arith.cmpf oge, %add3A_627, %ge3A_629 : vector<16xf32>
      %mul3A_631 = arith.constant 2.000000e-01 : f32
      %mul3A_632 = vector.broadcast %mul3A_631 : f32 to vector<16xf32>
      %mul3A_633 = arith.mulf %mul3A_632, %add3A_627 : vector<16xf32>
      %select_n3A_634 = arith.select %ge3A_630, %add3A_627, %mul3A_633 : vector<16xi1>, vector<16xf32>
      %exp3A_635 = math.exp %select_n3A_634 : vector<16xf32>
      %swap3A_636 = arith.constant 352 : index
      %swap3A_637 = tpu.vector_load %arg17[%swap3A_636] {strides = array<i32>} : memref<1024xf32, #tpu.memory_space<vmem>>, vector<16xf32>,
      tpu.vector_store %arg17[%swap3A_636], %exp3A_635 {strides = array<i32>} : memref<1024xf32, #tpu.memory_space<vmem>>, vector<16xf32>,
      %get3A_638 = arith.constant 368 : index
      %get3A_639 = tpu.vector_load %arg15[%get3A_638] {strides = array<i32>} : memref<1024xf32, #tpu.memory_space<vmem>>, vector<16xf32>,
      %get3A_640 = arith.constant 368 : index
      %get3A_641 = tpu.vector_load %arg16[%get3A_640] {strides = array<i32>} : memref<1024xf32, #tpu.memory_space<vmem>>, vector<16xf32>,
      %add3A_642 = arith.addf %get3A_639, %get3A_641 : vector<16xf32>
      %ge3A_643 = arith.constant 0.000000e+00 : f32
      %ge3A_644 = vector.broadcast %ge3A_643 : f32 to vector<16xf32>
      %ge3A_645 = arith.cmpf oge, %add3A_642, %ge3A_644 : vector<16xf32>
      %mul3A_646 = arith.constant 2.000000e-01 : f32
      %mul3A_647 = vector.broadcast %mul3A_646 : f32 to vector<16xf32>
      %mul3A_648 = arith.mulf %mul3A_647, %add3A_642 : vector<16xf32>
      %select_n3A_649 = arith.select %ge3A_645, %add3A_642, %mul3A_648 : vector<16xi1>, vector<16xf32>
      %exp3A_650 = math.exp %select_n3A_649 : vector<16xf32>
      %swap3A_651 = arith.constant 368 : index
      %swap3A_652 = tpu.vector_load %arg17[%swap3A_651] {strides = array<i32>} : memref<1024xf32, #tpu.memory_space<vmem>>, vector<16xf32>,
      tpu.vector_store %arg17[%swap3A_651], %exp3A_650 {strides = array<i32>} : memref<1024xf32, #tpu.memory_space<vmem>>, vector<16xf32>,
      %get3A_653 = arith.constant 384 : index
      %get3A_654 = tpu.vector_load %arg15[%get3A_653] {strides = array<i32>} : memref<1024xf32, #tpu.memory_space<vmem>>, vector<16xf32>,
      %get3A_655 = arith.constant 384 : index
      %get3A_656 = tpu.vector_load %arg16[%get3A_655] {strides = array<i32>} : memref<1024xf32, #tpu.memory_space<vmem>>, vector<16xf32>,
      %add3A_657 = arith.addf %get3A_654, %get3A_656 : vector<16xf32>
      %ge3A_658 = arith.constant 0.000000e+00 : f32
      %ge3A_659 = vector.broadcast %ge3A_658 : f32 to vector<16xf32>
      %ge3A_660 = arith.cmpf oge, %add3A_657, %ge3A_659 : vector<16xf32>
      %mul3A_661 = arith.constant 2.000000e-01 : f32
      %mul3A_662 = vector.broadcast %mul3A_661 : f32 to vector<16xf32>
      %mul3A_663 = arith.mulf %mul3A_662, %add3A_657 : vector<16xf32>
      %select_n3A_664 = arith.select %ge3A_660, %add3A_657, %mul3A_663 : vector<16xi1>, vector<16xf32>
      %exp3A_665 = math.exp %select_n3A_664 : vector<16xf32>
      %swap3A_666 = arith.constant 384 : index
      %swap3A_667 = tpu.vector_load %arg17[%swap3A_666] {strides = array<i32>} : memref<1024xf32, #tpu.memory_space<vmem>>, vector<16xf32>,
      tpu.vector_store %arg17[%swap3A_666], %exp3A_665 {strides = array<i32>} : memref<1024xf32, #tpu.memory_space<vmem>>, vector<16xf32>,
      %get3A_668 = arith.constant 400 : index
      %get3A_669 = tpu.vector_load %arg15[%get3A_668] {strides = array<i32>} : memref<1024xf32, #tpu.memory_space<vmem>>, vector<16xf32>,
      %get3A_670 = arith.constant 400 : index
      %get3A_671 = tpu.vector_load %arg16[%get3A_670] {strides = array<i32>} : memref<1024xf32, #tpu.memory_space<vmem>>, vector<16xf32>,
      %add3A_672 = arith.addf %get3A_669, %get3A_671 : vector<16xf32>
      %ge3A_673 = arith.constant 0.000000e+00 : f32
      %ge3A_674 = vector.broadcast %ge3A_673 : f32 to vector<16xf32>
      %ge3A_675 = arith.cmpf oge, %add3A_672, %ge3A_674 : vector<16xf32>
      %mul3A_676 = arith.constant 2.000000e-01 : f32
      %mul3A_677 = vector.broadcast %mul3A_676 : f32 to vector<16xf32>
      %mul3A_678 = arith.mulf %mul3A_677, %add3A_672 : vector<16xf32>
      %select_n3A_679 = arith.select %ge3A_675, %add3A_672, %mul3A_678 : vector<16xi1>, vector<16xf32>
      %exp3A_680 = math.exp %select_n3A_679 : vector<16xf32>
      %swap3A_681 = arith.constant 400 : index
      %swap3A_682 = tpu.vector_load %arg17[%swap3A_681] {strides = array<i32>} : memref<1024xf32, #tpu.memory_space<vmem>>, vector<16xf32>,
      tpu.vector_store %arg17[%swap3A_681], %exp3A_680 {strides = array<i32>} : memref<1024xf32, #tpu.memory_space<vmem>>, vector<16xf32>,
      %get3A_683 = arith.constant 416 : index
      %get3A_684 = tpu.vector_load %arg15[%get3A_683] {strides = array<i32>} : memref<1024xf32, #tpu.memory_space<vmem>>, vector<16xf32>,
      %get3A_685 = arith.constant 416 : index
      %get3A_686 = tpu.vector_load %arg16[%get3A_685] {strides = array<i32>} : memref<1024xf32, #tpu.memory_space<vmem>>, vector<16xf32>,
      %add3A_687 = arith.addf %get3A_684, %get3A_686 : vector<16xf32>
      %ge3A_688 = arith.constant 0.000000e+00 : f32
      %ge3A_689 = vector.broadcast %ge3A_688 : f32 to vector<16xf32>
      %ge3A_690 = arith.cmpf oge, %add3A_687, %ge3A_689 : vector<16xf32>
      %mul3A_691 = arith.constant 2.000000e-01 : f32
      %mul3A_692 = vector.broadcast %mul3A_691 : f32 to vector<16xf32>
      %mul3A_693 = arith.mulf %mul3A_692, %add3A_687 : vector<16xf32>
      %select_n3A_694 = arith.select %ge3A_690, %add3A_687, %mul3A_693 : vector<16xi1>, vector<16xf32>
      %exp3A_695 = math.exp %select_n3A_694 : vector<16xf32>
      %swap3A_696 = arith.constant 416 : index
      %swap3A_697 = tpu.vector_load %arg17[%swap3A_696] {strides = array<i32>} : memref<1024xf32, #tpu.memory_space<vmem>>, vector<16xf32>,
      tpu.vector_store %arg17[%swap3A_696], %exp3A_695 {strides = array<i32>} : memref<1024xf32, #tpu.memory_space<vmem>>, vector<16xf32>,
      %get3A_698 = arith.constant 432 : index
      %get3A_699 = tpu.vector_load %arg15[%get3A_698] {strides = array<i32>} : memref<1024xf32, #tpu.memory_space<vmem>>, vector<16xf32>,
      %get3A_700 = arith.constant 432 : index
      %get3A_701 = tpu.vector_load %arg16[%get3A_700] {strides = array<i32>} : memref<1024xf32, #tpu.memory_space<vmem>>, vector<16xf32>,
      %add3A_702 = arith.addf %get3A_699, %get3A_701 : vector<16xf32>
      %ge3A_703 = arith.constant 0.000000e+00 : f32
      %ge3A_704 = vector.broadcast %ge3A_703 : f32 to vector<16xf32>
      %ge3A_705 = arith.cmpf oge, %add3A_702, %ge3A_704 : vector<16xf32>
      %mul3A_706 = arith.constant 2.000000e-01 : f32
      %mul3A_707 = vector.broadcast %mul3A_706 : f32 to vector<16xf32>
      %mul3A_708 = arith.mulf %mul3A_707, %add3A_702 : vector<16xf32>
      %select_n3A_709 = arith.select %ge3A_705, %add3A_702, %mul3A_708 : vector<16xi1>, vector<16xf32>
      %exp3A_710 = math.exp %select_n3A_709 : vector<16xf32>
      %swap3A_711 = arith.constant 432 : index
      %swap3A_712 = tpu.vector_load %arg17[%swap3A_711] {strides = array<i32>} : memref<1024xf32, #tpu.memory_space<vmem>>, vector<16xf32>,
      tpu.vector_store %arg17[%swap3A_711], %exp3A_710 {strides = array<i32>} : memref<1024xf32, #tpu.memory_space<vmem>>, vector<16xf32>,
      %get3A_713 = arith.constant 448 : index
      %get3A_714 = tpu.vector_load %arg15[%get3A_713] {strides = array<i32>} : memref<1024xf32, #tpu.memory_space<vmem>>, vector<16xf32>,
      %get3A_715 = arith.constant 448 : index
      %get3A_716 = tpu.vector_load %arg16[%get3A_715] {strides = array<i32>} : memref<1024xf32, #tpu.memory_space<vmem>>, vector<16xf32>,
      %add3A_717 = arith.addf %get3A_714, %get3A_716 : vector<16xf32>
      %ge3A_718 = arith.constant 0.000000e+00 : f32
      %ge3A_719 = vector.broadcast %ge3A_718 : f32 to vector<16xf32>
      %ge3A_720 = arith.cmpf oge, %add3A_717, %ge3A_719 : vector<16xf32>
      %mul3A_721 = arith.constant 2.000000e-01 : f32
      %mul3A_722 = vector.broadcast %mul3A_721 : f32 to vector<16xf32>
      %mul3A_723 = arith.mulf %mul3A_722, %add3A_717 : vector<16xf32>
      %select_n3A_724 = arith.select %ge3A_720, %add3A_717, %mul3A_723 : vector<16xi1>, vector<16xf32>
      %exp3A_725 = math.exp %select_n3A_724 : vector<16xf32>
      %swap3A_726 = arith.constant 448 : index
      %swap3A_727 = tpu.vector_load %arg17[%swap3A_726] {strides = array<i32>} : memref<1024xf32, #tpu.memory_space<vmem>>, vector<16xf32>,
      tpu.vector_store %arg17[%swap3A_726], %exp3A_725 {strides = array<i32>} : memref<1024xf32, #tpu.memory_space<vmem>>, vector<16xf32>,
      %get3A_728 = arith.constant 464 : index
      %get3A_729 = tpu.vector_load %arg15[%get3A_728] {strides = array<i32>} : memref<1024xf32, #tpu.memory_space<vmem>>, vector<16xf32>,
      %get3A_730 = arith.constant 464 : index
      %get3A_731 = tpu.vector_load %arg16[%get3A_730] {strides = array<i32>} : memref<1024xf32, #tpu.memory_space<vmem>>, vector<16xf32>,
      %add3A_732 = arith.addf %get3A_729, %get3A_731 : vector<16xf32>
      %ge3A_733 = arith.constant 0.000000e+00 : f32
      %ge3A_734 = vector.broadcast %ge3A_733 : f32 to vector<16xf32>
      %ge3A_735 = arith.cmpf oge, %add3A_732, %ge3A_734 : vector<16xf32>
      %mul3A_736 = arith.constant 2.000000e-01 : f32
      %mul3A_737 = vector.broadcast %mul3A_736 : f32 to vector<16xf32>
      %mul3A_738 = arith.mulf %mul3A_737, %add3A_732 : vector<16xf32>
      %select_n3A_739 = arith.select %ge3A_735, %add3A_732, %mul3A_738 : vector<16xi1>, vector<16xf32>
      %exp3A_740 = math.exp %select_n3A_739 : vector<16xf32>
      %swap3A_741 = arith.constant 464 : index
      %swap3A_742 = tpu.vector_load %arg17[%swap3A_741] {strides = array<i32>} : memref<1024xf32, #tpu.memory_space<vmem>>, vector<16xf32>,
      tpu.vector_store %arg17[%swap3A_741], %exp3A_740 {strides = array<i32>} : memref<1024xf32, #tpu.memory_space<vmem>>, vector<16xf32>,
      %get3A_743 = arith.constant 480 : index
      %get3A_744 = tpu.vector_load %arg15[%get3A_743] {strides = array<i32>} : memref<1024xf32, #tpu.memory_space<vmem>>, vector<16xf32>,
      %get3A_745 = arith.constant 480 : index
      %get3A_746 = tpu.vector_load %arg16[%get3A_745] {strides = array<i32>} : memref<1024xf32, #tpu.memory_space<vmem>>, vector<16xf32>,
      %add3A_747 = arith.addf %get3A_744, %get3A_746 : vector<16xf32>
      %ge3A_748 = arith.constant 0.000000e+00 : f32
      %ge3A_749 = vector.broadcast %ge3A_748 : f32 to vector<16xf32>
      %ge3A_750 = arith.cmpf oge, %add3A_747, %ge3A_749 : vector<16xf32>
      %mul3A_751 = arith.constant 2.000000e-01 : f32
      %mul3A_752 = vector.broadcast %mul3A_751 : f32 to vector<16xf32>
      %mul3A_753 = arith.mulf %mul3A_752, %add3A_747 : vector<16xf32>
      %select_n3A_754 = arith.select %ge3A_750, %add3A_747, %mul3A_753 : vector<16xi1>, vector<16xf32>
      %exp3A_755 = math.exp %select_n3A_754 : vector<16xf32>
      %swap3A_756 = arith.constant 480 : index
      %swap3A_757 = tpu.vector_load %arg17[%swap3A_756] {strides = array<i32>} : memref<1024xf32, #tpu.memory_space<vmem>>, vector<16xf32>,
      tpu.vector_store %arg17[%swap3A_756], %exp3A_755 {strides = array<i32>} : memref<1024xf32, #tpu.memory_space<vmem>>, vector<16xf32>,
      %get3A_758 = arith.constant 496 : index
      %get3A_759 = tpu.vector_load %arg15[%get3A_758] {strides = array<i32>} : memref<1024xf32, #tpu.memory_space<vmem>>, vector<16xf32>,
      %get3A_760 = arith.constant 496 : index
      %get3A_761 = tpu.vector_load %arg16[%get3A_760] {strides = array<i32>} : memref<1024xf32, #tpu.memory_space<vmem>>, vector<16xf32>,
      %add3A_762 = arith.addf %get3A_759, %get3A_761 : vector<16xf32>
      %ge3A_763 = arith.constant 0.000000e+00 : f32
      %ge3A_764 = vector.broadcast %ge3A_763 : f32 to vector<16xf32>
      %ge3A_765 = arith.cmpf oge, %add3A_762, %ge3A_764 : vector<16xf32>
      %mul3A_766 = arith.constant 2.000000e-01 : f32
      %mul3A_767 = vector.broadcast %mul3A_766 : f32 to vector<16xf32>
      %mul3A_768 = arith.mulf %mul3A_767, %add3A_762 : vector<16xf32>
      %select_n3A_769 = arith.select %ge3A_765, %add3A_762, %mul3A_768 : vector<16xi1>, vector<16xf32>
      %exp3A_770 = math.exp %select_n3A_769 : vector<16xf32>
      %swap3A_771 = arith.constant 496 : index
      %swap3A_772 = tpu.vector_load %arg17[%swap3A_771] {strides = array<i32>} : memref<1024xf32, #tpu.memory_space<vmem>>, vector<16xf32>,
      tpu.vector_store %arg17[%swap3A_771], %exp3A_770 {strides = array<i32>} : memref<1024xf32, #tpu.memory_space<vmem>>, vector<16xf32>,
      %get3A_773 = arith.constant 512 : index
      %get3A_774 = tpu.vector_load %arg15[%get3A_773] {strides = array<i32>} : memref<1024xf32, #tpu.memory_space<vmem>>, vector<16xf32>,
      %get3A_775 = arith.constant 512 : index
      %get3A_776 = tpu.vector_load %arg16[%get3A_775] {strides = array<i32>} : memref<1024xf32, #tpu.memory_space<vmem>>, vector<16xf32>,
      %add3A_777 = arith.addf %get3A_774, %get3A_776 : vector<16xf32>
      %ge3A_778 = arith.constant 0.000000e+00 : f32
      %ge3A_779 = vector.broadcast %ge3A_778 : f32 to vector<16xf32>
      %ge3A_780 = arith.cmpf oge, %add3A_777, %ge3A_779 : vector<16xf32>
      %mul3A_781 = arith.constant 2.000000e-01 : f32
      %mul3A_782 = vector.broadcast %mul3A_781 : f32 to vector<16xf32>
      %mul3A_783 = arith.mulf %mul3A_782, %add3A_777 : vector<16xf32>
      %select_n3A_784 = arith.select %ge3A_780, %add3A_777, %mul3A_783 : vector<16xi1>, vector<16xf32>
      %exp3A_785 = math.exp %select_n3A_784 : vector<16xf32>
      %swap3A_786 = arith.constant 512 : index
      %swap3A_787 = tpu.vector_load %arg17[%swap3A_786] {strides = array<i32>} : memref<1024xf32, #tpu.memory_space<vmem>>, vector<16xf32>,
      tpu.vector_store %arg17[%swap3A_786], %exp3A_785 {strides = array<i32>} : memref<1024xf32, #tpu.memory_space<vmem>>, vector<16xf32>,
      %get3A_788 = arith.constant 528 : index
      %get3A_789 = tpu.vector_load %arg15[%get3A_788] {strides = array<i32>} : memref<1024xf32, #tpu.memory_space<vmem>>, vector<16xf32>,
      %get3A_790 = arith.constant 528 : index
      %get3A_791 = tpu.vector_load %arg16[%get3A_790] {strides = array<i32>} : memref<1024xf32, #tpu.memory_space<vmem>>, vector<16xf32>,
      %add3A_792 = arith.addf %get3A_789, %get3A_791 : vector<16xf32>
      %ge3A_793 = arith.constant 0.000000e+00 : f32
      %ge3A_794 = vector.broadcast %ge3A_793 : f32 to vector<16xf32>
      %ge3A_795 = arith.cmpf oge, %add3A_792, %ge3A_794 : vector<16xf32>
      %mul3A_796 = arith.constant 2.000000e-01 : f32
      %mul3A_797 = vector.broadcast %mul3A_796 : f32 to vector<16xf32>
      %mul3A_798 = arith.mulf %mul3A_797, %add3A_792 : vector<16xf32>
      %select_n3A_799 = arith.select %ge3A_795, %add3A_792, %mul3A_798 : vector<16xi1>, vector<16xf32>
      %exp3A_800 = math.exp %select_n3A_799 : vector<16xf32>
      %swap3A_801 = arith.constant 528 : index
      %swap3A_802 = tpu.vector_load %arg17[%swap3A_801] {strides = array<i32>} : memref<1024xf32, #tpu.memory_space<vmem>>, vector<16xf32>,
      tpu.vector_store %arg17[%swap3A_801], %exp3A_800 {strides = array<i32>} : memref<1024xf32, #tpu.memory_space<vmem>>, vector<16xf32>,
      %get3A_803 = arith.constant 544 : index
      %get3A_804 = tpu.vector_load %arg15[%get3A_803] {strides = array<i32>} : memref<1024xf32, #tpu.memory_space<vmem>>, vector<16xf32>,
      %get3A_805 = arith.constant 544 : index
      %get3A_806 = tpu.vector_load %arg16[%get3A_805] {strides = array<i32>} : memref<1024xf32, #tpu.memory_space<vmem>>, vector<16xf32>,
      %add3A_807 = arith.addf %get3A_804, %get3A_806 : vector<16xf32>
      %ge3A_808 = arith.constant 0.000000e+00 : f32
      %ge3A_809 = vector.broadcast %ge3A_808 : f32 to vector<16xf32>
      %ge3A_810 = arith.cmpf oge, %add3A_807, %ge3A_809 : vector<16xf32>
      %mul3A_811 = arith.constant 2.000000e-01 : f32
      %mul3A_812 = vector.broadcast %mul3A_811 : f32 to vector<16xf32>
      %mul3A_813 = arith.mulf %mul3A_812, %add3A_807 : vector<16xf32>
      %select_n3A_814 = arith.select %ge3A_810, %add3A_807, %mul3A_813 : vector<16xi1>, vector<16xf32>
      %exp3A_815 = math.exp %select_n3A_814 : vector<16xf32>
      %swap3A_816 = arith.constant 544 : index
      %swap3A_817 = tpu.vector_load %arg17[%swap3A_816] {strides = array<i32>} : memref<1024xf32, #tpu.memory_space<vmem>>, vector<16xf32>,
      tpu.vector_store %arg17[%swap3A_816], %exp3A_815 {strides = array<i32>} : memref<1024xf32, #tpu.memory_space<vmem>>, vector<16xf32>,
      %get3A_818 = arith.constant 560 : index
      %get3A_819 = tpu.vector_load %arg15[%get3A_818] {strides = array<i32>} : memref<1024xf32, #tpu.memory_space<vmem>>, vector<16xf32>,
      %get3A_820 = arith.constant 560 : index
      %get3A_821 = tpu.vector_load %arg16[%get3A_820] {strides = array<i32>} : memref<1024xf32, #tpu.memory_space<vmem>>, vector<16xf32>,
      %add3A_822 = arith.addf %get3A_819, %get3A_821 : vector<16xf32>
      %ge3A_823 = arith.constant 0.000000e+00 : f32
      %ge3A_824 = vector.broadcast %ge3A_823 : f32 to vector<16xf32>
      %ge3A_825 = arith.cmpf oge, %add3A_822, %ge3A_824 : vector<16xf32>
      %mul3A_826 = arith.constant 2.000000e-01 : f32
      %mul3A_827 = vector.broadcast %mul3A_826 : f32 to vector<16xf32>
      %mul3A_828 = arith.mulf %mul3A_827, %add3A_822 : vector<16xf32>
      %select_n3A_829 = arith.select %ge3A_825, %add3A_822, %mul3A_828 : vector<16xi1>, vector<16xf32>
      %exp3A_830 = math.exp %select_n3A_829 : vector<16xf32>
      %swap3A_831 = arith.constant 560 : index
      %swap3A_832 = tpu.vector_load %arg17[%swap3A_831] {strides = array<i32>} : memref<1024xf32, #tpu.memory_space<vmem>>, vector<16xf32>,
      tpu.vector_store %arg17[%swap3A_831], %exp3A_830 {strides = array<i32>} : memref<1024xf32, #tpu.memory_space<vmem>>, vector<16xf32>,
      %get3A_833 = arith.constant 576 : index
      %get3A_834 = tpu.vector_load %arg15[%get3A_833] {strides = array<i32>} : memref<1024xf32, #tpu.memory_space<vmem>>, vector<16xf32>,
      %get3A_835 = arith.constant 576 : index
      %get3A_836 = tpu.vector_load %arg16[%get3A_835] {strides = array<i32>} : memref<1024xf32, #tpu.memory_space<vmem>>, vector<16xf32>,
      %add3A_837 = arith.addf %get3A_834, %get3A_836 : vector<16xf32>
      %ge3A_838 = arith.constant 0.000000e+00 : f32
      %ge3A_839 = vector.broadcast %ge3A_838 : f32 to vector<16xf32>
      %ge3A_840 = arith.cmpf oge, %add3A_837, %ge3A_839 : vector<16xf32>
      %mul3A_841 = arith.constant 2.000000e-01 : f32
      %mul3A_842 = vector.broadcast %mul3A_841 : f32 to vector<16xf32>
      %mul3A_843 = arith.mulf %mul3A_842, %add3A_837 : vector<16xf32>
      %select_n3A_844 = arith.select %ge3A_840, %add3A_837, %mul3A_843 : vector<16xi1>, vector<16xf32>
      %exp3A_845 = math.exp %select_n3A_844 : vector<16xf32>
      %swap3A_846 = arith.constant 576 : index
      %swap3A_847 = tpu.vector_load %arg17[%swap3A_846] {strides = array<i32>} : memref<1024xf32, #tpu.memory_space<vmem>>, vector<16xf32>,
      tpu.vector_store %arg17[%swap3A_846], %exp3A_845 {strides = array<i32>} : memref<1024xf32, #tpu.memory_space<vmem>>, vector<16xf32>,
      %get3A_848 = arith.constant 592 : index
      %get3A_849 = tpu.vector_load %arg15[%get3A_848] {strides = array<i32>} : memref<1024xf32, #tpu.memory_space<vmem>>, vector<16xf32>,
      %get3A_850 = arith.constant 592 : index
      %get3A_851 = tpu.vector_load %arg16[%get3A_850] {strides = array<i32>} : memref<1024xf32, #tpu.memory_space<vmem>>, vector<16xf32>,
      %add3A_852 = arith.addf %get3A_849, %get3A_851 : vector<16xf32>
      %ge3A_853 = arith.constant 0.000000e+00 : f32
      %ge3A_854 = vector.broadcast %ge3A_853 : f32 to vector<16xf32>
      %ge3A_855 = arith.cmpf oge, %add3A_852, %ge3A_854 : vector<16xf32>
      %mul3A_856 = arith.constant 2.000000e-01 : f32
      %mul3A_857 = vector.broadcast %mul3A_856 : f32 to vector<16xf32>
      %mul3A_858 = arith.mulf %mul3A_857, %add3A_852 : vector<16xf32>
      %select_n3A_859 = arith.select %ge3A_855, %add3A_852, %mul3A_858 : vector<16xi1>, vector<16xf32>
      %exp3A_860 = math.exp %select_n3A_859 : vector<16xf32>
      %swap3A_861 = arith.constant 592 : index
      %swap3A_862 = tpu.vector_load %arg17[%swap3A_861] {strides = array<i32>} : memref<1024xf32, #tpu.memory_space<vmem>>, vector<16xf32>,
      tpu.vector_store %arg17[%swap3A_861], %exp3A_860 {strides = array<i32>} : memref<1024xf32, #tpu.memory_space<vmem>>, vector<16xf32>,
      %get3A_863 = arith.constant 608 : index
      %get3A_864 = tpu.vector_load %arg15[%get3A_863] {strides = array<i32>} : memref<1024xf32, #tpu.memory_space<vmem>>, vector<16xf32>,
      %get3A_865 = arith.constant 608 : index
      %get3A_866 = tpu.vector_load %arg16[%get3A_865] {strides = array<i32>} : memref<1024xf32, #tpu.memory_space<vmem>>, vector<16xf32>,
      %add3A_867 = arith.addf %get3A_864, %get3A_866 : vector<16xf32>
      %ge3A_868 = arith.constant 0.000000e+00 : f32
      %ge3A_869 = vector.broadcast %ge3A_868 : f32 to vector<16xf32>
      %ge3A_870 = arith.cmpf oge, %add3A_867, %ge3A_869 : vector<16xf32>
      %mul3A_871 = arith.constant 2.000000e-01 : f32
      %mul3A_872 = vector.broadcast %mul3A_871 : f32 to vector<16xf32>
      %mul3A_873 = arith.mulf %mul3A_872, %add3A_867 : vector<16xf32>
      %select_n3A_874 = arith.select %ge3A_870, %add3A_867, %mul3A_873 : vector<16xi1>, vector<16xf32>
      %exp3A_875 = math.exp %select_n3A_874 : vector<16xf32>
      %swap3A_876 = arith.constant 608 : index
      %swap3A_877 = tpu.vector_load %arg17[%swap3A_876] {strides = array<i32>} : memref<1024xf32, #tpu.memory_space<vmem>>, vector<16xf32>,
      tpu.vector_store %arg17[%swap3A_876], %exp3A_875 {strides = array<i32>} : memref<1024xf32, #tpu.memory_space<vmem>>, vector<16xf32>,
      %get3A_878 = arith.constant 624 : index
      %get3A_879 = tpu.vector_load %arg15[%get3A_878] {strides = array<i32>} : memref<1024xf32, #tpu.memory_space<vmem>>, vector<16xf32>,
      %get3A_880 = arith.constant 624 : index
      %get3A_881 = tpu.vector_load %arg16[%get3A_880] {strides = array<i32>} : memref<1024xf32, #tpu.memory_space<vmem>>, vector<16xf32>,
      %add3A_882 = arith.addf %get3A_879, %get3A_881 : vector<16xf32>
      %ge3A_883 = arith.constant 0.000000e+00 : f32
      %ge3A_884 = vector.broadcast %ge3A_883 : f32 to vector<16xf32>
      %ge3A_885 = arith.cmpf oge, %add3A_882, %ge3A_884 : vector<16xf32>
      %mul3A_886 = arith.constant 2.000000e-01 : f32
      %mul3A_887 = vector.broadcast %mul3A_886 : f32 to vector<16xf32>
      %mul3A_888 = arith.mulf %mul3A_887, %add3A_882 : vector<16xf32>
      %select_n3A_889 = arith.select %ge3A_885, %add3A_882, %mul3A_888 : vector<16xi1>, vector<16xf32>
      %exp3A_890 = math.exp %select_n3A_889 : vector<16xf32>
      %swap3A_891 = arith.constant 624 : index
      %swap3A_892 = tpu.vector_load %arg17[%swap3A_891] {strides = array<i32>} : memref<1024xf32, #tpu.memory_space<vmem>>, vector<16xf32>,
      tpu.vector_store %arg17[%swap3A_891], %exp3A_890 {strides = array<i32>} : memref<1024xf32, #tpu.memory_space<vmem>>, vector<16xf32>,
      %get3A_893 = arith.constant 640 : index
      %get3A_894 = tpu.vector_load %arg15[%get3A_893] {strides = array<i32>} : memref<1024xf32, #tpu.memory_space<vmem>>, vector<16xf32>,
      %get3A_895 = arith.constant 640 : index
      %get3A_896 = tpu.vector_load %arg16[%get3A_895] {strides = array<i32>} : memref<1024xf32, #tpu.memory_space<vmem>>, vector<16xf32>,
      %add3A_897 = arith.addf %get3A_894, %get3A_896 : vector<16xf32>
      %ge3A_898 = arith.constant 0.000000e+00 : f32
      %ge3A_899 = vector.broadcast %ge3A_898 : f32 to vector<16xf32>
      %ge3A_900 = arith.cmpf oge, %add3A_897, %ge3A_899 : vector<16xf32>
      %mul3A_901 = arith.constant 2.000000e-01 : f32
      %mul3A_902 = vector.broadcast %mul3A_901 : f32 to vector<16xf32>
      %mul3A_903 = arith.mulf %mul3A_902, %add3A_897 : vector<16xf32>
      %select_n3A_904 = arith.select %ge3A_900, %add3A_897, %mul3A_903 : vector<16xi1>, vector<16xf32>
      %exp3A_905 = math.exp %select_n3A_904 : vector<16xf32>
      %swap3A_906 = arith.constant 640 : index
      %swap3A_907 = tpu.vector_load %arg17[%swap3A_906] {strides = array<i32>} : memref<1024xf32, #tpu.memory_space<vmem>>, vector<16xf32>,
      tpu.vector_store %arg17[%swap3A_906], %exp3A_905 {strides = array<i32>} : memref<1024xf32, #tpu.memory_space<vmem>>, vector<16xf32>,
      %get3A_908 = arith.constant 656 : index
      %get3A_909 = tpu.vector_load %arg15[%get3A_908] {strides = array<i32>} : memref<1024xf32, #tpu.memory_space<vmem>>, vector<16xf32>,
      %get3A_910 = arith.constant 656 : index
      %get3A_911 = tpu.vector_load %arg16[%get3A_910] {strides = array<i32>} : memref<1024xf32, #tpu.memory_space<vmem>>, vector<16xf32>,
      %add3A_912 = arith.addf %get3A_909, %get3A_911 : vector<16xf32>
      %ge3A_913 = arith.constant 0.000000e+00 : f32
      %ge3A_914 = vector.broadcast %ge3A_913 : f32 to vector<16xf32>
      %ge3A_915 = arith.cmpf oge, %add3A_912, %ge3A_914 : vector<16xf32>
      %mul3A_916 = arith.constant 2.000000e-01 : f32
      %mul3A_917 = vector.broadcast %mul3A_916 : f32 to vector<16xf32>
      %mul3A_918 = arith.mulf %mul3A_917, %add3A_912 : vector<16xf32>
      %select_n3A_919 = arith.select %ge3A_915, %add3A_912, %mul3A_918 : vector<16xi1>, vector<16xf32>
      %exp3A_920 = math.exp %select_n3A_919 : vector<16xf32>
      %swap3A_921 = arith.constant 656 : index
      %swap3A_922 = tpu.vector_load %arg17[%swap3A_921] {strides = array<i32>} : memref<1024xf32, #tpu.memory_space<vmem>>, vector<16xf32>,
      tpu.vector_store %arg17[%swap3A_921], %exp3A_920 {strides = array<i32>} : memref<1024xf32, #tpu.memory_space<vmem>>, vector<16xf32>,
      %get3A_923 = arith.constant 672 : index
      %get3A_924 = tpu.vector_load %arg15[%get3A_923] {strides = array<i32>} : memref<1024xf32, #tpu.memory_space<vmem>>, vector<16xf32>,
      %get3A_925 = arith.constant 672 : index
      %get3A_926 = tpu.vector_load %arg16[%get3A_925] {strides = array<i32>} : memref<1024xf32, #tpu.memory_space<vmem>>, vector<16xf32>,
      %add3A_927 = arith.addf %get3A_924, %get3A_926 : vector<16xf32>
      %ge3A_928 = arith.constant 0.000000e+00 : f32
      %ge3A_929 = vector.broadcast %ge3A_928 : f32 to vector<16xf32>
      %ge3A_930 = arith.cmpf oge, %add3A_927, %ge3A_929 : vector<16xf32>
      %mul3A_931 = arith.constant 2.000000e-01 : f32
      %mul3A_932 = vector.broadcast %mul3A_931 : f32 to vector<16xf32>
      %mul3A_933 = arith.mulf %mul3A_932, %add3A_927 : vector<16xf32>
      %select_n3A_934 = arith.select %ge3A_930, %add3A_927, %mul3A_933 : vector<16xi1>, vector<16xf32>
      %exp3A_935 = math.exp %select_n3A_934 : vector<16xf32>
      %swap3A_936 = arith.constant 672 : index
      %swap3A_937 = tpu.vector_load %arg17[%swap3A_936] {strides = array<i32>} : memref<1024xf32, #tpu.memory_space<vmem>>, vector<16xf32>,
      tpu.vector_store %arg17[%swap3A_936], %exp3A_935 {strides = array<i32>} : memref<1024xf32, #tpu.memory_space<vmem>>, vector<16xf32>,
      %get3A_938 = arith.constant 688 : index
      %get3A_939 = tpu.vector_load %arg15[%get3A_938] {strides = array<i32>} : memref<1024xf32, #tpu.memory_space<vmem>>, vector<16xf32>,
      %get3A_940 = arith.constant 688 : index
      %get3A_941 = tpu.vector_load %arg16[%get3A_940] {strides = array<i32>} : memref<1024xf32, #tpu.memory_space<vmem>>, vector<16xf32>,
      %add3A_942 = arith.addf %get3A_939, %get3A_941 : vector<16xf32>
      %ge3A_943 = arith.constant 0.000000e+00 : f32
      %ge3A_944 = vector.broadcast %ge3A_943 : f32 to vector<16xf32>
      %ge3A_945 = arith.cmpf oge, %add3A_942, %ge3A_944 : vector<16xf32>
      %mul3A_946 = arith.constant 2.000000e-01 : f32
      %mul3A_947 = vector.broadcast %mul3A_946 : f32 to vector<16xf32>
      %mul3A_948 = arith.mulf %mul3A_947, %add3A_942 : vector<16xf32>
      %select_n3A_949 = arith.select %ge3A_945, %add3A_942, %mul3A_948 : vector<16xi1>, vector<16xf32>
      %exp3A_950 = math.exp %select_n3A_949 : vector<16xf32>
      %swap3A_951 = arith.constant 688 : index
      %swap3A_952 = tpu.vector_load %arg17[%swap3A_951] {strides = array<i32>} : memref<1024xf32, #tpu.memory_space<vmem>>, vector<16xf32>,
      tpu.vector_store %arg17[%swap3A_951], %exp3A_950 {strides = array<i32>} : memref<1024xf32, #tpu.memory_space<vmem>>, vector<16xf32>,
      %get3A_953 = arith.constant 704 : index
      %get3A_954 = tpu.vector_load %arg15[%get3A_953] {strides = array<i32>} : memref<1024xf32, #tpu.memory_space<vmem>>, vector<16xf32>,
      %get3A_955 = arith.constant 704 : index
      %get3A_956 = tpu.vector_load %arg16[%get3A_955] {strides = array<i32>} : memref<1024xf32, #tpu.memory_space<vmem>>, vector<16xf32>,
      %add3A_957 = arith.addf %get3A_954, %get3A_956 : vector<16xf32>
      %ge3A_958 = arith.constant 0.000000e+00 : f32
      %ge3A_959 = vector.broadcast %ge3A_958 : f32 to vector<16xf32>
      %ge3A_960 = arith.cmpf oge, %add3A_957, %ge3A_959 : vector<16xf32>
      %mul3A_961 = arith.constant 2.000000e-01 : f32
      %mul3A_962 = vector.broadcast %mul3A_961 : f32 to vector<16xf32>
      %mul3A_963 = arith.mulf %mul3A_962, %add3A_957 : vector<16xf32>
      %select_n3A_964 = arith.select %ge3A_960, %add3A_957, %mul3A_963 : vector<16xi1>, vector<16xf32>
      %exp3A_965 = math.exp %select_n3A_964 : vector<16xf32>
      %swap3A_966 = arith.constant 704 : index
      %swap3A_967 = tpu.vector_load %arg17[%swap3A_966] {strides = array<i32>} : memref<1024xf32, #tpu.memory_space<vmem>>, vector<16xf32>,
      tpu.vector_store %arg17[%swap3A_966], %exp3A_965 {strides = array<i32>} : memref<1024xf32, #tpu.memory_space<vmem>>, vector<16xf32>,
      %get3A_968 = arith.constant 720 : index
      %get3A_969 = tpu.vector_load %arg15[%get3A_968] {strides = array<i32>} : memref<1024xf32, #tpu.memory_space<vmem>>, vector<16xf32>,
      %get3A_970 = arith.constant 720 : index
      %get3A_971 = tpu.vector_load %arg16[%get3A_970] {strides = array<i32>} : memref<1024xf32, #tpu.memory_space<vmem>>, vector<16xf32>,
      %add3A_972 = arith.addf %get3A_969, %get3A_971 : vector<16xf32>
      %ge3A_973 = arith.constant 0.000000e+00 : f32
      %ge3A_974 = vector.broadcast %ge3A_973 : f32 to vector<16xf32>
      %ge3A_975 = arith.cmpf oge, %add3A_972, %ge3A_974 : vector<16xf32>
      %mul3A_976 = arith.constant 2.000000e-01 : f32
      %mul3A_977 = vector.broadcast %mul3A_976 : f32 to vector<16xf32>
      %mul3A_978 = arith.mulf %mul3A_977, %add3A_972 : vector<16xf32>
      %select_n3A_979 = arith.select %ge3A_975, %add3A_972, %mul3A_978 : vector<16xi1>, vector<16xf32>
      %exp3A_980 = math.exp %select_n3A_979 : vector<16xf32>
      %swap3A_981 = arith.constant 720 : index
      %swap3A_982 = tpu.vector_load %arg17[%swap3A_981] {strides = array<i32>} : memref<1024xf32, #tpu.memory_space<vmem>>, vector<16xf32>,
      tpu.vector_store %arg17[%swap3A_981], %exp3A_980 {strides = array<i32>} : memref<1024xf32, #tpu.memory_space<vmem>>, vector<16xf32>,
      %get3A_983 = arith.constant 736 : index
      %get3A_984 = tpu.vector_load %arg15[%get3A_983] {strides = array<i32>} : memref<1024xf32, #tpu.memory_space<vmem>>, vector<16xf32>,
      %get3A_985 = arith.constant 736 : index
      %get3A_986 = tpu.vector_load %arg16[%get3A_985] {strides = array<i32>} : memref<1024xf32, #tpu.memory_space<vmem>>, vector<16xf32>,
      %add3A_987 = arith.addf %get3A_984, %get3A_986 : vector<16xf32>
      %ge3A_988 = arith.constant 0.000000e+00 : f32
      %ge3A_989 = vector.broadcast %ge3A_988 : f32 to vector<16xf32>
      %ge3A_990 = arith.cmpf oge, %add3A_987, %ge3A_989 : vector<16xf32>
      %mul3A_991 = arith.constant 2.000000e-01 : f32
      %mul3A_992 = vector.broadcast %mul3A_991 : f32 to vector<16xf32>
      %mul3A_993 = arith.mulf %mul3A_992, %add3A_987 : vector<16xf32>
      %select_n3A_994 = arith.select %ge3A_990, %add3A_987, %mul3A_993 : vector<16xi1>, vector<16xf32>
      %exp3A_995 = math.exp %select_n3A_994 : vector<16xf32>
      %swap3A_996 = arith.constant 736 : index
      %swap3A_997 = tpu.vector_load %arg17[%swap3A_996] {strides = array<i32>} : memref<1024xf32, #tpu.memory_space<vmem>>, vector<16xf32>,
      tpu.vector_store %arg17[%swap3A_996], %exp3A_995 {strides = array<i32>} : memref<1024xf32, #tpu.memory_space<vmem>>, vector<16xf32>,
      %get3A_998 = arith.constant 752 : index
      %get3A_999 = tpu.vector_load %arg15[%get3A_998] {strides = array<i32>} : memref<1024xf32, #tpu.memory_space<vmem>>, vector<16xf32>,
      %get3A_1000 = arith.constant 752 : index
      %get3A_1001 = tpu.vector_load %arg16[%get3A_1000] {strides = array<i32>} : memref<1024xf32, #tpu.memory_space<vmem>>, vector<16xf32>,
      %add3A_1002 = arith.addf %get3A_999, %get3A_1001 : vector<16xf32>
      %ge3A_1003 = arith.constant 0.000000e+00 : f32
      %ge3A_1004 = vector.broadcast %ge3A_1003 : f32 to vector<16xf32>
      %ge3A_1005 = arith.cmpf oge, %add3A_1002, %ge3A_1004 : vector<16xf32>
      %mul3A_1006 = arith.constant 2.000000e-01 : f32
      %mul3A_1007 = vector.broadcast %mul3A_1006 : f32 to vector<16xf32>
      %mul3A_1008 = arith.mulf %mul3A_1007, %add3A_1002 : vector<16xf32>
      %select_n3A_1009 = arith.select %ge3A_1005, %add3A_1002, %mul3A_1008 : vector<16xi1>, vector<16xf32>
      %exp3A_1010 = math.exp %select_n3A_1009 : vector<16xf32>
      %swap3A_1011 = arith.constant 752 : index
      %swap3A_1012 = tpu.vector_load %arg17[%swap3A_1011] {strides = array<i32>} : memref<1024xf32, #tpu.memory_space<vmem>>, vector<16xf32>,
      tpu.vector_store %arg17[%swap3A_1011], %exp3A_1010 {strides = array<i32>} : memref<1024xf32, #tpu.memory_space<vmem>>, vector<16xf32>,
      %get3A_1013 = arith.constant 768 : index
      %get3A_1014 = tpu.vector_load %arg15[%get3A_1013] {strides = array<i32>} : memref<1024xf32, #tpu.memory_space<vmem>>, vector<16xf32>,
      %get3A_1015 = arith.constant 768 : index
      %get3A_1016 = tpu.vector_load %arg16[%get3A_1015] {strides = array<i32>} : memref<1024xf32, #tpu.memory_space<vmem>>, vector<16xf32>,
      %add3A_1017 = arith.addf %get3A_1014, %get3A_1016 : vector<16xf32>
      %ge3A_1018 = arith.constant 0.000000e+00 : f32
      %ge3A_1019 = vector.broadcast %ge3A_1018 : f32 to vector<16xf32>
      %ge3A_1020 = arith.cmpf oge, %add3A_1017, %ge3A_1019 : vector<16xf32>
      %mul3A_1021 = arith.constant 2.000000e-01 : f32
      %mul3A_1022 = vector.broadcast %mul3A_1021 : f32 to vector<16xf32>
      %mul3A_1023 = arith.mulf %mul3A_1022, %add3A_1017 : vector<16xf32>
      %select_n3A_1024 = arith.select %ge3A_1020, %add3A_1017, %mul3A_1023 : vector<16xi1>, vector<16xf32>
      %exp3A_1025 = math.exp %select_n3A_1024 : vector<16xf32>
      %swap3A_1026 = arith.constant 768 : index
      %swap3A_1027 = tpu.vector_load %arg17[%swap3A_1026] {strides = array<i32>} : memref<1024xf32, #tpu.memory_space<vmem>>, vector<16xf32>,
      tpu.vector_store %arg17[%swap3A_1026], %exp3A_1025 {strides = array<i32>} : memref<1024xf32, #tpu.memory_space<vmem>>, vector<16xf32>,
      %get3A_1028 = arith.constant 784 : index
      %get3A_1029 = tpu.vector_load %arg15[%get3A_1028] {strides = array<i32>} : memref<1024xf32, #tpu.memory_space<vmem>>, vector<16xf32>,
      %get3A_1030 = arith.constant 784 : index
      %get3A_1031 = tpu.vector_load %arg16[%get3A_1030] {strides = array<i32>} : memref<1024xf32, #tpu.memory_space<vmem>>, vector<16xf32>,
      %add3A_1032 = arith.addf %get3A_1029, %get3A_1031 : vector<16xf32>
      %ge3A_1033 = arith.constant 0.000000e+00 : f32
      %ge3A_1034 = vector.broadcast %ge3A_1033 : f32 to vector<16xf32>
      %ge3A_1035 = arith.cmpf oge, %add3A_1032, %ge3A_1034 : vector<16xf32>
      %mul3A_1036 = arith.constant 2.000000e-01 : f32
      %mul3A_1037 = vector.broadcast %mul3A_1036 : f32 to vector<16xf32>
      %mul3A_1038 = arith.mulf %mul3A_1037, %add3A_1032 : vector<16xf32>
      %select_n3A_1039 = arith.select %ge3A_1035, %add3A_1032, %mul3A_1038 : vector<16xi1>, vector<16xf32>
      %exp3A_1040 = math.exp %select_n3A_1039 : vector<16xf32>
      %swap3A_1041 = arith.constant 784 : index
      %swap3A_1042 = tpu.vector_load %arg17[%swap3A_1041] {strides = array<i32>} : memref<1024xf32, #tpu.memory_space<vmem>>, vector<16xf32>,
      tpu.vector_store %arg17[%swap3A_1041], %exp3A_1040 {strides = array<i32>} : memref<1024xf32, #tpu.memory_space<vmem>>, vector<16xf32>,
      %get3A_1043 = arith.constant 800 : index
      %get3A_1044 = tpu.vector_load %arg15[%get3A_1043] {strides = array<i32>} : memref<1024xf32, #tpu.memory_space<vmem>>, vector<16xf32>,
      %get3A_1045 = arith.constant 800 : index
      %get3A_1046 = tpu.vector_load %arg16[%get3A_1045] {strides = array<i32>} : memref<1024xf32, #tpu.memory_space<vmem>>, vector<16xf32>,
      %add3A_1047 = arith.addf %get3A_1044, %get3A_1046 : vector<16xf32>
      %ge3A_1048 = arith.constant 0.000000e+00 : f32
      %ge3A_1049 = vector.broadcast %ge3A_1048 : f32 to vector<16xf32>
      %ge3A_1050 = arith.cmpf oge, %add3A_1047, %ge3A_1049 : vector<16xf32>
      %mul3A_1051 = arith.constant 2.000000e-01 : f32
      %mul3A_1052 = vector.broadcast %mul3A_1051 : f32 to vector<16xf32>
      %mul3A_1053 = arith.mulf %mul3A_1052, %add3A_1047 : vector<16xf32>
      %select_n3A_1054 = arith.select %ge3A_1050, %add3A_1047, %mul3A_1053 : vector<16xi1>, vector<16xf32>
      %exp3A_1055 = math.exp %select_n3A_1054 : vector<16xf32>
      %swap3A_1056 = arith.constant 800 : index
      %swap3A_1057 = tpu.vector_load %arg17[%swap3A_1056] {strides = array<i32>} : memref<1024xf32, #tpu.memory_space<vmem>>, vector<16xf32>,
      tpu.vector_store %arg17[%swap3A_1056], %exp3A_1055 {strides = array<i32>} : memref<1024xf32, #tpu.memory_space<vmem>>, vector<16xf32>,
      %get3A_1058 = arith.constant 816 : index
      %get3A_1059 = tpu.vector_load %arg15[%get3A_1058] {strides = array<i32>} : memref<1024xf32, #tpu.memory_space<vmem>>, vector<16xf32>,
      %get3A_1060 = arith.constant 816 : index
      %get3A_1061 = tpu.vector_load %arg16[%get3A_1060] {strides = array<i32>} : memref<1024xf32, #tpu.memory_space<vmem>>, vector<16xf32>,
      %add3A_1062 = arith.addf %get3A_1059, %get3A_1061 : vector<16xf32>
      %ge3A_1063 = arith.constant 0.000000e+00 : f32
      %ge3A_1064 = vector.broadcast %ge3A_1063 : f32 to vector<16xf32>
      %ge3A_1065 = arith.cmpf oge, %add3A_1062, %ge3A_1064 : vector<16xf32>
      %mul3A_1066 = arith.constant 2.000000e-01 : f32
      %mul3A_1067 = vector.broadcast %mul3A_1066 : f32 to vector<16xf32>
      %mul3A_1068 = arith.mulf %mul3A_1067, %add3A_1062 : vector<16xf32>
      %select_n3A_1069 = arith.select %ge3A_1065, %add3A_1062, %mul3A_1068 : vector<16xi1>, vector<16xf32>
      %exp3A_1070 = math.exp %select_n3A_1069 : vector<16xf32>
      %swap3A_1071 = arith.constant 816 : index
      %swap3A_1072 = tpu.vector_load %arg17[%swap3A_1071] {strides = array<i32>} : memref<1024xf32, #tpu.memory_space<vmem>>, vector<16xf32>,
      tpu.vector_store %arg17[%swap3A_1071], %exp3A_1070 {strides = array<i32>} : memref<1024xf32, #tpu.memory_space<vmem>>, vector<16xf32>,
      %get3A_1073 = arith.constant 832 : index
      %get3A_1074 = tpu.vector_load %arg15[%get3A_1073] {strides = array<i32>} : memref<1024xf32, #tpu.memory_space<vmem>>, vector<16xf32>,
      %get3A_1075 = arith.constant 832 : index
      %get3A_1076 = tpu.vector_load %arg16[%get3A_1075] {strides = array<i32>} : memref<1024xf32, #tpu.memory_space<vmem>>, vector<16xf32>,
      %add3A_1077 = arith.addf %get3A_1074, %get3A_1076 : vector<16xf32>
      %ge3A_1078 = arith.constant 0.000000e+00 : f32
      %ge3A_1079 = vector.broadcast %ge3A_1078 : f32 to vector<16xf32>
      %ge3A_1080 = arith.cmpf oge, %add3A_1077, %ge3A_1079 : vector<16xf32>
      %mul3A_1081 = arith.constant 2.000000e-01 : f32
      %mul3A_1082 = vector.broadcast %mul3A_1081 : f32 to vector<16xf32>
      %mul3A_1083 = arith.mulf %mul3A_1082, %add3A_1077 : vector<16xf32>
      %select_n3A_1084 = arith.select %ge3A_1080, %add3A_1077, %mul3A_1083 : vector<16xi1>, vector<16xf32>
      %exp3A_1085 = math.exp %select_n3A_1084 : vector<16xf32>
      %swap3A_1086 = arith.constant 832 : index
      %swap3A_1087 = tpu.vector_load %arg17[%swap3A_1086] {strides = array<i32>} : memref<1024xf32, #tpu.memory_space<vmem>>, vector<16xf32>,
      tpu.vector_store %arg17[%swap3A_1086], %exp3A_1085 {strides = array<i32>} : memref<1024xf32, #tpu.memory_space<vmem>>, vector<16xf32>,
      %get3A_1088 = arith.constant 848 : index
      %get3A_1089 = tpu.vector_load %arg15[%get3A_1088] {strides = array<i32>} : memref<1024xf32, #tpu.memory_space<vmem>>, vector<16xf32>,
      %get3A_1090 = arith.constant 848 : index
      %get3A_1091 = tpu.vector_load %arg16[%get3A_1090] {strides = array<i32>} : memref<1024xf32, #tpu.memory_space<vmem>>, vector<16xf32>,
      %add3A_1092 = arith.addf %get3A_1089, %get3A_1091 : vector<16xf32>
      %ge3A_1093 = arith.constant 0.000000e+00 : f32
      %ge3A_1094 = vector.broadcast %ge3A_1093 : f32 to vector<16xf32>
      %ge3A_1095 = arith.cmpf oge, %add3A_1092, %ge3A_1094 : vector<16xf32>
      %mul3A_1096 = arith.constant 2.000000e-01 : f32
      %mul3A_1097 = vector.broadcast %mul3A_1096 : f32 to vector<16xf32>
      %mul3A_1098 = arith.mulf %mul3A_1097, %add3A_1092 : vector<16xf32>
      %select_n3A_1099 = arith.select %ge3A_1095, %add3A_1092, %mul3A_1098 : vector<16xi1>, vector<16xf32>
      %exp3A_1100 = math.exp %select_n3A_1099 : vector<16xf32>
      %swap3A_1101 = arith.constant 848 : index
      %swap3A_1102 = tpu.vector_load %arg17[%swap3A_1101] {strides = array<i32>} : memref<1024xf32, #tpu.memory_space<vmem>>, vector<16xf32>,
      tpu.vector_store %arg17[%swap3A_1101], %exp3A_1100 {strides = array<i32>} : memref<1024xf32, #tpu.memory_space<vmem>>, vector<16xf32>,
      %get3A_1103 = arith.constant 864 : index
      %get3A_1104 = tpu.vector_load %arg15[%get3A_1103] {strides = array<i32>} : memref<1024xf32, #tpu.memory_space<vmem>>, vector<16xf32>,
      %get3A_1105 = arith.constant 864 : index
      %get3A_1106 = tpu.vector_load %arg16[%get3A_1105] {strides = array<i32>} : memref<1024xf32, #tpu.memory_space<vmem>>, vector<16xf32>,
      %add3A_1107 = arith.addf %get3A_1104, %get3A_1106 : vector<16xf32>
      %ge3A_1108 = arith.constant 0.000000e+00 : f32
      %ge3A_1109 = vector.broadcast %ge3A_1108 : f32 to vector<16xf32>
      %ge3A_1110 = arith.cmpf oge, %add3A_1107, %ge3A_1109 : vector<16xf32>
      %mul3A_1111 = arith.constant 2.000000e-01 : f32
      %mul3A_1112 = vector.broadcast %mul3A_1111 : f32 to vector<16xf32>
      %mul3A_1113 = arith.mulf %mul3A_1112, %add3A_1107 : vector<16xf32>
      %select_n3A_1114 = arith.select %ge3A_1110, %add3A_1107, %mul3A_1113 : vector<16xi1>, vector<16xf32>
      %exp3A_1115 = math.exp %select_n3A_1114 : vector<16xf32>
      %swap3A_1116 = arith.constant 864 : index
      %swap3A_1117 = tpu.vector_load %arg17[%swap3A_1116] {strides = array<i32>} : memref<1024xf32, #tpu.memory_space<vmem>>, vector<16xf32>,
      tpu.vector_store %arg17[%swap3A_1116], %exp3A_1115 {strides = array<i32>} : memref<1024xf32, #tpu.memory_space<vmem>>, vector<16xf32>,
      %get3A_1118 = arith.constant 880 : index
      %get3A_1119 = tpu.vector_load %arg15[%get3A_1118] {strides = array<i32>} : memref<1024xf32, #tpu.memory_space<vmem>>, vector<16xf32>,
      %get3A_1120 = arith.constant 880 : index
      %get3A_1121 = tpu.vector_load %arg16[%get3A_1120] {strides = array<i32>} : memref<1024xf32, #tpu.memory_space<vmem>>, vector<16xf32>,
      %add3A_1122 = arith.addf %get3A_1119, %get3A_1121 : vector<16xf32>
      %ge3A_1123 = arith.constant 0.000000e+00 : f32
      %ge3A_1124 = vector.broadcast %ge3A_1123 : f32 to vector<16xf32>
      %ge3A_1125 = arith.cmpf oge, %add3A_1122, %ge3A_1124 : vector<16xf32>
      %mul3A_1126 = arith.constant 2.000000e-01 : f32
      %mul3A_1127 = vector.broadcast %mul3A_1126 : f32 to vector<16xf32>
      %mul3A_1128 = arith.mulf %mul3A_1127, %add3A_1122 : vector<16xf32>
      %select_n3A_1129 = arith.select %ge3A_1125, %add3A_1122, %mul3A_1128 : vector<16xi1>, vector<16xf32>
      %exp3A_1130 = math.exp %select_n3A_1129 : vector<16xf32>
      %swap3A_1131 = arith.constant 880 : index
      %swap3A_1132 = tpu.vector_load %arg17[%swap3A_1131] {strides = array<i32>} : memref<1024xf32, #tpu.memory_space<vmem>>, vector<16xf32>,
      tpu.vector_store %arg17[%swap3A_1131], %exp3A_1130 {strides = array<i32>} : memref<1024xf32, #tpu.memory_space<vmem>>, vector<16xf32>,
      %get3A_1133 = arith.constant 896 : index
      %get3A_1134 = tpu.vector_load %arg15[%get3A_1133] {strides = array<i32>} : memref<1024xf32, #tpu.memory_space<vmem>>, vector<16xf32>,
      %get3A_1135 = arith.constant 896 : index
      %get3A_1136 = tpu.vector_load %arg16[%get3A_1135] {strides = array<i32>} : memref<1024xf32, #tpu.memory_space<vmem>>, vector<16xf32>,
      %add3A_1137 = arith.addf %get3A_1134, %get3A_1136 : vector<16xf32>
      %ge3A_1138 = arith.constant 0.000000e+00 : f32
      %ge3A_1139 = vector.broadcast %ge3A_1138 : f32 to vector<16xf32>
      %ge3A_1140 = arith.cmpf oge, %add3A_1137, %ge3A_1139 : vector<16xf32>
      %mul3A_1141 = arith.constant 2.000000e-01 : f32
      %mul3A_1142 = vector.broadcast %mul3A_1141 : f32 to vector<16xf32>
      %mul3A_1143 = arith.mulf %mul3A_1142, %add3A_1137 : vector<16xf32>
      %select_n3A_1144 = arith.select %ge3A_1140, %add3A_1137, %mul3A_1143 : vector<16xi1>, vector<16xf32>
      %exp3A_1145 = math.exp %select_n3A_1144 : vector<16xf32>
      %swap3A_1146 = arith.constant 896 : index
      %swap3A_1147 = tpu.vector_load %arg17[%swap3A_1146] {strides = array<i32>} : memref<1024xf32, #tpu.memory_space<vmem>>, vector<16xf32>,
      tpu.vector_store %arg17[%swap3A_1146], %exp3A_1145 {strides = array<i32>} : memref<1024xf32, #tpu.memory_space<vmem>>, vector<16xf32>,
      %get3A_1148 = arith.constant 912 : index
      %get3A_1149 = tpu.vector_load %arg15[%get3A_1148] {strides = array<i32>} : memref<1024xf32, #tpu.memory_space<vmem>>, vector<16xf32>,
      %get3A_1150 = arith.constant 912 : index
      %get3A_1151 = tpu.vector_load %arg16[%get3A_1150] {strides = array<i32>} : memref<1024xf32, #tpu.memory_space<vmem>>, vector<16xf32>,
      %add3A_1152 = arith.addf %get3A_1149, %get3A_1151 : vector<16xf32>
      %ge3A_1153 = arith.constant 0.000000e+00 : f32
      %ge3A_1154 = vector.broadcast %ge3A_1153 : f32 to vector<16xf32>
      %ge3A_1155 = arith.cmpf oge, %add3A_1152, %ge3A_1154 : vector<16xf32>
      %mul3A_1156 = arith.constant 2.000000e-01 : f32
      %mul3A_1157 = vector.broadcast %mul3A_1156 : f32 to vector<16xf32>
      %mul3A_1158 = arith.mulf %mul3A_1157, %add3A_1152 : vector<16xf32>
      %select_n3A_1159 = arith.select %ge3A_1155, %add3A_1152, %mul3A_1158 : vector<16xi1>, vector<16xf32>
      %exp3A_1160 = math.exp %select_n3A_1159 : vector<16xf32>
      %swap3A_1161 = arith.constant 912 : index
      %swap3A_1162 = tpu.vector_load %arg17[%swap3A_1161] {strides = array<i32>} : memref<1024xf32, #tpu.memory_space<vmem>>, vector<16xf32>,
      tpu.vector_store %arg17[%swap3A_1161], %exp3A_1160 {strides = array<i32>} : memref<1024xf32, #tpu.memory_space<vmem>>, vector<16xf32>,
      %get3A_1163 = arith.constant 928 : index
      %get3A_1164 = tpu.vector_load %arg15[%get3A_1163] {strides = array<i32>} : memref<1024xf32, #tpu.memory_space<vmem>>, vector<16xf32>,
      %get3A_1165 = arith.constant 928 : index
      %get3A_1166 = tpu.vector_load %arg16[%get3A_1165] {strides = array<i32>} : memref<1024xf32, #tpu.memory_space<vmem>>, vector<16xf32>,
      %add3A_1167 = arith.addf %get3A_1164, %get3A_1166 : vector<16xf32>
      %ge3A_1168 = arith.constant 0.000000e+00 : f32
      %ge3A_1169 = vector.broadcast %ge3A_1168 : f32 to vector<16xf32>
      %ge3A_1170 = arith.cmpf oge, %add3A_1167, %ge3A_1169 : vector<16xf32>
      %mul3A_1171 = arith.constant 2.000000e-01 : f32
      %mul3A_1172 = vector.broadcast %mul3A_1171 : f32 to vector<16xf32>
      %mul3A_1173 = arith.mulf %mul3A_1172, %add3A_1167 : vector<16xf32>
      %select_n3A_1174 = arith.select %ge3A_1170, %add3A_1167, %mul3A_1173 : vector<16xi1>, vector<16xf32>
      %exp3A_1175 = math.exp %select_n3A_1174 : vector<16xf32>
      %swap3A_1176 = arith.constant 928 : index
      %swap3A_1177 = tpu.vector_load %arg17[%swap3A_1176] {strides = array<i32>} : memref<1024xf32, #tpu.memory_space<vmem>>, vector<16xf32>,
      tpu.vector_store %arg17[%swap3A_1176], %exp3A_1175 {strides = array<i32>} : memref<1024xf32, #tpu.memory_space<vmem>>, vector<16xf32>,
      %get3A_1178 = arith.constant 944 : index
      %get3A_1179 = tpu.vector_load %arg15[%get3A_1178] {strides = array<i32>} : memref<1024xf32, #tpu.memory_space<vmem>>, vector<16xf32>,
      %get3A_1180 = arith.constant 944 : index
      %get3A_1181 = tpu.vector_load %arg16[%get3A_1180] {strides = array<i32>} : memref<1024xf32, #tpu.memory_space<vmem>>, vector<16xf32>,
      %add3A_1182 = arith.addf %get3A_1179, %get3A_1181 : vector<16xf32>
      %ge3A_1183 = arith.constant 0.000000e+00 : f32
      %ge3A_1184 = vector.broadcast %ge3A_1183 : f32 to vector<16xf32>
      %ge3A_1185 = arith.cmpf oge, %add3A_1182, %ge3A_1184 : vector<16xf32>
      %mul3A_1186 = arith.constant 2.000000e-01 : f32
      %mul3A_1187 = vector.broadcast %mul3A_1186 : f32 to vector<16xf32>
      %mul3A_1188 = arith.mulf %mul3A_1187, %add3A_1182 : vector<16xf32>
      %select_n3A_1189 = arith.select %ge3A_1185, %add3A_1182, %mul3A_1188 : vector<16xi1>, vector<16xf32>
      %exp3A_1190 = math.exp %select_n3A_1189 : vector<16xf32>
      %swap3A_1191 = arith.constant 944 : index
      %swap3A_1192 = tpu.vector_load %arg17[%swap3A_1191] {strides = array<i32>} : memref<1024xf32, #tpu.memory_space<vmem>>, vector<16xf32>,
      tpu.vector_store %arg17[%swap3A_1191], %exp3A_1190 {strides = array<i32>} : memref<1024xf32, #tpu.memory_space<vmem>>, vector<16xf32>,
      %get3A_1193 = arith.constant 960 : index
      %get3A_1194 = tpu.vector_load %arg15[%get3A_1193] {strides = array<i32>} : memref<1024xf32, #tpu.memory_space<vmem>>, vector<16xf32>,
      %get3A_1195 = arith.constant 960 : index
      %get3A_1196 = tpu.vector_load %arg16[%get3A_1195] {strides = array<i32>} : memref<1024xf32, #tpu.memory_space<vmem>>, vector<16xf32>,
      %add3A_1197 = arith.addf %get3A_1194, %get3A_1196 : vector<16xf32>
      %ge3A_1198 = arith.constant 0.000000e+00 : f32
      %ge3A_1199 = vector.broadcast %ge3A_1198 : f32 to vector<16xf32>
      %ge3A_1200 = arith.cmpf oge, %add3A_1197, %ge3A_1199 : vector<16xf32>
      %mul3A_1201 = arith.constant 2.000000e-01 : f32
      %mul3A_1202 = vector.broadcast %mul3A_1201 : f32 to vector<16xf32>
      %mul3A_1203 = arith.mulf %mul3A_1202, %add3A_1197 : vector<16xf32>
      %select_n3A_1204 = arith.select %ge3A_1200, %add3A_1197, %mul3A_1203 : vector<16xi1>, vector<16xf32>
      %exp3A_1205 = math.exp %select_n3A_1204 : vector<16xf32>
      %swap3A_1206 = arith.constant 960 : index
      %swap3A_1207 = tpu.vector_load %arg17[%swap3A_1206] {strides = array<i32>} : memref<1024xf32, #tpu.memory_space<vmem>>, vector<16xf32>,
      tpu.vector_store %arg17[%swap3A_1206], %exp3A_1205 {strides = array<i32>} : memref<1024xf32, #tpu.memory_space<vmem>>, vector<16xf32>,
      %get3A_1208 = arith.constant 976 : index
      %get3A_1209 = tpu.vector_load %arg15[%get3A_1208] {strides = array<i32>} : memref<1024xf32, #tpu.memory_space<vmem>>, vector<16xf32>,
      %get3A_1210 = arith.constant 976 : index
      %get3A_1211 = tpu.vector_load %arg16[%get3A_1210] {strides = array<i32>} : memref<1024xf32, #tpu.memory_space<vmem>>, vector<16xf32>,
      %add3A_1212 = arith.addf %get3A_1209, %get3A_1211 : vector<16xf32>
      %ge3A_1213 = arith.constant 0.000000e+00 : f32
      %ge3A_1214 = vector.broadcast %ge3A_1213 : f32 to vector<16xf32>
      %ge3A_1215 = arith.cmpf oge, %add3A_1212, %ge3A_1214 : vector<16xf32>
      %mul3A_1216 = arith.constant 2.000000e-01 : f32
      %mul3A_1217 = vector.broadcast %mul3A_1216 : f32 to vector<16xf32>
      %mul3A_1218 = arith.mulf %mul3A_1217, %add3A_1212 : vector<16xf32>
      %select_n3A_1219 = arith.select %ge3A_1215, %add3A_1212, %mul3A_1218 : vector<16xi1>, vector<16xf32>
      %exp3A_1220 = math.exp %select_n3A_1219 : vector<16xf32>
      %swap3A_1221 = arith.constant 976 : index
      %swap3A_1222 = tpu.vector_load %arg17[%swap3A_1221] {strides = array<i32>} : memref<1024xf32, #tpu.memory_space<vmem>>, vector<16xf32>,
      tpu.vector_store %arg17[%swap3A_1221], %exp3A_1220 {strides = array<i32>} : memref<1024xf32, #tpu.memory_space<vmem>>, vector<16xf32>,
      %get3A_1223 = arith.constant 992 : index
      %get3A_1224 = tpu.vector_load %arg15[%get3A_1223] {strides = array<i32>} : memref<1024xf32, #tpu.memory_space<vmem>>, vector<16xf32>,
      %get3A_1225 = arith.constant 992 : index
      %get3A_1226 = tpu.vector_load %arg16[%get3A_1225] {strides = array<i32>} : memref<1024xf32, #tpu.memory_space<vmem>>, vector<16xf32>,
      %add3A_1227 = arith.addf %get3A_1224, %get3A_1226 : vector<16xf32>
      %ge3A_1228 = arith.constant 0.000000e+00 : f32
      %ge3A_1229 = vector.broadcast %ge3A_1228 : f32 to vector<16xf32>
      %ge3A_1230 = arith.cmpf oge, %add3A_1227, %ge3A_1229 : vector<16xf32>
      %mul3A_1231 = arith.constant 2.000000e-01 : f32
      %mul3A_1232 = vector.broadcast %mul3A_1231 : f32 to vector<16xf32>
      %mul3A_1233 = arith.mulf %mul3A_1232, %add3A_1227 : vector<16xf32>
      %select_n3A_1234 = arith.select %ge3A_1230, %add3A_1227, %mul3A_1233 : vector<16xi1>, vector<16xf32>
      %exp3A_1235 = math.exp %select_n3A_1234 : vector<16xf32>
      %swap3A_1236 = arith.constant 992 : index
      %swap3A_1237 = tpu.vector_load %arg17[%swap3A_1236] {strides = array<i32>} : memref<1024xf32, #tpu.memory_space<vmem>>, vector<16xf32>,
      tpu.vector_store %arg17[%swap3A_1236], %exp3A_1235 {strides = array<i32>} : memref<1024xf32, #tpu.memory_space<vmem>>, vector<16xf32>,
      %get3A_1238 = arith.constant 1008 : index
      %get3A_1239 = tpu.vector_load %arg15[%get3A_1238] {strides = array<i32>} : memref<1024xf32, #tpu.memory_space<vmem>>, vector<16xf32>,
      %get3A_1240 = arith.constant 1008 : index
      %get3A_1241 = tpu.vector_load %arg16[%get3A_1240] {strides = array<i32>} : memref<1024xf32, #tpu.memory_space<vmem>>, vector<16xf32>,
      %add3A_1242 = arith.addf %get3A_1239, %get3A_1241 : vector<16xf32>
      %ge3A_1243 = arith.constant 0.000000e+00 : f32
      %ge3A_1244 = vector.broadcast %ge3A_1243 : f32 to vector<16xf32>
      %ge3A_1245 = arith.cmpf oge, %add3A_1242, %ge3A_1244 : vector<16xf32>
      %mul3A_1246 = arith.constant 2.000000e-01 : f32
      %mul3A_1247 = vector.broadcast %mul3A_1246 : f32 to vector<16xf32>
      %mul3A_1248 = arith.mulf %mul3A_1247, %add3A_1242 : vector<16xf32>
      %select_n3A_1249 = arith.select %ge3A_1245, %add3A_1242, %mul3A_1248 : vector<16xi1>, vector<16xf32>
      %exp3A_1250 = math.exp %select_n3A_1249 : vector<16xf32>
      %swap3A_1251 = arith.constant 1008 : index
      %swap3A_1252 = tpu.vector_load %arg17[%swap3A_1251] {strides = array<i32>} : memref<1024xf32, #tpu.memory_space<vmem>>, vector<16xf32>,
      tpu.vector_store %arg17[%swap3A_1251], %exp3A_1250 {strides = array<i32>} : memref<1024xf32, #tpu.memory_space<vmem>>, vector<16xf32>,
      %run_scoped3A = arith.constant 0 : i32
      "tpu.region"() ({
        %run_scoped3A_1452 = tpu.sem_alloc : memref<!tpu.dma_semaphore, #tpu.memory_space<semaphore_mem>>
        %dma_start3A_1453 = arith.constant 0 : i32
        %dma_start3A_1454 = tpu.memref_slice %arg17[%dma_start3A_1453] : memref<1024xf32, #tpu.memory_space<vmem>> -> memref<128xf32, #tpu.memory_space<vmem>>
        %dma_start3A_1455 = arith.constant 0 : i32
        %dma_start3A_1456 = tpu.memref_slice %arg14[%run_scoped3A, %dma_start3A_1455] : memref<8x128xi32, #tpu.memory_space<vmem>> -> memref<1x128xi32, #tpu.memory_space<vmem>>
        %dma_start3A_1457 = tpu.memref_squeeze %dma_start3A_1456 : memref<1x128xi32, #tpu.memory_space<vmem>> -> memref<128xi32, #tpu.memory_space<vmem>>
        %dma_start3A_1458 = arith.constant 0 : i32
        %dma_start3A_1459 = tpu.memref_slice %arg12[%dma_start3A_1458] : memref<10240xf32, #tpu.memory_space<vmem_shared>> -> memref<10240xf32, #tpu.memory_space<vmem_shared>>
        tpu.enqueue_indirect_dma source(%dma_start3A_1454 : memref<128xf32, #tpu.memory_space<vmem>>) target(%dma_start3A_1459 : memref<10240xf32, #tpu.memory_space<vmem_shared>>) offsets(%dma_start3A_1457 : memref<128xi32, #tpu.memory_space<vmem>>) semaphore(%run_scoped3A_1452 : memref<!tpu.dma_semaphore, #tpu.memory_space<semaphore_mem>>) {add = true}
        %dma_wait3A_1460 = arith.constant 0 : i32
        %dma_wait3A_1461 = tpu.memref_slice %arg17[%dma_wait3A_1460] : memref<1024xf32, #tpu.memory_space<vmem>> -> memref<128xf32, #tpu.memory_space<vmem>>
        %dma_wait3A_1462 = arith.constant 0 : i32
        %dma_wait3A_1463 = tpu.memref_slice %arg14[%run_scoped3A, %dma_wait3A_1462] : memref<8x128xi32, #tpu.memory_space<vmem>> -> memref<1x128xi32, #tpu.memory_space<vmem>>
        %dma_wait3A_1464 = tpu.memref_squeeze %dma_wait3A_1463 : memref<1x128xi32, #tpu.memory_space<vmem>> -> memref<128xi32, #tpu.memory_space<vmem>>
        %dma_wait3A_1465 = arith.constant 0 : i32
        %dma_wait3A_1466 = tpu.memref_slice %arg12[%dma_wait3A_1465] : memref<10240xf32, #tpu.memory_space<vmem_shared>> -> memref<10240xf32, #tpu.memory_space<vmem_shared>>
        tpu.wait_indirect_dma semaphore(%run_scoped3A_1452 : memref<!tpu.dma_semaphore, #tpu.memory_space<semaphore_mem>>) src(%dma_wait3A_1461 : memref<128xf32, #tpu.memory_space<vmem>>) dst(%dma_wait3A_1466 : memref<10240xf32, #tpu.memory_space<vmem_shared>>)
        tpu.yield
      }) : () -> ()
      %run_scoped3A_1253 = arith.constant 1 : i32
      "tpu.region"() ({
        %run_scoped3A_1452 = tpu.sem_alloc : memref<!tpu.dma_semaphore, #tpu.memory_space<semaphore_mem>>
        %dma_start3A_1453 = arith.constant 128 : i32
        %dma_start3A_1454 = tpu.memref_slice %arg17[%dma_start3A_1453] : memref<1024xf32, #tpu.memory_space<vmem>> -> memref<128xf32, #tpu.memory_space<vmem>>
        %dma_start3A_1455 = arith.constant 0 : i32
        %dma_start3A_1456 = tpu.memref_slice %arg14[%run_scoped3A_1253, %dma_start3A_1455] : memref<8x128xi32, #tpu.memory_space<vmem>> -> memref<1x128xi32, #tpu.memory_space<vmem>>
        %dma_start3A_1457 = tpu.memref_squeeze %dma_start3A_1456 : memref<1x128xi32, #tpu.memory_space<vmem>> -> memref<128xi32, #tpu.memory_space<vmem>>
        %dma_start3A_1458 = arith.constant 0 : i32
        %dma_start3A_1459 = tpu.memref_slice %arg12[%dma_start3A_1458] : memref<10240xf32, #tpu.memory_space<vmem_shared>> -> memref<10240xf32, #tpu.memory_space<vmem_shared>>
        tpu.enqueue_indirect_dma source(%dma_start3A_1454 : memref<128xf32, #tpu.memory_space<vmem>>) target(%dma_start3A_1459 : memref<10240xf32, #tpu.memory_space<vmem_shared>>) offsets(%dma_start3A_1457 : memref<128xi32, #tpu.memory_space<vmem>>) semaphore(%run_scoped3A_1452 : memref<!tpu.dma_semaphore, #tpu.memory_space<semaphore_mem>>) {add = true}
        %dma_wait3A_1460 = arith.constant 128 : i32
        %dma_wait3A_1461 = tpu.memref_slice %arg17[%dma_wait3A_1460] : memref<1024xf32, #tpu.memory_space<vmem>> -> memref<128xf32, #tpu.memory_space<vmem>>
        %dma_wait3A_1462 = arith.constant 0 : i32
        %dma_wait3A_1463 = tpu.memref_slice %arg14[%run_scoped3A_1253, %dma_wait3A_1462] : memref<8x128xi32, #tpu.memory_space<vmem>> -> memref<1x128xi32, #tpu.memory_space<vmem>>
        %dma_wait3A_1464 = tpu.memref_squeeze %dma_wait3A_1463 : memref<1x128xi32, #tpu.memory_space<vmem>> -> memref<128xi32, #tpu.memory_space<vmem>>
        %dma_wait3A_1465 = arith.constant 0 : i32
        %dma_wait3A_1466 = tpu.memref_slice %arg12[%dma_wait3A_1465] : memref<10240xf32, #tpu.memory_space<vmem_shared>> -> memref<10240xf32, #tpu.memory_space<vmem_shared>>
        tpu.wait_indirect_dma semaphore(%run_scoped3A_1452 : memref<!tpu.dma_semaphore, #tpu.memory_space<semaphore_mem>>) src(%dma_wait3A_1461 : memref<128xf32, #tpu.memory_space<vmem>>) dst(%dma_wait3A_1466 : memref<10240xf32, #tpu.memory_space<vmem_shared>>)
        tpu.yield
      }) : () -> ()
      %run_scoped3A_1254 = arith.constant 2 : i32
      "tpu.region"() ({
        %run_scoped3A_1452 = tpu.sem_alloc : memref<!tpu.dma_semaphore, #tpu.memory_space<semaphore_mem>>
        %dma_start3A_1453 = arith.constant 256 : i32
        %dma_start3A_1454 = tpu.memref_slice %arg17[%dma_start3A_1453] : memref<1024xf32, #tpu.memory_space<vmem>> -> memref<128xf32, #tpu.memory_space<vmem>>
        %dma_start3A_1455 = arith.constant 0 : i32
        %dma_start3A_1456 = tpu.memref_slice %arg14[%run_scoped3A_1254, %dma_start3A_1455] : memref<8x128xi32, #tpu.memory_space<vmem>> -> memref<1x128xi32, #tpu.memory_space<vmem>>
        %dma_start3A_1457 = tpu.memref_squeeze %dma_start3A_1456 : memref<1x128xi32, #tpu.memory_space<vmem>> -> memref<128xi32, #tpu.memory_space<vmem>>
        %dma_start3A_1458 = arith.constant 0 : i32
        %dma_start3A_1459 = tpu.memref_slice %arg12[%dma_start3A_1458] : memref<10240xf32, #tpu.memory_space<vmem_shared>> -> memref<10240xf32, #tpu.memory_space<vmem_shared>>
        tpu.enqueue_indirect_dma source(%dma_start3A_1454 : memref<128xf32, #tpu.memory_space<vmem>>) target(%dma_start3A_1459 : memref<10240xf32, #tpu.memory_space<vmem_shared>>) offsets(%dma_start3A_1457 : memref<128xi32, #tpu.memory_space<vmem>>) semaphore(%run_scoped3A_1452 : memref<!tpu.dma_semaphore, #tpu.memory_space<semaphore_mem>>) {add = true}
        %dma_wait3A_1460 = arith.constant 256 : i32
        %dma_wait3A_1461 = tpu.memref_slice %arg17[%dma_wait3A_1460] : memref<1024xf32, #tpu.memory_space<vmem>> -> memref<128xf32, #tpu.memory_space<vmem>>
        %dma_wait3A_1462 = arith.constant 0 : i32
        %dma_wait3A_1463 = tpu.memref_slice %arg14[%run_scoped3A_1254, %dma_wait3A_1462] : memref<8x128xi32, #tpu.memory_space<vmem>> -> memref<1x128xi32, #tpu.memory_space<vmem>>
        %dma_wait3A_1464 = tpu.memref_squeeze %dma_wait3A_1463 : memref<1x128xi32, #tpu.memory_space<vmem>> -> memref<128xi32, #tpu.memory_space<vmem>>
        %dma_wait3A_1465 = arith.constant 0 : i32
        %dma_wait3A_1466 = tpu.memref_slice %arg12[%dma_wait3A_1465] : memref<10240xf32, #tpu.memory_space<vmem_shared>> -> memref<10240xf32, #tpu.memory_space<vmem_shared>>
        tpu.wait_indirect_dma semaphore(%run_scoped3A_1452 : memref<!tpu.dma_semaphore, #tpu.memory_space<semaphore_mem>>) src(%dma_wait3A_1461 : memref<128xf32, #tpu.memory_space<vmem>>) dst(%dma_wait3A_1466 : memref<10240xf32, #tpu.memory_space<vmem_shared>>)
        tpu.yield
      }) : () -> ()
      %run_scoped3A_1255 = arith.constant 3 : i32
      "tpu.region"() ({
        %run_scoped3A_1452 = tpu.sem_alloc : memref<!tpu.dma_semaphore, #tpu.memory_space<semaphore_mem>>
        %dma_start3A_1453 = arith.constant 384 : i32
        %dma_start3A_1454 = tpu.memref_slice %arg17[%dma_start3A_1453] : memref<1024xf32, #tpu.memory_space<vmem>> -> memref<128xf32, #tpu.memory_space<vmem>>
        %dma_start3A_1455 = arith.constant 0 : i32
        %dma_start3A_1456 = tpu.memref_slice %arg14[%run_scoped3A_1255, %dma_start3A_1455] : memref<8x128xi32, #tpu.memory_space<vmem>> -> memref<1x128xi32, #tpu.memory_space<vmem>>
        %dma_start3A_1457 = tpu.memref_squeeze %dma_start3A_1456 : memref<1x128xi32, #tpu.memory_space<vmem>> -> memref<128xi32, #tpu.memory_space<vmem>>
        %dma_start3A_1458 = arith.constant 0 : i32
        %dma_start3A_1459 = tpu.memref_slice %arg12[%dma_start3A_1458] : memref<10240xf32, #tpu.memory_space<vmem_shared>> -> memref<10240xf32, #tpu.memory_space<vmem_shared>>
        tpu.enqueue_indirect_dma source(%dma_start3A_1454 : memref<128xf32, #tpu.memory_space<vmem>>) target(%dma_start3A_1459 : memref<10240xf32, #tpu.memory_space<vmem_shared>>) offsets(%dma_start3A_1457 : memref<128xi32, #tpu.memory_space<vmem>>) semaphore(%run_scoped3A_1452 : memref<!tpu.dma_semaphore, #tpu.memory_space<semaphore_mem>>) {add = true}
        %dma_wait3A_1460 = arith.constant 384 : i32
        %dma_wait3A_1461 = tpu.memref_slice %arg17[%dma_wait3A_1460] : memref<1024xf32, #tpu.memory_space<vmem>> -> memref<128xf32, #tpu.memory_space<vmem>>
        %dma_wait3A_1462 = arith.constant 0 : i32
        %dma_wait3A_1463 = tpu.memref_slice %arg14[%run_scoped3A_1255, %dma_wait3A_1462] : memref<8x128xi32, #tpu.memory_space<vmem>> -> memref<1x128xi32, #tpu.memory_space<vmem>>
        %dma_wait3A_1464 = tpu.memref_squeeze %dma_wait3A_1463 : memref<1x128xi32, #tpu.memory_space<vmem>> -> memref<128xi32, #tpu.memory_space<vmem>>
        %dma_wait3A_1465 = arith.constant 0 : i32
        %dma_wait3A_1466 = tpu.memref_slice %arg12[%dma_wait3A_1465] : memref<10240xf32, #tpu.memory_space<vmem_shared>> -> memref<10240xf32, #tpu.memory_space<vmem_shared>>
        tpu.wait_indirect_dma semaphore(%run_scoped3A_1452 : memref<!tpu.dma_semaphore, #tpu.memory_space<semaphore_mem>>) src(%dma_wait3A_1461 : memref<128xf32, #tpu.memory_space<vmem>>) dst(%dma_wait3A_1466 : memref<10240xf32, #tpu.memory_space<vmem_shared>>)
        tpu.yield
      }) : () -> ()
      %run_scoped3A_1256 = arith.constant 4 : i32
      "tpu.region"() ({
        %run_scoped3A_1452 = tpu.sem_alloc : memref<!tpu.dma_semaphore, #tpu.memory_space<semaphore_mem>>
        %dma_start3A_1453 = arith.constant 512 : i32
        %dma_start3A_1454 = tpu.memref_slice %arg17[%dma_start3A_1453] : memref<1024xf32, #tpu.memory_space<vmem>> -> memref<128xf32, #tpu.memory_space<vmem>>
        %dma_start3A_1455 = arith.constant 0 : i32
        %dma_start3A_1456 = tpu.memref_slice %arg14[%run_scoped3A_1256, %dma_start3A_1455] : memref<8x128xi32, #tpu.memory_space<vmem>> -> memref<1x128xi32, #tpu.memory_space<vmem>>
        %dma_start3A_1457 = tpu.memref_squeeze %dma_start3A_1456 : memref<1x128xi32, #tpu.memory_space<vmem>> -> memref<128xi32, #tpu.memory_space<vmem>>
        %dma_start3A_1458 = arith.constant 0 : i32
        %dma_start3A_1459 = tpu.memref_slice %arg12[%dma_start3A_1458] : memref<10240xf32, #tpu.memory_space<vmem_shared>> -> memref<10240xf32, #tpu.memory_space<vmem_shared>>
        tpu.enqueue_indirect_dma source(%dma_start3A_1454 : memref<128xf32, #tpu.memory_space<vmem>>) target(%dma_start3A_1459 : memref<10240xf32, #tpu.memory_space<vmem_shared>>) offsets(%dma_start3A_1457 : memref<128xi32, #tpu.memory_space<vmem>>) semaphore(%run_scoped3A_1452 : memref<!tpu.dma_semaphore, #tpu.memory_space<semaphore_mem>>) {add = true}
        %dma_wait3A_1460 = arith.constant 512 : i32
        %dma_wait3A_1461 = tpu.memref_slice %arg17[%dma_wait3A_1460] : memref<1024xf32, #tpu.memory_space<vmem>> -> memref<128xf32, #tpu.memory_space<vmem>>
        %dma_wait3A_1462 = arith.constant 0 : i32
        %dma_wait3A_1463 = tpu.memref_slice %arg14[%run_scoped3A_1256, %dma_wait3A_1462] : memref<8x128xi32, #tpu.memory_space<vmem>> -> memref<1x128xi32, #tpu.memory_space<vmem>>
        %dma_wait3A_1464 = tpu.memref_squeeze %dma_wait3A_1463 : memref<1x128xi32, #tpu.memory_space<vmem>> -> memref<128xi32, #tpu.memory_space<vmem>>
        %dma_wait3A_1465 = arith.constant 0 : i32
        %dma_wait3A_1466 = tpu.memref_slice %arg12[%dma_wait3A_1465] : memref<10240xf32, #tpu.memory_space<vmem_shared>> -> memref<10240xf32, #tpu.memory_space<vmem_shared>>
        tpu.wait_indirect_dma semaphore(%run_scoped3A_1452 : memref<!tpu.dma_semaphore, #tpu.memory_space<semaphore_mem>>) src(%dma_wait3A_1461 : memref<128xf32, #tpu.memory_space<vmem>>) dst(%dma_wait3A_1466 : memref<10240xf32, #tpu.memory_space<vmem_shared>>)
        tpu.yield
      }) : () -> ()
      %run_scoped3A_1257 = arith.constant 5 : i32
      "tpu.region"() ({
        %run_scoped3A_1452 = tpu.sem_alloc : memref<!tpu.dma_semaphore, #tpu.memory_space<semaphore_mem>>
        %dma_start3A_1453 = arith.constant 640 : i32
        %dma_start3A_1454 = tpu.memref_slice %arg17[%dma_start3A_1453] : memref<1024xf32, #tpu.memory_space<vmem>> -> memref<128xf32, #tpu.memory_space<vmem>>
        %dma_start3A_1455 = arith.constant 0 : i32
        %dma_start3A_1456 = tpu.memref_slice %arg14[%run_scoped3A_1257, %dma_start3A_1455] : memref<8x128xi32, #tpu.memory_space<vmem>> -> memref<1x128xi32, #tpu.memory_space<vmem>>
        %dma_start3A_1457 = tpu.memref_squeeze %dma_start3A_1456 : memref<1x128xi32, #tpu.memory_space<vmem>> -> memref<128xi32, #tpu.memory_space<vmem>>
        %dma_start3A_1458 = arith.constant 0 : i32
        %dma_start3A_1459 = tpu.memref_slice %arg12[%dma_start3A_1458] : memref<10240xf32, #tpu.memory_space<vmem_shared>> -> memref<10240xf32, #tpu.memory_space<vmem_shared>>
        tpu.enqueue_indirect_dma source(%dma_start3A_1454 : memref<128xf32, #tpu.memory_space<vmem>>) target(%dma_start3A_1459 : memref<10240xf32, #tpu.memory_space<vmem_shared>>) offsets(%dma_start3A_1457 : memref<128xi32, #tpu.memory_space<vmem>>) semaphore(%run_scoped3A_1452 : memref<!tpu.dma_semaphore, #tpu.memory_space<semaphore_mem>>) {add = true}
        %dma_wait3A_1460 = arith.constant 640 : i32
        %dma_wait3A_1461 = tpu.memref_slice %arg17[%dma_wait3A_1460] : memref<1024xf32, #tpu.memory_space<vmem>> -> memref<128xf32, #tpu.memory_space<vmem>>
        %dma_wait3A_1462 = arith.constant 0 : i32
        %dma_wait3A_1463 = tpu.memref_slice %arg14[%run_scoped3A_1257, %dma_wait3A_1462] : memref<8x128xi32, #tpu.memory_space<vmem>> -> memref<1x128xi32, #tpu.memory_space<vmem>>
        %dma_wait3A_1464 = tpu.memref_squeeze %dma_wait3A_1463 : memref<1x128xi32, #tpu.memory_space<vmem>> -> memref<128xi32, #tpu.memory_space<vmem>>
        %dma_wait3A_1465 = arith.constant 0 : i32
        %dma_wait3A_1466 = tpu.memref_slice %arg12[%dma_wait3A_1465] : memref<10240xf32, #tpu.memory_space<vmem_shared>> -> memref<10240xf32, #tpu.memory_space<vmem_shared>>
        tpu.wait_indirect_dma semaphore(%run_scoped3A_1452 : memref<!tpu.dma_semaphore, #tpu.memory_space<semaphore_mem>>) src(%dma_wait3A_1461 : memref<128xf32, #tpu.memory_space<vmem>>) dst(%dma_wait3A_1466 : memref<10240xf32, #tpu.memory_space<vmem_shared>>)
        tpu.yield
      }) : () -> ()
      %run_scoped3A_1258 = arith.constant 6 : i32
      "tpu.region"() ({
        %run_scoped3A_1452 = tpu.sem_alloc : memref<!tpu.dma_semaphore, #tpu.memory_space<semaphore_mem>>
        %dma_start3A_1453 = arith.constant 768 : i32
        %dma_start3A_1454 = tpu.memref_slice %arg17[%dma_start3A_1453] : memref<1024xf32, #tpu.memory_space<vmem>> -> memref<128xf32, #tpu.memory_space<vmem>>
        %dma_start3A_1455 = arith.constant 0 : i32
        %dma_start3A_1456 = tpu.memref_slice %arg14[%run_scoped3A_1258, %dma_start3A_1455] : memref<8x128xi32, #tpu.memory_space<vmem>> -> memref<1x128xi32, #tpu.memory_space<vmem>>
        %dma_start3A_1457 = tpu.memref_squeeze %dma_start3A_1456 : memref<1x128xi32, #tpu.memory_space<vmem>> -> memref<128xi32, #tpu.memory_space<vmem>>
        %dma_start3A_1458 = arith.constant 0 : i32
        %dma_start3A_1459 = tpu.memref_slice %arg12[%dma_start3A_1458] : memref<10240xf32, #tpu.memory_space<vmem_shared>> -> memref<10240xf32, #tpu.memory_space<vmem_shared>>
        tpu.enqueue_indirect_dma source(%dma_start3A_1454 : memref<128xf32, #tpu.memory_space<vmem>>) target(%dma_start3A_1459 : memref<10240xf32, #tpu.memory_space<vmem_shared>>) offsets(%dma_start3A_1457 : memref<128xi32, #tpu.memory_space<vmem>>) semaphore(%run_scoped3A_1452 : memref<!tpu.dma_semaphore, #tpu.memory_space<semaphore_mem>>) {add = true}
        %dma_wait3A_1460 = arith.constant 768 : i32
        %dma_wait3A_1461 = tpu.memref_slice %arg17[%dma_wait3A_1460] : memref<1024xf32, #tpu.memory_space<vmem>> -> memref<128xf32, #tpu.memory_space<vmem>>
        %dma_wait3A_1462 = arith.constant 0 : i32
        %dma_wait3A_1463 = tpu.memref_slice %arg14[%run_scoped3A_1258, %dma_wait3A_1462] : memref<8x128xi32, #tpu.memory_space<vmem>> -> memref<1x128xi32, #tpu.memory_space<vmem>>
        %dma_wait3A_1464 = tpu.memref_squeeze %dma_wait3A_1463 : memref<1x128xi32, #tpu.memory_space<vmem>> -> memref<128xi32, #tpu.memory_space<vmem>>
        %dma_wait3A_1465 = arith.constant 0 : i32
        %dma_wait3A_1466 = tpu.memref_slice %arg12[%dma_wait3A_1465] : memref<10240xf32, #tpu.memory_space<vmem_shared>> -> memref<10240xf32, #tpu.memory_space<vmem_shared>>
        tpu.wait_indirect_dma semaphore(%run_scoped3A_1452 : memref<!tpu.dma_semaphore, #tpu.memory_space<semaphore_mem>>) src(%dma_wait3A_1461 : memref<128xf32, #tpu.memory_space<vmem>>) dst(%dma_wait3A_1466 : memref<10240xf32, #tpu.memory_space<vmem_shared>>)
        tpu.yield
      }) : () -> ()
      %run_scoped3A_1259 = arith.constant 7 : i32
      "tpu.region"() ({
        %run_scoped3A_1452 = tpu.sem_alloc : memref<!tpu.dma_semaphore, #tpu.memory_space<semaphore_mem>>
        %dma_start3A_1453 = arith.constant 896 : i32
        %dma_start3A_1454 = tpu.memref_slice %arg17[%dma_start3A_1453] : memref<1024xf32, #tpu.memory_space<vmem>> -> memref<128xf32, #tpu.memory_space<vmem>>
        %dma_start3A_1455 = arith.constant 0 : i32
        %dma_start3A_1456 = tpu.memref_slice %arg14[%run_scoped3A_1259, %dma_start3A_1455] : memref<8x128xi32, #tpu.memory_space<vmem>> -> memref<1x128xi32, #tpu.memory_space<vmem>>
        %dma_start3A_1457 = tpu.memref_squeeze %dma_start3A_1456 : memref<1x128xi32, #tpu.memory_space<vmem>> -> memref<128xi32, #tpu.memory_space<vmem>>
        %dma_start3A_1458 = arith.constant 0 : i32
        %dma_start3A_1459 = tpu.memref_slice %arg12[%dma_start3A_1458] : memref<10240xf32, #tpu.memory_space<vmem_shared>> -> memref<10240xf32, #tpu.memory_space<vmem_shared>>
        tpu.enqueue_indirect_dma source(%dma_start3A_1454 : memref<128xf32, #tpu.memory_space<vmem>>) target(%dma_start3A_1459 : memref<10240xf32, #tpu.memory_space<vmem_shared>>) offsets(%dma_start3A_1457 : memref<128xi32, #tpu.memory_space<vmem>>) semaphore(%run_scoped3A_1452 : memref<!tpu.dma_semaphore, #tpu.memory_space<semaphore_mem>>) {add = true}
        %dma_wait3A_1460 = arith.constant 896 : i32
        %dma_wait3A_1461 = tpu.memref_slice %arg17[%dma_wait3A_1460] : memref<1024xf32, #tpu.memory_space<vmem>> -> memref<128xf32, #tpu.memory_space<vmem>>
        %dma_wait3A_1462 = arith.constant 0 : i32
        %dma_wait3A_1463 = tpu.memref_slice %arg14[%run_scoped3A_1259, %dma_wait3A_1462] : memref<8x128xi32, #tpu.memory_space<vmem>> -> memref<1x128xi32, #tpu.memory_space<vmem>>
        %dma_wait3A_1464 = tpu.memref_squeeze %dma_wait3A_1463 : memref<1x128xi32, #tpu.memory_space<vmem>> -> memref<128xi32, #tpu.memory_space<vmem>>
        %dma_wait3A_1465 = arith.constant 0 : i32
        %dma_wait3A_1466 = tpu.memref_slice %arg12[%dma_wait3A_1465] : memref<10240xf32, #tpu.memory_space<vmem_shared>> -> memref<10240xf32, #tpu.memory_space<vmem_shared>>
        tpu.wait_indirect_dma semaphore(%run_scoped3A_1452 : memref<!tpu.dma_semaphore, #tpu.memory_space<semaphore_mem>>) src(%dma_wait3A_1461 : memref<128xf32, #tpu.memory_space<vmem>>) dst(%dma_wait3A_1466 : memref<10240xf32, #tpu.memory_space<vmem_shared>>)
        tpu.yield
      }) : () -> ()
      %dma_start3A_1260 = arith.constant 0 : i32
      %dma_start3A_1261 = arith.constant 0 : i32
      %dma_start3A_1262 = arith.constant 0 : i32
      %dma_start3A_1263 = tpu.memref_slice %arg18[%dma_start3A_1261, %dma_start3A_1262] : memref<256x128xf32, #tpu.memory_space<vmem>> -> memref<128x128xf32, #tpu.memory_space<vmem>>
      %dma_start3A_1264 = arith.constant 0 : i32
      %dma_start3A_1265 = tpu.memref_slice %arg13[%dma_start3A_1260, %dma_start3A_1264] : memref<8x128xi32, #tpu.memory_space<vmem>> -> memref<1x128xi32, #tpu.memory_space<vmem>>
      %dma_start3A_1266 = tpu.memref_squeeze %dma_start3A_1265 : memref<1x128xi32, #tpu.memory_space<vmem>> -> memref<128xi32, #tpu.memory_space<vmem>>
      %dma_start3A_1267 = arith.constant 0 : i32
      %dma_start3A_1268 = arith.constant 0 : i32
      %dma_start3A_1269 = tpu.memref_slice %arg2[%dma_start3A_1267, %dma_start3A_1268] : memref<10000x128xf32, #tpu.memory_space<hbm>> -> memref<10000x128xf32, #tpu.memory_space<hbm>>
      tpu.enqueue_indirect_dma source(%dma_start3A_1269 : memref<10000x128xf32, #tpu.memory_space<hbm>>) target(%dma_start3A_1263 : memref<128x128xf32, #tpu.memory_space<vmem>>) offsets(%dma_start3A_1266 : memref<128xi32, #tpu.memory_space<vmem>>) semaphore(%arg19 : memref<!tpu.dma_semaphore, #tpu.memory_space<semaphore_mem>>)
      %dma_start3A_1270 = arith.constant 1 : i32
      %dma_start3A_1271 = arith.constant 128 : i32
      %dma_start3A_1272 = arith.constant 0 : i32
      %dma_start3A_1273 = tpu.memref_slice %arg18[%dma_start3A_1271, %dma_start3A_1272] : memref<256x128xf32, #tpu.memory_space<vmem>> -> memref<128x128xf32, #tpu.memory_space<vmem>>
      %dma_start3A_1274 = arith.constant 0 : i32
      %dma_start3A_1275 = tpu.memref_slice %arg13[%dma_start3A_1270, %dma_start3A_1274] : memref<8x128xi32, #tpu.memory_space<vmem>> -> memref<1x128xi32, #tpu.memory_space<vmem>>
      %dma_start3A_1276 = tpu.memref_squeeze %dma_start3A_1275 : memref<1x128xi32, #tpu.memory_space<vmem>> -> memref<128xi32, #tpu.memory_space<vmem>>
      %dma_start3A_1277 = arith.constant 0 : i32
      %dma_start3A_1278 = arith.constant 0 : i32
      %dma_start3A_1279 = tpu.memref_slice %arg2[%dma_start3A_1277, %dma_start3A_1278] : memref<10000x128xf32, #tpu.memory_space<hbm>> -> memref<10000x128xf32, #tpu.memory_space<hbm>>
      tpu.enqueue_indirect_dma source(%dma_start3A_1279 : memref<10000x128xf32, #tpu.memory_space<hbm>>) target(%dma_start3A_1273 : memref<128x128xf32, #tpu.memory_space<vmem>>) offsets(%dma_start3A_1276 : memref<128xi32, #tpu.memory_space<vmem>>) semaphore(%arg19 : memref<!tpu.dma_semaphore, #tpu.memory_space<semaphore_mem>>)
      %dma_wait3A_1280 = arith.constant 0 : i32
      %dma_wait3A_1281 = arith.constant 0 : i32
      %dma_wait3A_1282 = arith.constant 0 : i32
      %dma_wait3A_1283 = tpu.memref_slice %arg18[%dma_wait3A_1281, %dma_wait3A_1282] : memref<256x128xf32, #tpu.memory_space<vmem>> -> memref<128x128xf32, #tpu.memory_space<vmem>>
      %dma_wait3A_1284 = arith.constant 0 : i32
      %dma_wait3A_1285 = tpu.memref_slice %arg13[%dma_wait3A_1280, %dma_wait3A_1284] : memref<8x128xi32, #tpu.memory_space<vmem>> -> memref<1x128xi32, #tpu.memory_space<vmem>>
      %dma_wait3A_1286 = tpu.memref_squeeze %dma_wait3A_1285 : memref<1x128xi32, #tpu.memory_space<vmem>> -> memref<128xi32, #tpu.memory_space<vmem>>
      %dma_wait3A_1287 = arith.constant 0 : i32
      %dma_wait3A_1288 = arith.constant 0 : i32
      %dma_wait3A_1289 = tpu.memref_slice %arg2[%dma_wait3A_1287, %dma_wait3A_1288] : memref<10000x128xf32, #tpu.memory_space<hbm>> -> memref<10000x128xf32, #tpu.memory_space<hbm>>
      tpu.wait_indirect_dma semaphore(%arg19 : memref<!tpu.dma_semaphore, #tpu.memory_space<semaphore_mem>>) src(%dma_wait3A_1289 : memref<10000x128xf32, #tpu.memory_space<hbm>>) dst(%dma_wait3A_1283 : memref<128x128xf32, #tpu.memory_space<vmem>>)
      %dma_wait3A_1290 = arith.constant 1 : i32
      %dma_wait3A_1291 = arith.constant 128 : i32
      %dma_wait3A_1292 = arith.constant 0 : i32
      %dma_wait3A_1293 = tpu.memref_slice %arg18[%dma_wait3A_1291, %dma_wait3A_1292] : memref<256x128xf32, #tpu.memory_space<vmem>> -> memref<128x128xf32, #tpu.memory_space<vmem>>
      %dma_wait3A_1294 = arith.constant 0 : i32
      %dma_wait3A_1295 = tpu.memref_slice %arg13[%dma_wait3A_1290, %dma_wait3A_1294] : memref<8x128xi32, #tpu.memory_space<vmem>> -> memref<1x128xi32, #tpu.memory_space<vmem>>
      %dma_wait3A_1296 = tpu.memref_squeeze %dma_wait3A_1295 : memref<1x128xi32, #tpu.memory_space<vmem>> -> memref<128xi32, #tpu.memory_space<vmem>>
      %dma_wait3A_1297 = arith.constant 0 : i32
      %dma_wait3A_1298 = arith.constant 0 : i32
      %dma_wait3A_1299 = tpu.memref_slice %arg2[%dma_wait3A_1297, %dma_wait3A_1298] : memref<10000x128xf32, #tpu.memory_space<hbm>> -> memref<10000x128xf32, #tpu.memory_space<hbm>>
      tpu.wait_indirect_dma semaphore(%arg19 : memref<!tpu.dma_semaphore, #tpu.memory_space<semaphore_mem>>) src(%dma_wait3A_1299 : memref<10000x128xf32, #tpu.memory_space<hbm>>) dst(%dma_wait3A_1293 : memref<128x128xf32, #tpu.memory_space<vmem>>)
      %scan3A_1300 = arith.constant 0 : i32
      %scan3A_1301 = arith.constant 0 : i32
      %scan3A_1302 = arith.constant 256 : i32
      %scan3A_1303 = arith.addi %scan3A_1301, %scan3A_1302 : i32
      %scan3A_1304 = arith.constant 1 : i32
      scf.for %scan3A_1452 = %scan3A_1301 to %scan3A_1303 step %scan3A_1304  : i32 {
        %broadcast_in_dim3A = arith.constant 0 : i32
        %broadcast_in_dim3A_1453 = vector.broadcast %broadcast_in_dim3A : i32 to vector<16xi32>
        %add3A_1454 = arith.constant 0 : i32
        %add3A_1455 = arith.addi %add3A_1454, %scan3A_1452 : i32
        %add3A_1456 = vector.broadcast %add3A_1455 : i32 to vector<16xi32>
        %add3A_1457 = arith.addi %broadcast_in_dim3A_1453, %add3A_1456 : vector<16xi32>
        %gather3A = tpu.vector_load_idx %arg17[%add3A_1457] : memref<1024xf32, #tpu.memory_space<vmem>>[vector<16xi32>], vector<16xf32>,
        %get3A_1458 = arith.index_cast %scan3A_1452 : i32 to index
        %get3A_1459 = arith.constant 0 : index
        %get3A_1460 = tpu.vector_load %arg18[%get3A_1458, %get3A_1459] {strides = array<i32>} : memref<256x128xf32, #tpu.memory_space<vmem>>, vector<16xf32>,
        %mul3A_1461 = arith.mulf %get3A_1460, %gather3A : vector<16xf32>
        %swap3A_1462 = arith.index_cast %scan3A_1452 : i32 to index
        %swap3A_1463 = arith.constant 0 : index
        %swap3A_1464 = tpu.vector_load %arg18[%swap3A_1462, %swap3A_1463] {strides = array<i32>} : memref<256x128xf32, #tpu.memory_space<vmem>>, vector<16xf32>,
        tpu.vector_store %arg18[%swap3A_1462, %swap3A_1463], %mul3A_1461 {strides = array<i32>} : memref<256x128xf32, #tpu.memory_space<vmem>>, vector<16xf32>,
        %get3A_1465 = arith.index_cast %scan3A_1452 : i32 to index
        %get3A_1466 = arith.constant 16 : index
        %get3A_1467 = tpu.vector_load %arg18[%get3A_1465, %get3A_1466] {strides = array<i32>} : memref<256x128xf32, #tpu.memory_space<vmem>>, vector<16xf32>,
        %mul3A_1468 = arith.mulf %get3A_1467, %gather3A : vector<16xf32>
        %swap3A_1469 = arith.index_cast %scan3A_1452 : i32 to index
        %swap3A_1470 = arith.constant 16 : index
        %swap3A_1471 = tpu.vector_load %arg18[%swap3A_1469, %swap3A_1470] {strides = array<i32>} : memref<256x128xf32, #tpu.memory_space<vmem>>, vector<16xf32>,
        tpu.vector_store %arg18[%swap3A_1469, %swap3A_1470], %mul3A_1468 {strides = array<i32>} : memref<256x128xf32, #tpu.memory_space<vmem>>, vector<16xf32>,
        %get3A_1472 = arith.index_cast %scan3A_1452 : i32 to index
        %get3A_1473 = arith.constant 32 : index
        %get3A_1474 = tpu.vector_load %arg18[%get3A_1472, %get3A_1473] {strides = array<i32>} : memref<256x128xf32, #tpu.memory_space<vmem>>, vector<16xf32>,
        %mul3A_1475 = arith.mulf %get3A_1474, %gather3A : vector<16xf32>
        %swap3A_1476 = arith.index_cast %scan3A_1452 : i32 to index
        %swap3A_1477 = arith.constant 32 : index
        %swap3A_1478 = tpu.vector_load %arg18[%swap3A_1476, %swap3A_1477] {strides = array<i32>} : memref<256x128xf32, #tpu.memory_space<vmem>>, vector<16xf32>,
        tpu.vector_store %arg18[%swap3A_1476, %swap3A_1477], %mul3A_1475 {strides = array<i32>} : memref<256x128xf32, #tpu.memory_space<vmem>>, vector<16xf32>,
        %get3A_1479 = arith.index_cast %scan3A_1452 : i32 to index
        %get3A_1480 = arith.constant 48 : index
        %get3A_1481 = tpu.vector_load %arg18[%get3A_1479, %get3A_1480] {strides = array<i32>} : memref<256x128xf32, #tpu.memory_space<vmem>>, vector<16xf32>,
        %mul3A_1482 = arith.mulf %get3A_1481, %gather3A : vector<16xf32>
        %swap3A_1483 = arith.index_cast %scan3A_1452 : i32 to index
        %swap3A_1484 = arith.constant 48 : index
        %swap3A_1485 = tpu.vector_load %arg18[%swap3A_1483, %swap3A_1484] {strides = array<i32>} : memref<256x128xf32, #tpu.memory_space<vmem>>, vector<16xf32>,
        tpu.vector_store %arg18[%swap3A_1483, %swap3A_1484], %mul3A_1482 {strides = array<i32>} : memref<256x128xf32, #tpu.memory_space<vmem>>, vector<16xf32>,
        %get3A_1486 = arith.index_cast %scan3A_1452 : i32 to index
        %get3A_1487 = arith.constant 64 : index
        %get3A_1488 = tpu.vector_load %arg18[%get3A_1486, %get3A_1487] {strides = array<i32>} : memref<256x128xf32, #tpu.memory_space<vmem>>, vector<16xf32>,
        %mul3A_1489 = arith.mulf %get3A_1488, %gather3A : vector<16xf32>
        %swap3A_1490 = arith.index_cast %scan3A_1452 : i32 to index
        %swap3A_1491 = arith.constant 64 : index
        %swap3A_1492 = tpu.vector_load %arg18[%swap3A_1490, %swap3A_1491] {strides = array<i32>} : memref<256x128xf32, #tpu.memory_space<vmem>>, vector<16xf32>,
        tpu.vector_store %arg18[%swap3A_1490, %swap3A_1491], %mul3A_1489 {strides = array<i32>} : memref<256x128xf32, #tpu.memory_space<vmem>>, vector<16xf32>,
        %get3A_1493 = arith.index_cast %scan3A_1452 : i32 to index
        %get3A_1494 = arith.constant 80 : index
        %get3A_1495 = tpu.vector_load %arg18[%get3A_1493, %get3A_1494] {strides = array<i32>} : memref<256x128xf32, #tpu.memory_space<vmem>>, vector<16xf32>,
        %mul3A_1496 = arith.mulf %get3A_1495, %gather3A : vector<16xf32>
        %swap3A_1497 = arith.index_cast %scan3A_1452 : i32 to index
        %swap3A_1498 = arith.constant 80 : index
        %swap3A_1499 = tpu.vector_load %arg18[%swap3A_1497, %swap3A_1498] {strides = array<i32>} : memref<256x128xf32, #tpu.memory_space<vmem>>, vector<16xf32>,
        tpu.vector_store %arg18[%swap3A_1497, %swap3A_1498], %mul3A_1496 {strides = array<i32>} : memref<256x128xf32, #tpu.memory_space<vmem>>, vector<16xf32>,
        %get3A_1500 = arith.index_cast %scan3A_1452 : i32 to index
        %get3A_1501 = arith.constant 96 : index
        %get3A_1502 = tpu.vector_load %arg18[%get3A_1500, %get3A_1501] {strides = array<i32>} : memref<256x128xf32, #tpu.memory_space<vmem>>, vector<16xf32>,
        %mul3A_1503 = arith.mulf %get3A_1502, %gather3A : vector<16xf32>
        %swap3A_1504 = arith.index_cast %scan3A_1452 : i32 to index
        %swap3A_1505 = arith.constant 96 : index
        %swap3A_1506 = tpu.vector_load %arg18[%swap3A_1504, %swap3A_1505] {strides = array<i32>} : memref<256x128xf32, #tpu.memory_space<vmem>>, vector<16xf32>,
        tpu.vector_store %arg18[%swap3A_1504, %swap3A_1505], %mul3A_1503 {strides = array<i32>} : memref<256x128xf32, #tpu.memory_space<vmem>>, vector<16xf32>,
        %get3A_1507 = arith.index_cast %scan3A_1452 : i32 to index
        %get3A_1508 = arith.constant 112 : index
        %get3A_1509 = tpu.vector_load %arg18[%get3A_1507, %get3A_1508] {strides = array<i32>} : memref<256x128xf32, #tpu.memory_space<vmem>>, vector<16xf32>,
        %mul3A_1510 = arith.mulf %get3A_1509, %gather3A : vector<16xf32>
        %swap3A_1511 = arith.index_cast %scan3A_1452 : i32 to index
        %swap3A_1512 = arith.constant 112 : index
        %swap3A_1513 = tpu.vector_load %arg18[%swap3A_1511, %swap3A_1512] {strides = array<i32>} : memref<256x128xf32, #tpu.memory_space<vmem>>, vector<16xf32>,
        tpu.vector_store %arg18[%swap3A_1511, %swap3A_1512], %mul3A_1510 {strides = array<i32>} : memref<256x128xf32, #tpu.memory_space<vmem>>, vector<16xf32>,
      }
      %scan3A_1305 = arith.constant 256 : i32
      %run_scoped3A_1306 = arith.constant 0 : i32
      "tpu.region"() ({
        %run_scoped3A_1452 = tpu.sem_alloc : memref<!tpu.dma_semaphore, #tpu.memory_space<semaphore_mem>>
        %dma_start3A_1453 = arith.constant 0 : i32
        %dma_start3A_1454 = arith.constant 0 : i32
        %dma_start3A_1455 = tpu.memref_slice %arg18[%dma_start3A_1453, %dma_start3A_1454] : memref<256x128xf32, #tpu.memory_space<vmem>> -> memref<128x128xf32, #tpu.memory_space<vmem>>
        %dma_start3A_1456 = arith.constant 0 : i32
        %dma_start3A_1457 = tpu.memref_slice %arg14[%run_scoped3A_1306, %dma_start3A_1456] : memref<8x128xi32, #tpu.memory_space<vmem>> -> memref<1x128xi32, #tpu.memory_space<vmem>>
        %dma_start3A_1458 = tpu.memref_squeeze %dma_start3A_1457 : memref<1x128xi32, #tpu.memory_space<vmem>> -> memref<128xi32, #tpu.memory_space<vmem>>
        %dma_start3A_1459 = arith.constant 0 : i32
        %dma_start3A_1460 = arith.constant 0 : i32
        %dma_start3A_1461 = tpu.memref_slice %arg11[%dma_start3A_1459, %dma_start3A_1460] : memref<10240x128xf32, #tpu.memory_space<vmem_shared>> -> memref<10240x128xf32, #tpu.memory_space<vmem_shared>>
        tpu.enqueue_indirect_dma source(%dma_start3A_1455 : memref<128x128xf32, #tpu.memory_space<vmem>>) target(%dma_start3A_1461 : memref<10240x128xf32, #tpu.memory_space<vmem_shared>>) offsets(%dma_start3A_1458 : memref<128xi32, #tpu.memory_space<vmem>>) semaphore(%run_scoped3A_1452 : memref<!tpu.dma_semaphore, #tpu.memory_space<semaphore_mem>>) {add = true}
        %dma_wait3A_1462 = arith.constant 0 : i32
        %dma_wait3A_1463 = arith.constant 0 : i32
        %dma_wait3A_1464 = tpu.memref_slice %arg18[%dma_wait3A_1462, %dma_wait3A_1463] : memref<256x128xf32, #tpu.memory_space<vmem>> -> memref<128x128xf32, #tpu.memory_space<vmem>>
        %dma_wait3A_1465 = arith.constant 0 : i32
        %dma_wait3A_1466 = tpu.memref_slice %arg14[%run_scoped3A_1306, %dma_wait3A_1465] : memref<8x128xi32, #tpu.memory_space<vmem>> -> memref<1x128xi32, #tpu.memory_space<vmem>>
        %dma_wait3A_1467 = tpu.memref_squeeze %dma_wait3A_1466 : memref<1x128xi32, #tpu.memory_space<vmem>> -> memref<128xi32, #tpu.memory_space<vmem>>
        %dma_wait3A_1468 = arith.constant 0 : i32
        %dma_wait3A_1469 = arith.constant 0 : i32
        %dma_wait3A_1470 = tpu.memref_slice %arg11[%dma_wait3A_1468, %dma_wait3A_1469] : memref<10240x128xf32, #tpu.memory_space<vmem_shared>> -> memref<10240x128xf32, #tpu.memory_space<vmem_shared>>
        tpu.wait_indirect_dma semaphore(%run_scoped3A_1452 : memref<!tpu.dma_semaphore, #tpu.memory_space<semaphore_mem>>) src(%dma_wait3A_1464 : memref<128x128xf32, #tpu.memory_space<vmem>>) dst(%dma_wait3A_1470 : memref<10240x128xf32, #tpu.memory_space<vmem_shared>>)
        tpu.yield
      }) : () -> ()
      %run_scoped3A_1307 = arith.constant 1 : i32
      "tpu.region"() ({
        %run_scoped3A_1452 = tpu.sem_alloc : memref<!tpu.dma_semaphore, #tpu.memory_space<semaphore_mem>>
        %dma_start3A_1453 = arith.constant 128 : i32
        %dma_start3A_1454 = arith.constant 0 : i32
        %dma_start3A_1455 = tpu.memref_slice %arg18[%dma_start3A_1453, %dma_start3A_1454] : memref<256x128xf32, #tpu.memory_space<vmem>> -> memref<128x128xf32, #tpu.memory_space<vmem>>
        %dma_start3A_1456 = arith.constant 0 : i32
        %dma_start3A_1457 = tpu.memref_slice %arg14[%run_scoped3A_1307, %dma_start3A_1456] : memref<8x128xi32, #tpu.memory_space<vmem>> -> memref<1x128xi32, #tpu.memory_space<vmem>>
        %dma_start3A_1458 = tpu.memref_squeeze %dma_start3A_1457 : memref<1x128xi32, #tpu.memory_space<vmem>> -> memref<128xi32, #tpu.memory_space<vmem>>
        %dma_start3A_1459 = arith.constant 0 : i32
        %dma_start3A_1460 = arith.constant 0 : i32
        %dma_start3A_1461 = tpu.memref_slice %arg11[%dma_start3A_1459, %dma_start3A_1460] : memref<10240x128xf32, #tpu.memory_space<vmem_shared>> -> memref<10240x128xf32, #tpu.memory_space<vmem_shared>>
        tpu.enqueue_indirect_dma source(%dma_start3A_1455 : memref<128x128xf32, #tpu.memory_space<vmem>>) target(%dma_start3A_1461 : memref<10240x128xf32, #tpu.memory_space<vmem_shared>>) offsets(%dma_start3A_1458 : memref<128xi32, #tpu.memory_space<vmem>>) semaphore(%run_scoped3A_1452 : memref<!tpu.dma_semaphore, #tpu.memory_space<semaphore_mem>>) {add = true}
        %dma_wait3A_1462 = arith.constant 128 : i32
        %dma_wait3A_1463 = arith.constant 0 : i32
        %dma_wait3A_1464 = tpu.memref_slice %arg18[%dma_wait3A_1462, %dma_wait3A_1463] : memref<256x128xf32, #tpu.memory_space<vmem>> -> memref<128x128xf32, #tpu.memory_space<vmem>>
        %dma_wait3A_1465 = arith.constant 0 : i32
        %dma_wait3A_1466 = tpu.memref_slice %arg14[%run_scoped3A_1307, %dma_wait3A_1465] : memref<8x128xi32, #tpu.memory_space<vmem>> -> memref<1x128xi32, #tpu.memory_space<vmem>>
        %dma_wait3A_1467 = tpu.memref_squeeze %dma_wait3A_1466 : memref<1x128xi32, #tpu.memory_space<vmem>> -> memref<128xi32, #tpu.memory_space<vmem>>
        %dma_wait3A_1468 = arith.constant 0 : i32
        %dma_wait3A_1469 = arith.constant 0 : i32
        %dma_wait3A_1470 = tpu.memref_slice %arg11[%dma_wait3A_1468, %dma_wait3A_1469] : memref<10240x128xf32, #tpu.memory_space<vmem_shared>> -> memref<10240x128xf32, #tpu.memory_space<vmem_shared>>
        tpu.wait_indirect_dma semaphore(%run_scoped3A_1452 : memref<!tpu.dma_semaphore, #tpu.memory_space<semaphore_mem>>) src(%dma_wait3A_1464 : memref<128x128xf32, #tpu.memory_space<vmem>>) dst(%dma_wait3A_1470 : memref<10240x128xf32, #tpu.memory_space<vmem_shared>>)
        tpu.yield
      }) : () -> ()
      %dma_start3A_1308 = arith.constant 2 : i32
      %dma_start3A_1309 = arith.constant 0 : i32
      %dma_start3A_1310 = arith.constant 0 : i32
      %dma_start3A_1311 = tpu.memref_slice %arg18[%dma_start3A_1309, %dma_start3A_1310] : memref<256x128xf32, #tpu.memory_space<vmem>> -> memref<128x128xf32, #tpu.memory_space<vmem>>
      %dma_start3A_1312 = arith.constant 0 : i32
      %dma_start3A_1313 = tpu.memref_slice %arg13[%dma_start3A_1308, %dma_start3A_1312] : memref<8x128xi32, #tpu.memory_space<vmem>> -> memref<1x128xi32, #tpu.memory_space<vmem>>
      %dma_start3A_1314 = tpu.memref_squeeze %dma_start3A_1313 : memref<1x128xi32, #tpu.memory_space<vmem>> -> memref<128xi32, #tpu.memory_space<vmem>>
      %dma_start3A_1315 = arith.constant 0 : i32
      %dma_start3A_1316 = arith.constant 0 : i32
      %dma_start3A_1317 = tpu.memref_slice %arg2[%dma_start3A_1315, %dma_start3A_1316] : memref<10000x128xf32, #tpu.memory_space<hbm>> -> memref<10000x128xf32, #tpu.memory_space<hbm>>
      tpu.enqueue_indirect_dma source(%dma_start3A_1317 : memref<10000x128xf32, #tpu.memory_space<hbm>>) target(%dma_start3A_1311 : memref<128x128xf32, #tpu.memory_space<vmem>>) offsets(%dma_start3A_1314 : memref<128xi32, #tpu.memory_space<vmem>>) semaphore(%arg19 : memref<!tpu.dma_semaphore, #tpu.memory_space<semaphore_mem>>)
      %dma_start3A_1318 = arith.constant 3 : i32
      %dma_start3A_1319 = arith.constant 128 : i32
      %dma_start3A_1320 = arith.constant 0 : i32
      %dma_start3A_1321 = tpu.memref_slice %arg18[%dma_start3A_1319, %dma_start3A_1320] : memref<256x128xf32, #tpu.memory_space<vmem>> -> memref<128x128xf32, #tpu.memory_space<vmem>>
      %dma_start3A_1322 = arith.constant 0 : i32
      %dma_start3A_1323 = tpu.memref_slice %arg13[%dma_start3A_1318, %dma_start3A_1322] : memref<8x128xi32, #tpu.memory_space<vmem>> -> memref<1x128xi32, #tpu.memory_space<vmem>>
      %dma_start3A_1324 = tpu.memref_squeeze %dma_start3A_1323 : memref<1x128xi32, #tpu.memory_space<vmem>> -> memref<128xi32, #tpu.memory_space<vmem>>
      %dma_start3A_1325 = arith.constant 0 : i32
      %dma_start3A_1326 = arith.constant 0 : i32
      %dma_start3A_1327 = tpu.memref_slice %arg2[%dma_start3A_1325, %dma_start3A_1326] : memref<10000x128xf32, #tpu.memory_space<hbm>> -> memref<10000x128xf32, #tpu.memory_space<hbm>>
      tpu.enqueue_indirect_dma source(%dma_start3A_1327 : memref<10000x128xf32, #tpu.memory_space<hbm>>) target(%dma_start3A_1321 : memref<128x128xf32, #tpu.memory_space<vmem>>) offsets(%dma_start3A_1324 : memref<128xi32, #tpu.memory_space<vmem>>) semaphore(%arg19 : memref<!tpu.dma_semaphore, #tpu.memory_space<semaphore_mem>>)
      %dma_wait3A_1328 = arith.constant 2 : i32
      %dma_wait3A_1329 = arith.constant 0 : i32
      %dma_wait3A_1330 = arith.constant 0 : i32
      %dma_wait3A_1331 = tpu.memref_slice %arg18[%dma_wait3A_1329, %dma_wait3A_1330] : memref<256x128xf32, #tpu.memory_space<vmem>> -> memref<128x128xf32, #tpu.memory_space<vmem>>
      %dma_wait3A_1332 = arith.constant 0 : i32
      %dma_wait3A_1333 = tpu.memref_slice %arg13[%dma_wait3A_1328, %dma_wait3A_1332] : memref<8x128xi32, #tpu.memory_space<vmem>> -> memref<1x128xi32, #tpu.memory_space<vmem>>
      %dma_wait3A_1334 = tpu.memref_squeeze %dma_wait3A_1333 : memref<1x128xi32, #tpu.memory_space<vmem>> -> memref<128xi32, #tpu.memory_space<vmem>>
      %dma_wait3A_1335 = arith.constant 0 : i32
      %dma_wait3A_1336 = arith.constant 0 : i32
      %dma_wait3A_1337 = tpu.memref_slice %arg2[%dma_wait3A_1335, %dma_wait3A_1336] : memref<10000x128xf32, #tpu.memory_space<hbm>> -> memref<10000x128xf32, #tpu.memory_space<hbm>>
      tpu.wait_indirect_dma semaphore(%arg19 : memref<!tpu.dma_semaphore, #tpu.memory_space<semaphore_mem>>) src(%dma_wait3A_1337 : memref<10000x128xf32, #tpu.memory_space<hbm>>) dst(%dma_wait3A_1331 : memref<128x128xf32, #tpu.memory_space<vmem>>)
      %dma_wait3A_1338 = arith.constant 3 : i32
      %dma_wait3A_1339 = arith.constant 128 : i32
      %dma_wait3A_1340 = arith.constant 0 : i32
      %dma_wait3A_1341 = tpu.memref_slice %arg18[%dma_wait3A_1339, %dma_wait3A_1340] : memref<256x128xf32, #tpu.memory_space<vmem>> -> memref<128x128xf32, #tpu.memory_space<vmem>>
      %dma_wait3A_1342 = arith.constant 0 : i32
      %dma_wait3A_1343 = tpu.memref_slice %arg13[%dma_wait3A_1338, %dma_wait3A_1342] : memref<8x128xi32, #tpu.memory_space<vmem>> -> memref<1x128xi32, #tpu.memory_space<vmem>>
      %dma_wait3A_1344 = tpu.memref_squeeze %dma_wait3A_1343 : memref<1x128xi32, #tpu.memory_space<vmem>> -> memref<128xi32, #tpu.memory_space<vmem>>
      %dma_wait3A_1345 = arith.constant 0 : i32
      %dma_wait3A_1346 = arith.constant 0 : i32
      %dma_wait3A_1347 = tpu.memref_slice %arg2[%dma_wait3A_1345, %dma_wait3A_1346] : memref<10000x128xf32, #tpu.memory_space<hbm>> -> memref<10000x128xf32, #tpu.memory_space<hbm>>
      tpu.wait_indirect_dma semaphore(%arg19 : memref<!tpu.dma_semaphore, #tpu.memory_space<semaphore_mem>>) src(%dma_wait3A_1347 : memref<10000x128xf32, #tpu.memory_space<hbm>>) dst(%dma_wait3A_1341 : memref<128x128xf32, #tpu.memory_space<vmem>>)
      %scan3A_1348 = arith.constant 0 : i32
      %scan3A_1349 = arith.constant 0 : i32
      %scan3A_1350 = arith.constant 256 : i32
      %scan3A_1351 = arith.addi %scan3A_1349, %scan3A_1350 : i32
      %scan3A_1352 = arith.constant 1 : i32
      scf.for %scan3A_1452 = %scan3A_1349 to %scan3A_1351 step %scan3A_1352  : i32 {
        %broadcast_in_dim3A = arith.constant 0 : i32
        %broadcast_in_dim3A_1453 = vector.broadcast %broadcast_in_dim3A : i32 to vector<16xi32>
        %add3A_1454 = arith.constant 256 : i32
        %add3A_1455 = arith.addi %add3A_1454, %scan3A_1452 : i32
        %add3A_1456 = vector.broadcast %add3A_1455 : i32 to vector<16xi32>
        %add3A_1457 = arith.addi %broadcast_in_dim3A_1453, %add3A_1456 : vector<16xi32>
        %gather3A = tpu.vector_load_idx %arg17[%add3A_1457] : memref<1024xf32, #tpu.memory_space<vmem>>[vector<16xi32>], vector<16xf32>,
        %get3A_1458 = arith.index_cast %scan3A_1452 : i32 to index
        %get3A_1459 = arith.constant 0 : index
        %get3A_1460 = tpu.vector_load %arg18[%get3A_1458, %get3A_1459] {strides = array<i32>} : memref<256x128xf32, #tpu.memory_space<vmem>>, vector<16xf32>,
        %mul3A_1461 = arith.mulf %get3A_1460, %gather3A : vector<16xf32>
        %swap3A_1462 = arith.index_cast %scan3A_1452 : i32 to index
        %swap3A_1463 = arith.constant 0 : index
        %swap3A_1464 = tpu.vector_load %arg18[%swap3A_1462, %swap3A_1463] {strides = array<i32>} : memref<256x128xf32, #tpu.memory_space<vmem>>, vector<16xf32>,
        tpu.vector_store %arg18[%swap3A_1462, %swap3A_1463], %mul3A_1461 {strides = array<i32>} : memref<256x128xf32, #tpu.memory_space<vmem>>, vector<16xf32>,
        %get3A_1465 = arith.index_cast %scan3A_1452 : i32 to index
        %get3A_1466 = arith.constant 16 : index
        %get3A_1467 = tpu.vector_load %arg18[%get3A_1465, %get3A_1466] {strides = array<i32>} : memref<256x128xf32, #tpu.memory_space<vmem>>, vector<16xf32>,
        %mul3A_1468 = arith.mulf %get3A_1467, %gather3A : vector<16xf32>
        %swap3A_1469 = arith.index_cast %scan3A_1452 : i32 to index
        %swap3A_1470 = arith.constant 16 : index
        %swap3A_1471 = tpu.vector_load %arg18[%swap3A_1469, %swap3A_1470] {strides = array<i32>} : memref<256x128xf32, #tpu.memory_space<vmem>>, vector<16xf32>,
        tpu.vector_store %arg18[%swap3A_1469, %swap3A_1470], %mul3A_1468 {strides = array<i32>} : memref<256x128xf32, #tpu.memory_space<vmem>>, vector<16xf32>,
        %get3A_1472 = arith.index_cast %scan3A_1452 : i32 to index
        %get3A_1473 = arith.constant 32 : index
        %get3A_1474 = tpu.vector_load %arg18[%get3A_1472, %get3A_1473] {strides = array<i32>} : memref<256x128xf32, #tpu.memory_space<vmem>>, vector<16xf32>,
        %mul3A_1475 = arith.mulf %get3A_1474, %gather3A : vector<16xf32>
        %swap3A_1476 = arith.index_cast %scan3A_1452 : i32 to index
        %swap3A_1477 = arith.constant 32 : index
        %swap3A_1478 = tpu.vector_load %arg18[%swap3A_1476, %swap3A_1477] {strides = array<i32>} : memref<256x128xf32, #tpu.memory_space<vmem>>, vector<16xf32>,
        tpu.vector_store %arg18[%swap3A_1476, %swap3A_1477], %mul3A_1475 {strides = array<i32>} : memref<256x128xf32, #tpu.memory_space<vmem>>, vector<16xf32>,
        %get3A_1479 = arith.index_cast %scan3A_1452 : i32 to index
        %get3A_1480 = arith.constant 48 : index
        %get3A_1481 = tpu.vector_load %arg18[%get3A_1479, %get3A_1480] {strides = array<i32>} : memref<256x128xf32, #tpu.memory_space<vmem>>, vector<16xf32>,
        %mul3A_1482 = arith.mulf %get3A_1481, %gather3A : vector<16xf32>
        %swap3A_1483 = arith.index_cast %scan3A_1452 : i32 to index
        %swap3A_1484 = arith.constant 48 : index
        %swap3A_1485 = tpu.vector_load %arg18[%swap3A_1483, %swap3A_1484] {strides = array<i32>} : memref<256x128xf32, #tpu.memory_space<vmem>>, vector<16xf32>,
        tpu.vector_store %arg18[%swap3A_1483, %swap3A_1484], %mul3A_1482 {strides = array<i32>} : memref<256x128xf32, #tpu.memory_space<vmem>>, vector<16xf32>,
        %get3A_1486 = arith.index_cast %scan3A_1452 : i32 to index
        %get3A_1487 = arith.constant 64 : index
        %get3A_1488 = tpu.vector_load %arg18[%get3A_1486, %get3A_1487] {strides = array<i32>} : memref<256x128xf32, #tpu.memory_space<vmem>>, vector<16xf32>,
        %mul3A_1489 = arith.mulf %get3A_1488, %gather3A : vector<16xf32>
        %swap3A_1490 = arith.index_cast %scan3A_1452 : i32 to index
        %swap3A_1491 = arith.constant 64 : index
        %swap3A_1492 = tpu.vector_load %arg18[%swap3A_1490, %swap3A_1491] {strides = array<i32>} : memref<256x128xf32, #tpu.memory_space<vmem>>, vector<16xf32>,
        tpu.vector_store %arg18[%swap3A_1490, %swap3A_1491], %mul3A_1489 {strides = array<i32>} : memref<256x128xf32, #tpu.memory_space<vmem>>, vector<16xf32>,
        %get3A_1493 = arith.index_cast %scan3A_1452 : i32 to index
        %get3A_1494 = arith.constant 80 : index
        %get3A_1495 = tpu.vector_load %arg18[%get3A_1493, %get3A_1494] {strides = array<i32>} : memref<256x128xf32, #tpu.memory_space<vmem>>, vector<16xf32>,
        %mul3A_1496 = arith.mulf %get3A_1495, %gather3A : vector<16xf32>
        %swap3A_1497 = arith.index_cast %scan3A_1452 : i32 to index
        %swap3A_1498 = arith.constant 80 : index
        %swap3A_1499 = tpu.vector_load %arg18[%swap3A_1497, %swap3A_1498] {strides = array<i32>} : memref<256x128xf32, #tpu.memory_space<vmem>>, vector<16xf32>,
        tpu.vector_store %arg18[%swap3A_1497, %swap3A_1498], %mul3A_1496 {strides = array<i32>} : memref<256x128xf32, #tpu.memory_space<vmem>>, vector<16xf32>,
        %get3A_1500 = arith.index_cast %scan3A_1452 : i32 to index
        %get3A_1501 = arith.constant 96 : index
        %get3A_1502 = tpu.vector_load %arg18[%get3A_1500, %get3A_1501] {strides = array<i32>} : memref<256x128xf32, #tpu.memory_space<vmem>>, vector<16xf32>,
        %mul3A_1503 = arith.mulf %get3A_1502, %gather3A : vector<16xf32>
        %swap3A_1504 = arith.index_cast %scan3A_1452 : i32 to index
        %swap3A_1505 = arith.constant 96 : index
        %swap3A_1506 = tpu.vector_load %arg18[%swap3A_1504, %swap3A_1505] {strides = array<i32>} : memref<256x128xf32, #tpu.memory_space<vmem>>, vector<16xf32>,
        tpu.vector_store %arg18[%swap3A_1504, %swap3A_1505], %mul3A_1503 {strides = array<i32>} : memref<256x128xf32, #tpu.memory_space<vmem>>, vector<16xf32>,
        %get3A_1507 = arith.index_cast %scan3A_1452 : i32 to index
        %get3A_1508 = arith.constant 112 : index
        %get3A_1509 = tpu.vector_load %arg18[%get3A_1507, %get3A_1508] {strides = array<i32>} : memref<256x128xf32, #tpu.memory_space<vmem>>, vector<16xf32>,
        %mul3A_1510 = arith.mulf %get3A_1509, %gather3A : vector<16xf32>
        %swap3A_1511 = arith.index_cast %scan3A_1452 : i32 to index
        %swap3A_1512 = arith.constant 112 : index
        %swap3A_1513 = tpu.vector_load %arg18[%swap3A_1511, %swap3A_1512] {strides = array<i32>} : memref<256x128xf32, #tpu.memory_space<vmem>>, vector<16xf32>,
        tpu.vector_store %arg18[%swap3A_1511, %swap3A_1512], %mul3A_1510 {strides = array<i32>} : memref<256x128xf32, #tpu.memory_space<vmem>>, vector<16xf32>,
      }
      %scan3A_1353 = arith.constant 256 : i32
      %run_scoped3A_1354 = arith.constant 2 : i32
      "tpu.region"() ({
        %run_scoped3A_1452 = tpu.sem_alloc : memref<!tpu.dma_semaphore, #tpu.memory_space<semaphore_mem>>
        %dma_start3A_1453 = arith.constant 0 : i32
        %dma_start3A_1454 = arith.constant 0 : i32
        %dma_start3A_1455 = tpu.memref_slice %arg18[%dma_start3A_1453, %dma_start3A_1454] : memref<256x128xf32, #tpu.memory_space<vmem>> -> memref<128x128xf32, #tpu.memory_space<vmem>>
        %dma_start3A_1456 = arith.constant 0 : i32
        %dma_start3A_1457 = tpu.memref_slice %arg14[%run_scoped3A_1354, %dma_start3A_1456] : memref<8x128xi32, #tpu.memory_space<vmem>> -> memref<1x128xi32, #tpu.memory_space<vmem>>
        %dma_start3A_1458 = tpu.memref_squeeze %dma_start3A_1457 : memref<1x128xi32, #tpu.memory_space<vmem>> -> memref<128xi32, #tpu.memory_space<vmem>>
        %dma_start3A_1459 = arith.constant 0 : i32
        %dma_start3A_1460 = arith.constant 0 : i32
        %dma_start3A_1461 = tpu.memref_slice %arg11[%dma_start3A_1459, %dma_start3A_1460] : memref<10240x128xf32, #tpu.memory_space<vmem_shared>> -> memref<10240x128xf32, #tpu.memory_space<vmem_shared>>
        tpu.enqueue_indirect_dma source(%dma_start3A_1455 : memref<128x128xf32, #tpu.memory_space<vmem>>) target(%dma_start3A_1461 : memref<10240x128xf32, #tpu.memory_space<vmem_shared>>) offsets(%dma_start3A_1458 : memref<128xi32, #tpu.memory_space<vmem>>) semaphore(%run_scoped3A_1452 : memref<!tpu.dma_semaphore, #tpu.memory_space<semaphore_mem>>) {add = true}
        %dma_wait3A_1462 = arith.constant 0 : i32
        %dma_wait3A_1463 = arith.constant 0 : i32
        %dma_wait3A_1464 = tpu.memref_slice %arg18[%dma_wait3A_1462, %dma_wait3A_1463] : memref<256x128xf32, #tpu.memory_space<vmem>> -> memref<128x128xf32, #tpu.memory_space<vmem>>
        %dma_wait3A_1465 = arith.constant 0 : i32
        %dma_wait3A_1466 = tpu.memref_slice %arg14[%run_scoped3A_1354, %dma_wait3A_1465] : memref<8x128xi32, #tpu.memory_space<vmem>> -> memref<1x128xi32, #tpu.memory_space<vmem>>
        %dma_wait3A_1467 = tpu.memref_squeeze %dma_wait3A_1466 : memref<1x128xi32, #tpu.memory_space<vmem>> -> memref<128xi32, #tpu.memory_space<vmem>>
        %dma_wait3A_1468 = arith.constant 0 : i32
        %dma_wait3A_1469 = arith.constant 0 : i32
        %dma_wait3A_1470 = tpu.memref_slice %arg11[%dma_wait3A_1468, %dma_wait3A_1469] : memref<10240x128xf32, #tpu.memory_space<vmem_shared>> -> memref<10240x128xf32, #tpu.memory_space<vmem_shared>>
        tpu.wait_indirect_dma semaphore(%run_scoped3A_1452 : memref<!tpu.dma_semaphore, #tpu.memory_space<semaphore_mem>>) src(%dma_wait3A_1464 : memref<128x128xf32, #tpu.memory_space<vmem>>) dst(%dma_wait3A_1470 : memref<10240x128xf32, #tpu.memory_space<vmem_shared>>)
        tpu.yield
      }) : () -> ()
      %run_scoped3A_1355 = arith.constant 3 : i32
      "tpu.region"() ({
        %run_scoped3A_1452 = tpu.sem_alloc : memref<!tpu.dma_semaphore, #tpu.memory_space<semaphore_mem>>
        %dma_start3A_1453 = arith.constant 128 : i32
        %dma_start3A_1454 = arith.constant 0 : i32
        %dma_start3A_1455 = tpu.memref_slice %arg18[%dma_start3A_1453, %dma_start3A_1454] : memref<256x128xf32, #tpu.memory_space<vmem>> -> memref<128x128xf32, #tpu.memory_space<vmem>>
        %dma_start3A_1456 = arith.constant 0 : i32
        %dma_start3A_1457 = tpu.memref_slice %arg14[%run_scoped3A_1355, %dma_start3A_1456] : memref<8x128xi32, #tpu.memory_space<vmem>> -> memref<1x128xi32, #tpu.memory_space<vmem>>
        %dma_start3A_1458 = tpu.memref_squeeze %dma_start3A_1457 : memref<1x128xi32, #tpu.memory_space<vmem>> -> memref<128xi32, #tpu.memory_space<vmem>>
        %dma_start3A_1459 = arith.constant 0 : i32
        %dma_start3A_1460 = arith.constant 0 : i32
        %dma_start3A_1461 = tpu.memref_slice %arg11[%dma_start3A_1459, %dma_start3A_1460] : memref<10240x128xf32, #tpu.memory_space<vmem_shared>> -> memref<10240x128xf32, #tpu.memory_space<vmem_shared>>
        tpu.enqueue_indirect_dma source(%dma_start3A_1455 : memref<128x128xf32, #tpu.memory_space<vmem>>) target(%dma_start3A_1461 : memref<10240x128xf32, #tpu.memory_space<vmem_shared>>) offsets(%dma_start3A_1458 : memref<128xi32, #tpu.memory_space<vmem>>) semaphore(%run_scoped3A_1452 : memref<!tpu.dma_semaphore, #tpu.memory_space<semaphore_mem>>) {add = true}
        %dma_wait3A_1462 = arith.constant 128 : i32
        %dma_wait3A_1463 = arith.constant 0 : i32
        %dma_wait3A_1464 = tpu.memref_slice %arg18[%dma_wait3A_1462, %dma_wait3A_1463] : memref<256x128xf32, #tpu.memory_space<vmem>> -> memref<128x128xf32, #tpu.memory_space<vmem>>
        %dma_wait3A_1465 = arith.constant 0 : i32
        %dma_wait3A_1466 = tpu.memref_slice %arg14[%run_scoped3A_1355, %dma_wait3A_1465] : memref<8x128xi32, #tpu.memory_space<vmem>> -> memref<1x128xi32, #tpu.memory_space<vmem>>
        %dma_wait3A_1467 = tpu.memref_squeeze %dma_wait3A_1466 : memref<1x128xi32, #tpu.memory_space<vmem>> -> memref<128xi32, #tpu.memory_space<vmem>>
        %dma_wait3A_1468 = arith.constant 0 : i32
        %dma_wait3A_1469 = arith.constant 0 : i32
        %dma_wait3A_1470 = tpu.memref_slice %arg11[%dma_wait3A_1468, %dma_wait3A_1469] : memref<10240x128xf32, #tpu.memory_space<vmem_shared>> -> memref<10240x128xf32, #tpu.memory_space<vmem_shared>>
        tpu.wait_indirect_dma semaphore(%run_scoped3A_1452 : memref<!tpu.dma_semaphore, #tpu.memory_space<semaphore_mem>>) src(%dma_wait3A_1464 : memref<128x128xf32, #tpu.memory_space<vmem>>) dst(%dma_wait3A_1470 : memref<10240x128xf32, #tpu.memory_space<vmem_shared>>)
        tpu.yield
      }) : () -> ()
      %dma_start3A_1356 = arith.constant 4 : i32
      %dma_start3A_1357 = arith.constant 0 : i32
      %dma_start3A_1358 = arith.constant 0 : i32
      %dma_start3A_1359 = tpu.memref_slice %arg18[%dma_start3A_1357, %dma_start3A_1358] : memref<256x128xf32, #tpu.memory_space<vmem>> -> memref<128x128xf32, #tpu.memory_space<vmem>>
      %dma_start3A_1360 = arith.constant 0 : i32
      %dma_start3A_1361 = tpu.memref_slice %arg13[%dma_start3A_1356, %dma_start3A_1360] : memref<8x128xi32, #tpu.memory_space<vmem>> -> memref<1x128xi32, #tpu.memory_space<vmem>>
      %dma_start3A_1362 = tpu.memref_squeeze %dma_start3A_1361 : memref<1x128xi32, #tpu.memory_space<vmem>> -> memref<128xi32, #tpu.memory_space<vmem>>
      %dma_start3A_1363 = arith.constant 0 : i32
      %dma_start3A_1364 = arith.constant 0 : i32
      %dma_start3A_1365 = tpu.memref_slice %arg2[%dma_start3A_1363, %dma_start3A_1364] : memref<10000x128xf32, #tpu.memory_space<hbm>> -> memref<10000x128xf32, #tpu.memory_space<hbm>>
      tpu.enqueue_indirect_dma source(%dma_start3A_1365 : memref<10000x128xf32, #tpu.memory_space<hbm>>) target(%dma_start3A_1359 : memref<128x128xf32, #tpu.memory_space<vmem>>) offsets(%dma_start3A_1362 : memref<128xi32, #tpu.memory_space<vmem>>) semaphore(%arg19 : memref<!tpu.dma_semaphore, #tpu.memory_space<semaphore_mem>>)
      %dma_start3A_1366 = arith.constant 5 : i32
      %dma_start3A_1367 = arith.constant 128 : i32
      %dma_start3A_1368 = arith.constant 0 : i32
      %dma_start3A_1369 = tpu.memref_slice %arg18[%dma_start3A_1367, %dma_start3A_1368] : memref<256x128xf32, #tpu.memory_space<vmem>> -> memref<128x128xf32, #tpu.memory_space<vmem>>
      %dma_start3A_1370 = arith.constant 0 : i32
      %dma_start3A_1371 = tpu.memref_slice %arg13[%dma_start3A_1366, %dma_start3A_1370] : memref<8x128xi32, #tpu.memory_space<vmem>> -> memref<1x128xi32, #tpu.memory_space<vmem>>
      %dma_start3A_1372 = tpu.memref_squeeze %dma_start3A_1371 : memref<1x128xi32, #tpu.memory_space<vmem>> -> memref<128xi32, #tpu.memory_space<vmem>>
      %dma_start3A_1373 = arith.constant 0 : i32
      %dma_start3A_1374 = arith.constant 0 : i32
      %dma_start3A_1375 = tpu.memref_slice %arg2[%dma_start3A_1373, %dma_start3A_1374] : memref<10000x128xf32, #tpu.memory_space<hbm>> -> memref<10000x128xf32, #tpu.memory_space<hbm>>
      tpu.enqueue_indirect_dma source(%dma_start3A_1375 : memref<10000x128xf32, #tpu.memory_space<hbm>>) target(%dma_start3A_1369 : memref<128x128xf32, #tpu.memory_space<vmem>>) offsets(%dma_start3A_1372 : memref<128xi32, #tpu.memory_space<vmem>>) semaphore(%arg19 : memref<!tpu.dma_semaphore, #tpu.memory_space<semaphore_mem>>)
      %dma_wait3A_1376 = arith.constant 4 : i32
      %dma_wait3A_1377 = arith.constant 0 : i32
      %dma_wait3A_1378 = arith.constant 0 : i32
      %dma_wait3A_1379 = tpu.memref_slice %arg18[%dma_wait3A_1377, %dma_wait3A_1378] : memref<256x128xf32, #tpu.memory_space<vmem>> -> memref<128x128xf32, #tpu.memory_space<vmem>>
      %dma_wait3A_1380 = arith.constant 0 : i32
      %dma_wait3A_1381 = tpu.memref_slice %arg13[%dma_wait3A_1376, %dma_wait3A_1380] : memref<8x128xi32, #tpu.memory_space<vmem>> -> memref<1x128xi32, #tpu.memory_space<vmem>>
      %dma_wait3A_1382 = tpu.memref_squeeze %dma_wait3A_1381 : memref<1x128xi32, #tpu.memory_space<vmem>> -> memref<128xi32, #tpu.memory_space<vmem>>
      %dma_wait3A_1383 = arith.constant 0 : i32
      %dma_wait3A_1384 = arith.constant 0 : i32
      %dma_wait3A_1385 = tpu.memref_slice %arg2[%dma_wait3A_1383, %dma_wait3A_1384] : memref<10000x128xf32, #tpu.memory_space<hbm>> -> memref<10000x128xf32, #tpu.memory_space<hbm>>
      tpu.wait_indirect_dma semaphore(%arg19 : memref<!tpu.dma_semaphore, #tpu.memory_space<semaphore_mem>>) src(%dma_wait3A_1385 : memref<10000x128xf32, #tpu.memory_space<hbm>>) dst(%dma_wait3A_1379 : memref<128x128xf32, #tpu.memory_space<vmem>>)
      %dma_wait3A_1386 = arith.constant 5 : i32
      %dma_wait3A_1387 = arith.constant 128 : i32
      %dma_wait3A_1388 = arith.constant 0 : i32
      %dma_wait3A_1389 = tpu.memref_slice %arg18[%dma_wait3A_1387, %dma_wait3A_1388] : memref<256x128xf32, #tpu.memory_space<vmem>> -> memref<128x128xf32, #tpu.memory_space<vmem>>
      %dma_wait3A_1390 = arith.constant 0 : i32
      %dma_wait3A_1391 = tpu.memref_slice %arg13[%dma_wait3A_1386, %dma_wait3A_1390] : memref<8x128xi32, #tpu.memory_space<vmem>> -> memref<1x128xi32, #tpu.memory_space<vmem>>
      %dma_wait3A_1392 = tpu.memref_squeeze %dma_wait3A_1391 : memref<1x128xi32, #tpu.memory_space<vmem>> -> memref<128xi32, #tpu.memory_space<vmem>>
      %dma_wait3A_1393 = arith.constant 0 : i32
      %dma_wait3A_1394 = arith.constant 0 : i32
      %dma_wait3A_1395 = tpu.memref_slice %arg2[%dma_wait3A_1393, %dma_wait3A_1394] : memref<10000x128xf32, #tpu.memory_space<hbm>> -> memref<10000x128xf32, #tpu.memory_space<hbm>>
      tpu.wait_indirect_dma semaphore(%arg19 : memref<!tpu.dma_semaphore, #tpu.memory_space<semaphore_mem>>) src(%dma_wait3A_1395 : memref<10000x128xf32, #tpu.memory_space<hbm>>) dst(%dma_wait3A_1389 : memref<128x128xf32, #tpu.memory_space<vmem>>)
      %scan3A_1396 = arith.constant 0 : i32
      %scan3A_1397 = arith.constant 0 : i32
      %scan3A_1398 = arith.constant 256 : i32
      %scan3A_1399 = arith.addi %scan3A_1397, %scan3A_1398 : i32
      %scan3A_1400 = arith.constant 1 : i32
      scf.for %scan3A_1452 = %scan3A_1397 to %scan3A_1399 step %scan3A_1400  : i32 {
        %broadcast_in_dim3A = arith.constant 0 : i32
        %broadcast_in_dim3A_1453 = vector.broadcast %broadcast_in_dim3A : i32 to vector<16xi32>
        %add3A_1454 = arith.constant 512 : i32
        %add3A_1455 = arith.addi %add3A_1454, %scan3A_1452 : i32
        %add3A_1456 = vector.broadcast %add3A_1455 : i32 to vector<16xi32>
        %add3A_1457 = arith.addi %broadcast_in_dim3A_1453, %add3A_1456 : vector<16xi32>
        %gather3A = tpu.vector_load_idx %arg17[%add3A_1457] : memref<1024xf32, #tpu.memory_space<vmem>>[vector<16xi32>], vector<16xf32>,
        %get3A_1458 = arith.index_cast %scan3A_1452 : i32 to index
        %get3A_1459 = arith.constant 0 : index
        %get3A_1460 = tpu.vector_load %arg18[%get3A_1458, %get3A_1459] {strides = array<i32>} : memref<256x128xf32, #tpu.memory_space<vmem>>, vector<16xf32>,
        %mul3A_1461 = arith.mulf %get3A_1460, %gather3A : vector<16xf32>
        %swap3A_1462 = arith.index_cast %scan3A_1452 : i32 to index
        %swap3A_1463 = arith.constant 0 : index
        %swap3A_1464 = tpu.vector_load %arg18[%swap3A_1462, %swap3A_1463] {strides = array<i32>} : memref<256x128xf32, #tpu.memory_space<vmem>>, vector<16xf32>,
        tpu.vector_store %arg18[%swap3A_1462, %swap3A_1463], %mul3A_1461 {strides = array<i32>} : memref<256x128xf32, #tpu.memory_space<vmem>>, vector<16xf32>,
        %get3A_1465 = arith.index_cast %scan3A_1452 : i32 to index
        %get3A_1466 = arith.constant 16 : index
        %get3A_1467 = tpu.vector_load %arg18[%get3A_1465, %get3A_1466] {strides = array<i32>} : memref<256x128xf32, #tpu.memory_space<vmem>>, vector<16xf32>,
        %mul3A_1468 = arith.mulf %get3A_1467, %gather3A : vector<16xf32>
        %swap3A_1469 = arith.index_cast %scan3A_1452 : i32 to index
        %swap3A_1470 = arith.constant 16 : index
        %swap3A_1471 = tpu.vector_load %arg18[%swap3A_1469, %swap3A_1470] {strides = array<i32>} : memref<256x128xf32, #tpu.memory_space<vmem>>, vector<16xf32>,
        tpu.vector_store %arg18[%swap3A_1469, %swap3A_1470], %mul3A_1468 {strides = array<i32>} : memref<256x128xf32, #tpu.memory_space<vmem>>, vector<16xf32>,
        %get3A_1472 = arith.index_cast %scan3A_1452 : i32 to index
        %get3A_1473 = arith.constant 32 : index
        %get3A_1474 = tpu.vector_load %arg18[%get3A_1472, %get3A_1473] {strides = array<i32>} : memref<256x128xf32, #tpu.memory_space<vmem>>, vector<16xf32>,
        %mul3A_1475 = arith.mulf %get3A_1474, %gather3A : vector<16xf32>
        %swap3A_1476 = arith.index_cast %scan3A_1452 : i32 to index
        %swap3A_1477 = arith.constant 32 : index
        %swap3A_1478 = tpu.vector_load %arg18[%swap3A_1476, %swap3A_1477] {strides = array<i32>} : memref<256x128xf32, #tpu.memory_space<vmem>>, vector<16xf32>,
        tpu.vector_store %arg18[%swap3A_1476, %swap3A_1477], %mul3A_1475 {strides = array<i32>} : memref<256x128xf32, #tpu.memory_space<vmem>>, vector<16xf32>,
        %get3A_1479 = arith.index_cast %scan3A_1452 : i32 to index
        %get3A_1480 = arith.constant 48 : index
        %get3A_1481 = tpu.vector_load %arg18[%get3A_1479, %get3A_1480] {strides = array<i32>} : memref<256x128xf32, #tpu.memory_space<vmem>>, vector<16xf32>,
        %mul3A_1482 = arith.mulf %get3A_1481, %gather3A : vector<16xf32>
        %swap3A_1483 = arith.index_cast %scan3A_1452 : i32 to index
        %swap3A_1484 = arith.constant 48 : index
        %swap3A_1485 = tpu.vector_load %arg18[%swap3A_1483, %swap3A_1484] {strides = array<i32>} : memref<256x128xf32, #tpu.memory_space<vmem>>, vector<16xf32>,
        tpu.vector_store %arg18[%swap3A_1483, %swap3A_1484], %mul3A_1482 {strides = array<i32>} : memref<256x128xf32, #tpu.memory_space<vmem>>, vector<16xf32>,
        %get3A_1486 = arith.index_cast %scan3A_1452 : i32 to index
        %get3A_1487 = arith.constant 64 : index
        %get3A_1488 = tpu.vector_load %arg18[%get3A_1486, %get3A_1487] {strides = array<i32>} : memref<256x128xf32, #tpu.memory_space<vmem>>, vector<16xf32>,
        %mul3A_1489 = arith.mulf %get3A_1488, %gather3A : vector<16xf32>
        %swap3A_1490 = arith.index_cast %scan3A_1452 : i32 to index
        %swap3A_1491 = arith.constant 64 : index
        %swap3A_1492 = tpu.vector_load %arg18[%swap3A_1490, %swap3A_1491] {strides = array<i32>} : memref<256x128xf32, #tpu.memory_space<vmem>>, vector<16xf32>,
        tpu.vector_store %arg18[%swap3A_1490, %swap3A_1491], %mul3A_1489 {strides = array<i32>} : memref<256x128xf32, #tpu.memory_space<vmem>>, vector<16xf32>,
        %get3A_1493 = arith.index_cast %scan3A_1452 : i32 to index
        %get3A_1494 = arith.constant 80 : index
        %get3A_1495 = tpu.vector_load %arg18[%get3A_1493, %get3A_1494] {strides = array<i32>} : memref<256x128xf32, #tpu.memory_space<vmem>>, vector<16xf32>,
        %mul3A_1496 = arith.mulf %get3A_1495, %gather3A : vector<16xf32>
        %swap3A_1497 = arith.index_cast %scan3A_1452 : i32 to index
        %swap3A_1498 = arith.constant 80 : index
        %swap3A_1499 = tpu.vector_load %arg18[%swap3A_1497, %swap3A_1498] {strides = array<i32>} : memref<256x128xf32, #tpu.memory_space<vmem>>, vector<16xf32>,
        tpu.vector_store %arg18[%swap3A_1497, %swap3A_1498], %mul3A_1496 {strides = array<i32>} : memref<256x128xf32, #tpu.memory_space<vmem>>, vector<16xf32>,
        %get3A_1500 = arith.index_cast %scan3A_1452 : i32 to index
        %get3A_1501 = arith.constant 96 : index
        %get3A_1502 = tpu.vector_load %arg18[%get3A_1500, %get3A_1501] {strides = array<i32>} : memref<256x128xf32, #tpu.memory_space<vmem>>, vector<16xf32>,
        %mul3A_1503 = arith.mulf %get3A_1502, %gather3A : vector<16xf32>
        %swap3A_1504 = arith.index_cast %scan3A_1452 : i32 to index
        %swap3A_1505 = arith.constant 96 : index
        %swap3A_1506 = tpu.vector_load %arg18[%swap3A_1504, %swap3A_1505] {strides = array<i32>} : memref<256x128xf32, #tpu.memory_space<vmem>>, vector<16xf32>,
        tpu.vector_store %arg18[%swap3A_1504, %swap3A_1505], %mul3A_1503 {strides = array<i32>} : memref<256x128xf32, #tpu.memory_space<vmem>>, vector<16xf32>,
        %get3A_1507 = arith.index_cast %scan3A_1452 : i32 to index
        %get3A_1508 = arith.constant 112 : index
        %get3A_1509 = tpu.vector_load %arg18[%get3A_1507, %get3A_1508] {strides = array<i32>} : memref<256x128xf32, #tpu.memory_space<vmem>>, vector<16xf32>,
        %mul3A_1510 = arith.mulf %get3A_1509, %gather3A : vector<16xf32>
        %swap3A_1511 = arith.index_cast %scan3A_1452 : i32 to index
        %swap3A_1512 = arith.constant 112 : index
        %swap3A_1513 = tpu.vector_load %arg18[%swap3A_1511, %swap3A_1512] {strides = array<i32>} : memref<256x128xf32, #tpu.memory_space<vmem>>, vector<16xf32>,
        tpu.vector_store %arg18[%swap3A_1511, %swap3A_1512], %mul3A_1510 {strides = array<i32>} : memref<256x128xf32, #tpu.memory_space<vmem>>, vector<16xf32>,
      }
      %scan3A_1401 = arith.constant 256 : i32
      %run_scoped3A_1402 = arith.constant 4 : i32
      "tpu.region"() ({
        %run_scoped3A_1452 = tpu.sem_alloc : memref<!tpu.dma_semaphore, #tpu.memory_space<semaphore_mem>>
        %dma_start3A_1453 = arith.constant 0 : i32
        %dma_start3A_1454 = arith.constant 0 : i32
        %dma_start3A_1455 = tpu.memref_slice %arg18[%dma_start3A_1453, %dma_start3A_1454] : memref<256x128xf32, #tpu.memory_space<vmem>> -> memref<128x128xf32, #tpu.memory_space<vmem>>
        %dma_start3A_1456 = arith.constant 0 : i32
        %dma_start3A_1457 = tpu.memref_slice %arg14[%run_scoped3A_1402, %dma_start3A_1456] : memref<8x128xi32, #tpu.memory_space<vmem>> -> memref<1x128xi32, #tpu.memory_space<vmem>>
        %dma_start3A_1458 = tpu.memref_squeeze %dma_start3A_1457 : memref<1x128xi32, #tpu.memory_space<vmem>> -> memref<128xi32, #tpu.memory_space<vmem>>
        %dma_start3A_1459 = arith.constant 0 : i32
        %dma_start3A_1460 = arith.constant 0 : i32
        %dma_start3A_1461 = tpu.memref_slice %arg11[%dma_start3A_1459, %dma_start3A_1460] : memref<10240x128xf32, #tpu.memory_space<vmem_shared>> -> memref<10240x128xf32, #tpu.memory_space<vmem_shared>>
        tpu.enqueue_indirect_dma source(%dma_start3A_1455 : memref<128x128xf32, #tpu.memory_space<vmem>>) target(%dma_start3A_1461 : memref<10240x128xf32, #tpu.memory_space<vmem_shared>>) offsets(%dma_start3A_1458 : memref<128xi32, #tpu.memory_space<vmem>>) semaphore(%run_scoped3A_1452 : memref<!tpu.dma_semaphore, #tpu.memory_space<semaphore_mem>>) {add = true}
        %dma_wait3A_1462 = arith.constant 0 : i32
        %dma_wait3A_1463 = arith.constant 0 : i32
        %dma_wait3A_1464 = tpu.memref_slice %arg18[%dma_wait3A_1462, %dma_wait3A_1463] : memref<256x128xf32, #tpu.memory_space<vmem>> -> memref<128x128xf32, #tpu.memory_space<vmem>>
        %dma_wait3A_1465 = arith.constant 0 : i32
        %dma_wait3A_1466 = tpu.memref_slice %arg14[%run_scoped3A_1402, %dma_wait3A_1465] : memref<8x128xi32, #tpu.memory_space<vmem>> -> memref<1x128xi32, #tpu.memory_space<vmem>>
        %dma_wait3A_1467 = tpu.memref_squeeze %dma_wait3A_1466 : memref<1x128xi32, #tpu.memory_space<vmem>> -> memref<128xi32, #tpu.memory_space<vmem>>
        %dma_wait3A_1468 = arith.constant 0 : i32
        %dma_wait3A_1469 = arith.constant 0 : i32
        %dma_wait3A_1470 = tpu.memref_slice %arg11[%dma_wait3A_1468, %dma_wait3A_1469] : memref<10240x128xf32, #tpu.memory_space<vmem_shared>> -> memref<10240x128xf32, #tpu.memory_space<vmem_shared>>
        tpu.wait_indirect_dma semaphore(%run_scoped3A_1452 : memref<!tpu.dma_semaphore, #tpu.memory_space<semaphore_mem>>) src(%dma_wait3A_1464 : memref<128x128xf32, #tpu.memory_space<vmem>>) dst(%dma_wait3A_1470 : memref<10240x128xf32, #tpu.memory_space<vmem_shared>>)
        tpu.yield
      }) : () -> ()
      %run_scoped3A_1403 = arith.constant 5 : i32
      "tpu.region"() ({
        %run_scoped3A_1452 = tpu.sem_alloc : memref<!tpu.dma_semaphore, #tpu.memory_space<semaphore_mem>>
        %dma_start3A_1453 = arith.constant 128 : i32
        %dma_start3A_1454 = arith.constant 0 : i32
        %dma_start3A_1455 = tpu.memref_slice %arg18[%dma_start3A_1453, %dma_start3A_1454] : memref<256x128xf32, #tpu.memory_space<vmem>> -> memref<128x128xf32, #tpu.memory_space<vmem>>
        %dma_start3A_1456 = arith.constant 0 : i32
        %dma_start3A_1457 = tpu.memref_slice %arg14[%run_scoped3A_1403, %dma_start3A_1456] : memref<8x128xi32, #tpu.memory_space<vmem>> -> memref<1x128xi32, #tpu.memory_space<vmem>>
        %dma_start3A_1458 = tpu.memref_squeeze %dma_start3A_1457 : memref<1x128xi32, #tpu.memory_space<vmem>> -> memref<128xi32, #tpu.memory_space<vmem>>
        %dma_start3A_1459 = arith.constant 0 : i32
        %dma_start3A_1460 = arith.constant 0 : i32
        %dma_start3A_1461 = tpu.memref_slice %arg11[%dma_start3A_1459, %dma_start3A_1460] : memref<10240x128xf32, #tpu.memory_space<vmem_shared>> -> memref<10240x128xf32, #tpu.memory_space<vmem_shared>>
        tpu.enqueue_indirect_dma source(%dma_start3A_1455 : memref<128x128xf32, #tpu.memory_space<vmem>>) target(%dma_start3A_1461 : memref<10240x128xf32, #tpu.memory_space<vmem_shared>>) offsets(%dma_start3A_1458 : memref<128xi32, #tpu.memory_space<vmem>>) semaphore(%run_scoped3A_1452 : memref<!tpu.dma_semaphore, #tpu.memory_space<semaphore_mem>>) {add = true}
        %dma_wait3A_1462 = arith.constant 128 : i32
        %dma_wait3A_1463 = arith.constant 0 : i32
        %dma_wait3A_1464 = tpu.memref_slice %arg18[%dma_wait3A_1462, %dma_wait3A_1463] : memref<256x128xf32, #tpu.memory_space<vmem>> -> memref<128x128xf32, #tpu.memory_space<vmem>>
        %dma_wait3A_1465 = arith.constant 0 : i32
        %dma_wait3A_1466 = tpu.memref_slice %arg14[%run_scoped3A_1403, %dma_wait3A_1465] : memref<8x128xi32, #tpu.memory_space<vmem>> -> memref<1x128xi32, #tpu.memory_space<vmem>>
        %dma_wait3A_1467 = tpu.memref_squeeze %dma_wait3A_1466 : memref<1x128xi32, #tpu.memory_space<vmem>> -> memref<128xi32, #tpu.memory_space<vmem>>
        %dma_wait3A_1468 = arith.constant 0 : i32
        %dma_wait3A_1469 = arith.constant 0 : i32
        %dma_wait3A_1470 = tpu.memref_slice %arg11[%dma_wait3A_1468, %dma_wait3A_1469] : memref<10240x128xf32, #tpu.memory_space<vmem_shared>> -> memref<10240x128xf32, #tpu.memory_space<vmem_shared>>
        tpu.wait_indirect_dma semaphore(%run_scoped3A_1452 : memref<!tpu.dma_semaphore, #tpu.memory_space<semaphore_mem>>) src(%dma_wait3A_1464 : memref<128x128xf32, #tpu.memory_space<vmem>>) dst(%dma_wait3A_1470 : memref<10240x128xf32, #tpu.memory_space<vmem_shared>>)
        tpu.yield
      }) : () -> ()
      %dma_start3A_1404 = arith.constant 6 : i32
      %dma_start3A_1405 = arith.constant 0 : i32
      %dma_start3A_1406 = arith.constant 0 : i32
      %dma_start3A_1407 = tpu.memref_slice %arg18[%dma_start3A_1405, %dma_start3A_1406] : memref<256x128xf32, #tpu.memory_space<vmem>> -> memref<128x128xf32, #tpu.memory_space<vmem>>
      %dma_start3A_1408 = arith.constant 0 : i32
      %dma_start3A_1409 = tpu.memref_slice %arg13[%dma_start3A_1404, %dma_start3A_1408] : memref<8x128xi32, #tpu.memory_space<vmem>> -> memref<1x128xi32, #tpu.memory_space<vmem>>
      %dma_start3A_1410 = tpu.memref_squeeze %dma_start3A_1409 : memref<1x128xi32, #tpu.memory_space<vmem>> -> memref<128xi32, #tpu.memory_space<vmem>>
      %dma_start3A_1411 = arith.constant 0 : i32
      %dma_start3A_1412 = arith.constant 0 : i32
      %dma_start3A_1413 = tpu.memref_slice %arg2[%dma_start3A_1411, %dma_start3A_1412] : memref<10000x128xf32, #tpu.memory_space<hbm>> -> memref<10000x128xf32, #tpu.memory_space<hbm>>
      tpu.enqueue_indirect_dma source(%dma_start3A_1413 : memref<10000x128xf32, #tpu.memory_space<hbm>>) target(%dma_start3A_1407 : memref<128x128xf32, #tpu.memory_space<vmem>>) offsets(%dma_start3A_1410 : memref<128xi32, #tpu.memory_space<vmem>>) semaphore(%arg19 : memref<!tpu.dma_semaphore, #tpu.memory_space<semaphore_mem>>)
      %dma_start3A_1414 = arith.constant 7 : i32
      %dma_start3A_1415 = arith.constant 128 : i32
      %dma_start3A_1416 = arith.constant 0 : i32
      %dma_start3A_1417 = tpu.memref_slice %arg18[%dma_start3A_1415, %dma_start3A_1416] : memref<256x128xf32, #tpu.memory_space<vmem>> -> memref<128x128xf32, #tpu.memory_space<vmem>>
      %dma_start3A_1418 = arith.constant 0 : i32
      %dma_start3A_1419 = tpu.memref_slice %arg13[%dma_start3A_1414, %dma_start3A_1418] : memref<8x128xi32, #tpu.memory_space<vmem>> -> memref<1x128xi32, #tpu.memory_space<vmem>>
      %dma_start3A_1420 = tpu.memref_squeeze %dma_start3A_1419 : memref<1x128xi32, #tpu.memory_space<vmem>> -> memref<128xi32, #tpu.memory_space<vmem>>
      %dma_start3A_1421 = arith.constant 0 : i32
      %dma_start3A_1422 = arith.constant 0 : i32
      %dma_start3A_1423 = tpu.memref_slice %arg2[%dma_start3A_1421, %dma_start3A_1422] : memref<10000x128xf32, #tpu.memory_space<hbm>> -> memref<10000x128xf32, #tpu.memory_space<hbm>>
      tpu.enqueue_indirect_dma source(%dma_start3A_1423 : memref<10000x128xf32, #tpu.memory_space<hbm>>) target(%dma_start3A_1417 : memref<128x128xf32, #tpu.memory_space<vmem>>) offsets(%dma_start3A_1420 : memref<128xi32, #tpu.memory_space<vmem>>) semaphore(%arg19 : memref<!tpu.dma_semaphore, #tpu.memory_space<semaphore_mem>>)
      %dma_wait3A_1424 = arith.constant 6 : i32
      %dma_wait3A_1425 = arith.constant 0 : i32
      %dma_wait3A_1426 = arith.constant 0 : i32
      %dma_wait3A_1427 = tpu.memref_slice %arg18[%dma_wait3A_1425, %dma_wait3A_1426] : memref<256x128xf32, #tpu.memory_space<vmem>> -> memref<128x128xf32, #tpu.memory_space<vmem>>
      %dma_wait3A_1428 = arith.constant 0 : i32
      %dma_wait3A_1429 = tpu.memref_slice %arg13[%dma_wait3A_1424, %dma_wait3A_1428] : memref<8x128xi32, #tpu.memory_space<vmem>> -> memref<1x128xi32, #tpu.memory_space<vmem>>
      %dma_wait3A_1430 = tpu.memref_squeeze %dma_wait3A_1429 : memref<1x128xi32, #tpu.memory_space<vmem>> -> memref<128xi32, #tpu.memory_space<vmem>>
      %dma_wait3A_1431 = arith.constant 0 : i32
      %dma_wait3A_1432 = arith.constant 0 : i32
      %dma_wait3A_1433 = tpu.memref_slice %arg2[%dma_wait3A_1431, %dma_wait3A_1432] : memref<10000x128xf32, #tpu.memory_space<hbm>> -> memref<10000x128xf32, #tpu.memory_space<hbm>>
      tpu.wait_indirect_dma semaphore(%arg19 : memref<!tpu.dma_semaphore, #tpu.memory_space<semaphore_mem>>) src(%dma_wait3A_1433 : memref<10000x128xf32, #tpu.memory_space<hbm>>) dst(%dma_wait3A_1427 : memref<128x128xf32, #tpu.memory_space<vmem>>)
      %dma_wait3A_1434 = arith.constant 7 : i32
      %dma_wait3A_1435 = arith.constant 128 : i32
      %dma_wait3A_1436 = arith.constant 0 : i32
      %dma_wait3A_1437 = tpu.memref_slice %arg18[%dma_wait3A_1435, %dma_wait3A_1436] : memref<256x128xf32, #tpu.memory_space<vmem>> -> memref<128x128xf32, #tpu.memory_space<vmem>>
      %dma_wait3A_1438 = arith.constant 0 : i32
      %dma_wait3A_1439 = tpu.memref_slice %arg13[%dma_wait3A_1434, %dma_wait3A_1438] : memref<8x128xi32, #tpu.memory_space<vmem>> -> memref<1x128xi32, #tpu.memory_space<vmem>>
      %dma_wait3A_1440 = tpu.memref_squeeze %dma_wait3A_1439 : memref<1x128xi32, #tpu.memory_space<vmem>> -> memref<128xi32, #tpu.memory_space<vmem>>
      %dma_wait3A_1441 = arith.constant 0 : i32
      %dma_wait3A_1442 = arith.constant 0 : i32
      %dma_wait3A_1443 = tpu.memref_slice %arg2[%dma_wait3A_1441, %dma_wait3A_1442] : memref<10000x128xf32, #tpu.memory_space<hbm>> -> memref<10000x128xf32, #tpu.memory_space<hbm>>
      tpu.wait_indirect_dma semaphore(%arg19 : memref<!tpu.dma_semaphore, #tpu.memory_space<semaphore_mem>>) src(%dma_wait3A_1443 : memref<10000x128xf32, #tpu.memory_space<hbm>>) dst(%dma_wait3A_1437 : memref<128x128xf32, #tpu.memory_space<vmem>>)
      %scan3A_1444 = arith.constant 0 : i32
      %scan3A_1445 = arith.constant 0 : i32
      %scan3A_1446 = arith.constant 256 : i32
      %scan3A_1447 = arith.addi %scan3A_1445, %scan3A_1446 : i32
      %scan3A_1448 = arith.constant 1 : i32
      scf.for %scan3A_1452 = %scan3A_1445 to %scan3A_1447 step %scan3A_1448  : i32 {
        %broadcast_in_dim3A = arith.constant 0 : i32
        %broadcast_in_dim3A_1453 = vector.broadcast %broadcast_in_dim3A : i32 to vector<16xi32>
        %add3A_1454 = arith.constant 768 : i32
        %add3A_1455 = arith.addi %add3A_1454, %scan3A_1452 : i32
        %add3A_1456 = vector.broadcast %add3A_1455 : i32 to vector<16xi32>
        %add3A_1457 = arith.addi %broadcast_in_dim3A_1453, %add3A_1456 : vector<16xi32>
        %gather3A = tpu.vector_load_idx %arg17[%add3A_1457] : memref<1024xf32, #tpu.memory_space<vmem>>[vector<16xi32>], vector<16xf32>,
        %get3A_1458 = arith.index_cast %scan3A_1452 : i32 to index
        %get3A_1459 = arith.constant 0 : index
        %get3A_1460 = tpu.vector_load %arg18[%get3A_1458, %get3A_1459] {strides = array<i32>} : memref<256x128xf32, #tpu.memory_space<vmem>>, vector<16xf32>,
        %mul3A_1461 = arith.mulf %get3A_1460, %gather3A : vector<16xf32>
        %swap3A_1462 = arith.index_cast %scan3A_1452 : i32 to index
        %swap3A_1463 = arith.constant 0 : index
        %swap3A_1464 = tpu.vector_load %arg18[%swap3A_1462, %swap3A_1463] {strides = array<i32>} : memref<256x128xf32, #tpu.memory_space<vmem>>, vector<16xf32>,
        tpu.vector_store %arg18[%swap3A_1462, %swap3A_1463], %mul3A_1461 {strides = array<i32>} : memref<256x128xf32, #tpu.memory_space<vmem>>, vector<16xf32>,
        %get3A_1465 = arith.index_cast %scan3A_1452 : i32 to index
        %get3A_1466 = arith.constant 16 : index
        %get3A_1467 = tpu.vector_load %arg18[%get3A_1465, %get3A_1466] {strides = array<i32>} : memref<256x128xf32, #tpu.memory_space<vmem>>, vector<16xf32>,
        %mul3A_1468 = arith.mulf %get3A_1467, %gather3A : vector<16xf32>
        %swap3A_1469 = arith.index_cast %scan3A_1452 : i32 to index
        %swap3A_1470 = arith.constant 16 : index
        %swap3A_1471 = tpu.vector_load %arg18[%swap3A_1469, %swap3A_1470] {strides = array<i32>} : memref<256x128xf32, #tpu.memory_space<vmem>>, vector<16xf32>,
        tpu.vector_store %arg18[%swap3A_1469, %swap3A_1470], %mul3A_1468 {strides = array<i32>} : memref<256x128xf32, #tpu.memory_space<vmem>>, vector<16xf32>,
        %get3A_1472 = arith.index_cast %scan3A_1452 : i32 to index
        %get3A_1473 = arith.constant 32 : index
        %get3A_1474 = tpu.vector_load %arg18[%get3A_1472, %get3A_1473] {strides = array<i32>} : memref<256x128xf32, #tpu.memory_space<vmem>>, vector<16xf32>,
        %mul3A_1475 = arith.mulf %get3A_1474, %gather3A : vector<16xf32>
        %swap3A_1476 = arith.index_cast %scan3A_1452 : i32 to index
        %swap3A_1477 = arith.constant 32 : index
        %swap3A_1478 = tpu.vector_load %arg18[%swap3A_1476, %swap3A_1477] {strides = array<i32>} : memref<256x128xf32, #tpu.memory_space<vmem>>, vector<16xf32>,
        tpu.vector_store %arg18[%swap3A_1476, %swap3A_1477], %mul3A_1475 {strides = array<i32>} : memref<256x128xf32, #tpu.memory_space<vmem>>, vector<16xf32>,
        %get3A_1479 = arith.index_cast %scan3A_1452 : i32 to index
        %get3A_1480 = arith.constant 48 : index
        %get3A_1481 = tpu.vector_load %arg18[%get3A_1479, %get3A_1480] {strides = array<i32>} : memref<256x128xf32, #tpu.memory_space<vmem>>, vector<16xf32>,
        %mul3A_1482 = arith.mulf %get3A_1481, %gather3A : vector<16xf32>
        %swap3A_1483 = arith.index_cast %scan3A_1452 : i32 to index
        %swap3A_1484 = arith.constant 48 : index
        %swap3A_1485 = tpu.vector_load %arg18[%swap3A_1483, %swap3A_1484] {strides = array<i32>} : memref<256x128xf32, #tpu.memory_space<vmem>>, vector<16xf32>,
        tpu.vector_store %arg18[%swap3A_1483, %swap3A_1484], %mul3A_1482 {strides = array<i32>} : memref<256x128xf32, #tpu.memory_space<vmem>>, vector<16xf32>,
        %get3A_1486 = arith.index_cast %scan3A_1452 : i32 to index
        %get3A_1487 = arith.constant 64 : index
        %get3A_1488 = tpu.vector_load %arg18[%get3A_1486, %get3A_1487] {strides = array<i32>} : memref<256x128xf32, #tpu.memory_space<vmem>>, vector<16xf32>,
        %mul3A_1489 = arith.mulf %get3A_1488, %gather3A : vector<16xf32>
        %swap3A_1490 = arith.index_cast %scan3A_1452 : i32 to index
        %swap3A_1491 = arith.constant 64 : index
        %swap3A_1492 = tpu.vector_load %arg18[%swap3A_1490, %swap3A_1491] {strides = array<i32>} : memref<256x128xf32, #tpu.memory_space<vmem>>, vector<16xf32>,
        tpu.vector_store %arg18[%swap3A_1490, %swap3A_1491], %mul3A_1489 {strides = array<i32>} : memref<256x128xf32, #tpu.memory_space<vmem>>, vector<16xf32>,
        %get3A_1493 = arith.index_cast %scan3A_1452 : i32 to index
        %get3A_1494 = arith.constant 80 : index
        %get3A_1495 = tpu.vector_load %arg18[%get3A_1493, %get3A_1494] {strides = array<i32>} : memref<256x128xf32, #tpu.memory_space<vmem>>, vector<16xf32>,
        %mul3A_1496 = arith.mulf %get3A_1495, %gather3A : vector<16xf32>
        %swap3A_1497 = arith.index_cast %scan3A_1452 : i32 to index
        %swap3A_1498 = arith.constant 80 : index
        %swap3A_1499 = tpu.vector_load %arg18[%swap3A_1497, %swap3A_1498] {strides = array<i32>} : memref<256x128xf32, #tpu.memory_space<vmem>>, vector<16xf32>,
        tpu.vector_store %arg18[%swap3A_1497, %swap3A_1498], %mul3A_1496 {strides = array<i32>} : memref<256x128xf32, #tpu.memory_space<vmem>>, vector<16xf32>,
        %get3A_1500 = arith.index_cast %scan3A_1452 : i32 to index
        %get3A_1501 = arith.constant 96 : index
        %get3A_1502 = tpu.vector_load %arg18[%get3A_1500, %get3A_1501] {strides = array<i32>} : memref<256x128xf32, #tpu.memory_space<vmem>>, vector<16xf32>,
        %mul3A_1503 = arith.mulf %get3A_1502, %gather3A : vector<16xf32>
        %swap3A_1504 = arith.index_cast %scan3A_1452 : i32 to index
        %swap3A_1505 = arith.constant 96 : index
        %swap3A_1506 = tpu.vector_load %arg18[%swap3A_1504, %swap3A_1505] {strides = array<i32>} : memref<256x128xf32, #tpu.memory_space<vmem>>, vector<16xf32>,
        tpu.vector_store %arg18[%swap3A_1504, %swap3A_1505], %mul3A_1503 {strides = array<i32>} : memref<256x128xf32, #tpu.memory_space<vmem>>, vector<16xf32>,
        %get3A_1507 = arith.index_cast %scan3A_1452 : i32 to index
        %get3A_1508 = arith.constant 112 : index
        %get3A_1509 = tpu.vector_load %arg18[%get3A_1507, %get3A_1508] {strides = array<i32>} : memref<256x128xf32, #tpu.memory_space<vmem>>, vector<16xf32>,
        %mul3A_1510 = arith.mulf %get3A_1509, %gather3A : vector<16xf32>
        %swap3A_1511 = arith.index_cast %scan3A_1452 : i32 to index
        %swap3A_1512 = arith.constant 112 : index
        %swap3A_1513 = tpu.vector_load %arg18[%swap3A_1511, %swap3A_1512] {strides = array<i32>} : memref<256x128xf32, #tpu.memory_space<vmem>>, vector<16xf32>,
        tpu.vector_store %arg18[%swap3A_1511, %swap3A_1512], %mul3A_1510 {strides = array<i32>} : memref<256x128xf32, #tpu.memory_space<vmem>>, vector<16xf32>,
      }
      %scan3A_1449 = arith.constant 256 : i32
      %run_scoped3A_1450 = arith.constant 6 : i32
      "tpu.region"() ({
        %run_scoped3A_1452 = tpu.sem_alloc : memref<!tpu.dma_semaphore, #tpu.memory_space<semaphore_mem>>
        %dma_start3A_1453 = arith.constant 0 : i32
        %dma_start3A_1454 = arith.constant 0 : i32
        %dma_start3A_1455 = tpu.memref_slice %arg18[%dma_start3A_1453, %dma_start3A_1454] : memref<256x128xf32, #tpu.memory_space<vmem>> -> memref<128x128xf32, #tpu.memory_space<vmem>>
        %dma_start3A_1456 = arith.constant 0 : i32
        %dma_start3A_1457 = tpu.memref_slice %arg14[%run_scoped3A_1450, %dma_start3A_1456] : memref<8x128xi32, #tpu.memory_space<vmem>> -> memref<1x128xi32, #tpu.memory_space<vmem>>
        %dma_start3A_1458 = tpu.memref_squeeze %dma_start3A_1457 : memref<1x128xi32, #tpu.memory_space<vmem>> -> memref<128xi32, #tpu.memory_space<vmem>>
        %dma_start3A_1459 = arith.constant 0 : i32
        %dma_start3A_1460 = arith.constant 0 : i32
        %dma_start3A_1461 = tpu.memref_slice %arg11[%dma_start3A_1459, %dma_start3A_1460] : memref<10240x128xf32, #tpu.memory_space<vmem_shared>> -> memref<10240x128xf32, #tpu.memory_space<vmem_shared>>
        tpu.enqueue_indirect_dma source(%dma_start3A_1455 : memref<128x128xf32, #tpu.memory_space<vmem>>) target(%dma_start3A_1461 : memref<10240x128xf32, #tpu.memory_space<vmem_shared>>) offsets(%dma_start3A_1458 : memref<128xi32, #tpu.memory_space<vmem>>) semaphore(%run_scoped3A_1452 : memref<!tpu.dma_semaphore, #tpu.memory_space<semaphore_mem>>) {add = true}
        %dma_wait3A_1462 = arith.constant 0 : i32
        %dma_wait3A_1463 = arith.constant 0 : i32
        %dma_wait3A_1464 = tpu.memref_slice %arg18[%dma_wait3A_1462, %dma_wait3A_1463] : memref<256x128xf32, #tpu.memory_space<vmem>> -> memref<128x128xf32, #tpu.memory_space<vmem>>
        %dma_wait3A_1465 = arith.constant 0 : i32
        %dma_wait3A_1466 = tpu.memref_slice %arg14[%run_scoped3A_1450, %dma_wait3A_1465] : memref<8x128xi32, #tpu.memory_space<vmem>> -> memref<1x128xi32, #tpu.memory_space<vmem>>
        %dma_wait3A_1467 = tpu.memref_squeeze %dma_wait3A_1466 : memref<1x128xi32, #tpu.memory_space<vmem>> -> memref<128xi32, #tpu.memory_space<vmem>>
        %dma_wait3A_1468 = arith.constant 0 : i32
        %dma_wait3A_1469 = arith.constant 0 : i32
        %dma_wait3A_1470 = tpu.memref_slice %arg11[%dma_wait3A_1468, %dma_wait3A_1469] : memref<10240x128xf32, #tpu.memory_space<vmem_shared>> -> memref<10240x128xf32, #tpu.memory_space<vmem_shared>>
        tpu.wait_indirect_dma semaphore(%run_scoped3A_1452 : memref<!tpu.dma_semaphore, #tpu.memory_space<semaphore_mem>>) src(%dma_wait3A_1464 : memref<128x128xf32, #tpu.memory_space<vmem>>) dst(%dma_wait3A_1470 : memref<10240x128xf32, #tpu.memory_space<vmem_shared>>)
        tpu.yield
      }) : () -> ()
      %run_scoped3A_1451 = arith.constant 7 : i32
      "tpu.region"() ({
        %run_scoped3A_1452 = tpu.sem_alloc : memref<!tpu.dma_semaphore, #tpu.memory_space<semaphore_mem>>
        %dma_start3A_1453 = arith.constant 128 : i32
        %dma_start3A_1454 = arith.constant 0 : i32
        %dma_start3A_1455 = tpu.memref_slice %arg18[%dma_start3A_1453, %dma_start3A_1454] : memref<256x128xf32, #tpu.memory_space<vmem>> -> memref<128x128xf32, #tpu.memory_space<vmem>>
        %dma_start3A_1456 = arith.constant 0 : i32
        %dma_start3A_1457 = tpu.memref_slice %arg14[%run_scoped3A_1451, %dma_start3A_1456] : memref<8x128xi32, #tpu.memory_space<vmem>> -> memref<1x128xi32, #tpu.memory_space<vmem>>
        %dma_start3A_1458 = tpu.memref_squeeze %dma_start3A_1457 : memref<1x128xi32, #tpu.memory_space<vmem>> -> memref<128xi32, #tpu.memory_space<vmem>>
        %dma_start3A_1459 = arith.constant 0 : i32
        %dma_start3A_1460 = arith.constant 0 : i32
        %dma_start3A_1461 = tpu.memref_slice %arg11[%dma_start3A_1459, %dma_start3A_1460] : memref<10240x128xf32, #tpu.memory_space<vmem_shared>> -> memref<10240x128xf32, #tpu.memory_space<vmem_shared>>
        tpu.enqueue_indirect_dma source(%dma_start3A_1455 : memref<128x128xf32, #tpu.memory_space<vmem>>) target(%dma_start3A_1461 : memref<10240x128xf32, #tpu.memory_space<vmem_shared>>) offsets(%dma_start3A_1458 : memref<128xi32, #tpu.memory_space<vmem>>) semaphore(%run_scoped3A_1452 : memref<!tpu.dma_semaphore, #tpu.memory_space<semaphore_mem>>) {add = true}
        %dma_wait3A_1462 = arith.constant 128 : i32
        %dma_wait3A_1463 = arith.constant 0 : i32
        %dma_wait3A_1464 = tpu.memref_slice %arg18[%dma_wait3A_1462, %dma_wait3A_1463] : memref<256x128xf32, #tpu.memory_space<vmem>> -> memref<128x128xf32, #tpu.memory_space<vmem>>
        %dma_wait3A_1465 = arith.constant 0 : i32
        %dma_wait3A_1466 = tpu.memref_slice %arg14[%run_scoped3A_1451, %dma_wait3A_1465] : memref<8x128xi32, #tpu.memory_space<vmem>> -> memref<1x128xi32, #tpu.memory_space<vmem>>
        %dma_wait3A_1467 = tpu.memref_squeeze %dma_wait3A_1466 : memref<1x128xi32, #tpu.memory_space<vmem>> -> memref<128xi32, #tpu.memory_space<vmem>>
        %dma_wait3A_1468 = arith.constant 0 : i32
        %dma_wait3A_1469 = arith.constant 0 : i32
        %dma_wait3A_1470 = tpu.memref_slice %arg11[%dma_wait3A_1468, %dma_wait3A_1469] : memref<10240x128xf32, #tpu.memory_space<vmem_shared>> -> memref<10240x128xf32, #tpu.memory_space<vmem_shared>>
        tpu.wait_indirect_dma semaphore(%run_scoped3A_1452 : memref<!tpu.dma_semaphore, #tpu.memory_space<semaphore_mem>>) src(%dma_wait3A_1464 : memref<128x128xf32, #tpu.memory_space<vmem>>) dst(%dma_wait3A_1470 : memref<10240x128xf32, #tpu.memory_space<vmem_shared>>)
        tpu.yield
      }) : () -> ()
    }
    %scan3A_27 = arith.constant 10 : i32
    %barrier3A_28 = arith.constant 0 : index
    tpu.barrier barrier_id(%barrier3A_28)
    %mul3A_29 = arith.constant 624 : i32
    %mul3A_30 = arith.muli %arg1, %mul3A_29 : i32
    %mul3A_31 = arith.constant 624 : i32
    %mul3A_32 = arith.muli %arg1, %mul3A_31 : i32
    "tpu.region"() ({
      %run_scoped3A = tpu.sem_alloc : memref<!tpu.dma_semaphore, #tpu.memory_space<semaphore_mem>>
      %dma_start3A = arith.constant 0 : i32
      %dma_start3A_39 = tpu.memref_slice %arg9[%arg0, %mul3A_32, %dma_start3A] : memref<2x10000x128xf32, #tpu.memory_space<hbm>> -> memref<1x624x128xf32, #tpu.memory_space<hbm>>
      %dma_start3A_40 = tpu.memref_squeeze %dma_start3A_39 : memref<1x624x128xf32, #tpu.memory_space<hbm>> -> memref<624x128xf32, #tpu.memory_space<hbm>>
      %dma_start3A_41 = arith.constant 0 : i32
      %dma_start3A_42 = tpu.memref_slice %arg11[%mul3A_30, %dma_start3A_41] : memref<10240x128xf32, #tpu.memory_space<vmem_shared>> -> memref<624x128xf32, #tpu.memory_space<vmem_shared>>
      tpu.enqueue_dma source(%dma_start3A_42 : memref<624x128xf32, #tpu.memory_space<vmem_shared>>) target(%dma_start3A_40 : memref<624x128xf32, #tpu.memory_space<hbm>>) target_semaphore(%run_scoped3A : memref<!tpu.dma_semaphore, #tpu.memory_space<semaphore_mem>>)
      %dma_wait3A = arith.constant 0 : i32
      %dma_wait3A_43 = tpu.memref_slice %arg9[%arg0, %mul3A_32, %dma_wait3A] : memref<2x10000x128xf32, #tpu.memory_space<hbm>> -> memref<1x624x128xf32, #tpu.memory_space<hbm>>
      %dma_wait3A_44 = tpu.memref_squeeze %dma_wait3A_43 : memref<1x624x128xf32, #tpu.memory_space<hbm>> -> memref<624x128xf32, #tpu.memory_space<hbm>>
      %dma_wait3A_45 = arith.constant 0 : i32
      %dma_wait3A_46 = tpu.memref_slice %arg11[%mul3A_30, %dma_wait3A_45] : memref<10240x128xf32, #tpu.memory_space<vmem_shared>> -> memref<624x128xf32, #tpu.memory_space<vmem_shared>>
      tpu.wait_dma2 semaphore(%run_scoped3A : memref<!tpu.dma_semaphore, #tpu.memory_space<semaphore_mem>>) src(%dma_wait3A_46 : memref<624x128xf32, #tpu.memory_space<vmem_shared>>) dst(%dma_wait3A_44 : memref<624x128xf32, #tpu.memory_space<hbm>>)
      tpu.yield
    }) : () -> ()
    %eq3A = arith.constant 15 : i32
    %eq3A_33 = arith.cmpi eq, %arg1, %eq3A : i32
    %convert_element_type3A = arith.extui %eq3A_33 : i1 to i32
    %cond3A = arith.constant 0 : i32
    %cond3A_34 = arith.cmpi ne, %convert_element_type3A, %cond3A : i32
    scf.if %cond3A_34 {
      "tpu.region"() ({
        %run_scoped3A = tpu.sem_alloc : memref<!tpu.dma_semaphore, #tpu.memory_space<semaphore_mem>>
        %dma_start3A = arith.constant 9984 : i32
        %dma_start3A_39 = arith.constant 0 : i32
        %dma_start3A_40 = tpu.memref_slice %arg9[%arg0, %dma_start3A, %dma_start3A_39] : memref<2x10000x128xf32, #tpu.memory_space<hbm>> -> memref<1x16x128xf32, #tpu.memory_space<hbm>>
        %dma_start3A_41 = tpu.memref_squeeze %dma_start3A_40 : memref<1x16x128xf32, #tpu.memory_space<hbm>> -> memref<16x128xf32, #tpu.memory_space<hbm>>
        %dma_start3A_42 = arith.constant 9984 : i32
        %dma_start3A_43 = arith.constant 0 : i32
        %dma_start3A_44 = tpu.memref_slice %arg11[%dma_start3A_42, %dma_start3A_43] : memref<10240x128xf32, #tpu.memory_space<vmem_shared>> -> memref<16x128xf32, #tpu.memory_space<vmem_shared>>
        tpu.enqueue_dma source(%dma_start3A_44 : memref<16x128xf32, #tpu.memory_space<vmem_shared>>) target(%dma_start3A_41 : memref<16x128xf32, #tpu.memory_space<hbm>>) target_semaphore(%run_scoped3A : memref<!tpu.dma_semaphore, #tpu.memory_space<semaphore_mem>>)
        %dma_wait3A = arith.constant 9984 : i32
        %dma_wait3A_45 = arith.constant 0 : i32
        %dma_wait3A_46 = tpu.memref_slice %arg9[%arg0, %dma_wait3A, %dma_wait3A_45] : memref<2x10000x128xf32, #tpu.memory_space<hbm>> -> memref<1x16x128xf32, #tpu.memory_space<hbm>>
        %dma_wait3A_47 = tpu.memref_squeeze %dma_wait3A_46 : memref<1x16x128xf32, #tpu.memory_space<hbm>> -> memref<16x128xf32, #tpu.memory_space<hbm>>
        %dma_wait3A_48 = arith.constant 9984 : i32
        %dma_wait3A_49 = arith.constant 0 : i32
        %dma_wait3A_50 = tpu.memref_slice %arg11[%dma_wait3A_48, %dma_wait3A_49] : memref<10240x128xf32, #tpu.memory_space<vmem_shared>> -> memref<16x128xf32, #tpu.memory_space<vmem_shared>>
        tpu.wait_dma2 semaphore(%run_scoped3A : memref<!tpu.dma_semaphore, #tpu.memory_space<semaphore_mem>>) src(%dma_wait3A_50 : memref<16x128xf32, #tpu.memory_space<vmem_shared>>) dst(%dma_wait3A_47 : memref<16x128xf32, #tpu.memory_space<hbm>>)
        tpu.yield
      }) : () -> ()
    } else {
    }
    %lt3A = arith.constant 10 : i32
    %lt3A_35 = arith.cmpi slt, %arg1, %lt3A : i32
    %convert_element_type3A_36 = arith.extui %lt3A_35 : i1 to i32
    %cond3A_37 = arith.constant 0 : i32
    %cond3A_38 = arith.cmpi ne, %convert_element_type3A_36, %cond3A_37 : i32
    scf.if %cond3A_38 {
      %mul3A_39 = arith.constant 1024 : i32
      %mul3A_40 = arith.muli %arg1, %mul3A_39 : i32
      %mul3A_41 = arith.constant 10240 : i32
      %mul3A_42 = arith.muli %arg0, %mul3A_41 : i32
      %mul3A_43 = arith.constant 1024 : i32
      %mul3A_44 = arith.muli %arg1, %mul3A_43 : i32
      %add3A_45 = arith.addi %mul3A_42, %mul3A_44 : i32
      "tpu.region"() ({
        %run_scoped3A = tpu.sem_alloc : memref<!tpu.dma_semaphore, #tpu.memory_space<semaphore_mem>>
        %dma_start3A = tpu.memref_slice %arg10[%add3A_45] : memref<20480xf32, #tpu.memory_space<hbm>> -> memref<1024xf32, #tpu.memory_space<hbm>>
        %dma_start3A_46 = tpu.memref_slice %arg12[%mul3A_40] : memref<10240xf32, #tpu.memory_space<vmem_shared>> -> memref<1024xf32, #tpu.memory_space<vmem_shared>>
        tpu.enqueue_dma source(%dma_start3A_46 : memref<1024xf32, #tpu.memory_space<vmem_shared>>) target(%dma_start3A : memref<1024xf32, #tpu.memory_space<hbm>>) target_semaphore(%run_scoped3A : memref<!tpu.dma_semaphore, #tpu.memory_space<semaphore_mem>>)
        %dma_wait3A = tpu.memref_slice %arg10[%add3A_45] : memref<20480xf32, #tpu.memory_space<hbm>> -> memref<1024xf32, #tpu.memory_space<hbm>>
        %dma_wait3A_47 = tpu.memref_slice %arg12[%mul3A_40] : memref<10240xf32, #tpu.memory_space<vmem_shared>> -> memref<1024xf32, #tpu.memory_space<vmem_shared>>
        tpu.wait_dma2 semaphore(%run_scoped3A : memref<!tpu.dma_semaphore, #tpu.memory_space<semaphore_mem>>) src(%dma_wait3A_47 : memref<1024xf32, #tpu.memory_space<vmem_shared>>) dst(%dma_wait3A : memref<1024xf32, #tpu.memory_space<hbm>>)
        tpu.yield
      }) : () -> ()
    } else {
    }
    return
  }
}

</mosaic_0001>

<sc_bundles>
// kernel: _edge_phase_sc.3.cloned.1.call-start
scs
__scs_entry_jumppad:
0x0: {  	(pc) =	sbr.rel $0x88, $3  }
0x1: {  	(tag) =	ssettag $0x0;
	lr =	simm.s32 $0x1  }
0x2: {  	[smem:$0x3F9A] =	sst lr;
	_ =	strace $0xD0000000  }
0x3: {  	_ = 	snop  }
0x4: {  	_ = 	snop  }
0x5: {  	_ = 	snop  }
0x6: {  	_ = 	snop  }
0x7: {  	_ = 	snop  }
__scs_overlays_trampoline_lowered:
0x8: {  	[smem:$0x3FA9] =	sst s0  }
0x9: {  	[smem:$0x3FAA] =	sst s1  }
0xa: {  	[smem:$0x3FAB] =	sst s2  }
0xb: {  	[smem:$0x3FAC] =	sst s3  }
0xc: {  	[smem:$0x3FAD] =	sst s4  }
0xd: {  	[smem:$0x3FAE] =	sst s5  }
0xe: {  	[smem:$0x3FAF] =	sst s6  }
0xf: {  	[smem:$0x3FB0] =	sst s7  }
0x10: {  	[smem:$0x3FB1] =	sst s8  }
0x11: {  	[smem:$0x3FB2] =	sst s9;
	s0 =	simm.s32 @!p0 $0x0  }
0x12: {  	s1 =	sld [smem:$0x3F98];
	s0 =	simm.s32 @p0 $0x1  }
0x13: {  	[smem:$0x3FB3] =	sst s0;
	s0 =	simm.s32 @!p1 $0x0  }
0x14: {  	s2 =	sld [smem:$0x3F97];
	s0 =	simm.s32 @p1 $0x1  }
0x15: {  	[smem:$0x3FB4] =	sst s0;
	s0 =	simm.s32 @!p2 $0x0  }
0x16: {  	s3 =	sld [smem:$0x3FDB];
	s0 =	simm.s32 @p2 $0x1  }
0x17: {  	s4 =	simm.s32 $0x1BF5;
	[smem:$0x3FB6] =	sst s0  }
0x18: {  	s0 =	sld [smem:$0x3F99];
	_ =	swait.ge [sflag:s4], $0x0  }
0x19: {  	s7 =	sld [smem:$0x3F9A]  }
0x1a: {  	s8 =	sadd.s32 $0xFFFFE003, lr  }
0x1b: {  	s9 =	sadd.s32 $0xFFFFFEF7, lr;
	s5 =	simm.s32 $0xFFFFFFFF;
	p2 =	slt.u32 s8, $0xFFFFF086  }
0x1c: {  	p1 =	slt.u32 s9, $0xF7A;
	s5 =	simm.s32 @!p2 $0x0  }
0x1d: {  	s5 =	simm.s32 @p1 $0x1;
	p0 =	seq.s32 s7, s2  }
0x1e: {  	s7 =	smul.u32 @!p0 $0xF7A, s2;
	p2 =	seq.s32 @!p0 s5, $0x0  }
0x1f: {  	s9 =	smul.u32 $0xF7A, s1;
	s8 =	simm.s32 @!p0 $0x1BF5;
	p2 =	por !p2, p0  }
0x20: {  	[sflag:s8] =	ssyncset.s32 @!p0 $0xFFFFF086;
	s6 =	sadd.s32 @!p0 s3, s7;
	s7 =	simm.s32 @!p0 $0x108  }
0x21: {  	s3 =	sadd.s32 s3, s9;
	s6 =	sadd.s32 @!p0 $0x88, s6;
	s7 =	simm.s32 @p2 $0x1082  }
0x22: {  	[simem:s7], [sflag:s8] =	dma.local @!p0 [hbm:s6], $0xF7A  }
0x23: {  	s9 =	sor.u32 $0xD0000000, s2;
	s6 =	simm.s32 $0x108;
	_ =	swait.ge @!p0 [sflag:s8], $0x0  }
0x24: {  	s3 =	sadd.s32 $0x88, s3;
	s6 =	simm.s32 @!p1 $0x1082;
	[sflag:s4] =	ssyncset.s32 $0xFFFFF086  }
0x25: {  	[simem:s6], [sflag:s4] =	dma.local [hbm:s3], $0xF7A  }
0x26: {  	[smem:$0x3F9A] =	sst s1;
	(tag) =	ssettag s2;
	_ =	strace s9  }
0x27: {  	s1 =	sld [smem:$0x3FAA]  }
0x28: {  	s2 =	sld [smem:$0x3FAB]  }
0x29: {  	s4 =	sld [smem:$0x3FAD]  }
0x2a: {  	p0 =	seq.s32 s5, $0x0;
	s5 =	sld [smem:$0x3FAE]  }
0x2b: {  	s6 =	sld [smem:$0x3FAF]  }
0x2c: {  	s7 =	sld [smem:$0x3FB0]  }
0x2d: {  	s3 =	simm.s32 $0x108;
	s8 =	sld [smem:$0x3FB1]  }
0x2e: {  	s3 =	simm.s32 @!p0 $0x1082;
	s9 =	sld [smem:$0x3FB2]  }
0x2f: {  	lr =	sadd.s32 s0, s3;
	s0 =	sld [smem:$0x3FA9]  }
0x30: {  	s3 =	sld [smem:$0x3FAC]  }
0x31: {  	[smem:$0x3FB5] =	sst s10  }
0x32: {  	s10 =	sld [smem:$0x3FB3];
	_ =	sdelay $0x3  }
0x33: {  	p0 =	seq.s32 s10, $0x1;
	s10 =	sld [smem:$0x3FB5];
	_ =	sdelay $0x3  }
0x34: {  	[smem:$0x3FB5] =	sst s10  }
0x35: {  	s10 =	sld [smem:$0x3FB4];
	_ =	sdelay $0x3  }
0x36: {  	p1 =	seq.s32 s10, $0x1;
	s10 =	sld [smem:$0x3FB5];
	_ =	sdelay $0x3  }
0x37: {  	[smem:$0x3FB5] =	sst s10  }
0x38: {  	s10 =	sld [smem:$0x3FB6]  }
0x39: {  	_ = 	snop;
	(pc) =	sbr.ind lr, $3  }
0x3a: {  	_ = 	snop  }
0x3b: {  	_ = 	snop  }
0x3c: {  	p2 =	seq.s32 s10, $0x1;
	s10 =	sld [smem:$0x3FB5]  }
0x3d: {  	_ =	shalt  }
0x3e: {  	_ =	shalt  }
0x3f: {  	_ =	shalt  }
0x40: {  	_ =	shalt  }
0x41: {  	_ =	shalt  }
0x42: {  	_ =	shalt  }
0x43: {  	_ =	shalt  }
0x44: {  	_ =	shalt  }
0x45: {  	_ =	shalt  }
0x46: {  	_ =	shalt  }
0x47: {  	_ =	shalt  }
0x48: {  	_ =	shalt  }
0x49: {  	_ =	shalt  }
0x4a: {  	_ =	shalt  }
0x4b: {  	_ =	shalt  }
0x4c: {  	_ =	shalt  }
0x4d: {  	_ =	shalt  }
0x4e: {  	_ =	shalt  }
0x4f: {  	_ =	shalt  }
0x50: {  	_ =	shalt  }
0x51: {  	_ =	shalt  }
0x52: {  	_ =	shalt  }
0x53: {  	_ =	shalt  }
0x54: {  	_ =	shalt  }
0x55: {  	_ =	shalt  }
0x56: {  	_ =	shalt  }
0x57: {  	_ =	shalt  }
0x58: {  	_ =	shalt  }
0x59: {  	_ =	shalt  }
0x5a: {  	_ =	shalt  }
0x5b: {  	_ =	shalt  }
0x5c: {  	_ =	shalt  }
0x5d: {  	_ =	shalt  }
0x5e: {  	_ =	shalt  }
0x5f: {  	_ =	shalt  }
0x60: {  	_ =	shalt  }
0x61: {  	_ =	shalt  }
0x62: {  	_ =	shalt  }
0x63: {  	_ =	shalt  }
0x64: {  	_ =	shalt  }
0x65: {  	_ =	shalt  }
0x66: {  	_ =	shalt  }
0x67: {  	_ =	shalt  }
0x68: {  	_ =	shalt  }
0x69: {  	_ =	shalt  }
0x6a: {  	_ =	shalt  }
0x6b: {  	_ =	shalt  }
0x6c: {  	_ =	shalt  }
0x6d: {  	_ =	shalt  }
0x6e: {  	_ =	shalt  }
0x6f: {  	_ =	shalt  }
0x70: {  	_ =	shalt  }
0x71: {  	_ =	shalt  }
0x72: {  	_ =	shalt  }
0x73: {  	_ =	shalt  }
0x74: {  	_ =	shalt  }
0x75: {  	_ =	shalt  }
0x76: {  	_ =	shalt  }
0x77: {  	_ =	shalt  }
0x78: {  	_ =	shalt  }
0x79: {  	_ =	shalt  }
0x7a: {  	_ =	shalt  }
0x7b: {  	_ =	shalt  }
0x7c: {  	_ =	shalt  }
0x7d: {  	_ =	shalt  }
0x7e: {  	_ =	shalt  }
0x7f: {  	_ =	shalt  }
0x80: {  	_ =	shalt  }
0x81: {  	_ =	shalt  }
0x82: {  	_ =	shalt  }
0x83: {  	_ =	shalt  }
0x84: {  	_ =	shalt  }
0x85: {  	_ =	shalt  }
0x86: {  	_ =	shalt  }
0x87: {  	_ =	shalt  }
.Lfunc_end0:
.L_simem_size_0:
called_computation_lowered:
.L_overlay_start_0:
0x88: {  	s2 =	sld [smem:$0x3FD9]  }
0x89: {  	s3 =	sld [smem:$0x3FFE];
	_ =	sdelay $0x1  }
0x8a: {  	s1 =	srdreg.scid  }
0x8b: {  	s0 =	sand.u32 $0x1, s1  }
0x8c: {  	s15 =	sshll.u32 s0, $0xA;
	s2 =	sadd.s32 s3, s2  }
0x8d: {  	s2 =	sadd.s32 s2, s15  }
0x8e: {  	[smem:$0x3FC1] =	sst s2  }
0x8f: {  	_ = 	snop  }
0x90: {  	s2 =	sld [smem:$0x3FC9]  }
0x91: {  	s16 =	sld [smem:$0x3FC8]  }
0x92: {  	s4 =	sld [smem:$0x3FC7]  }
0x93: {  	s5 =	sld [smem:$0x3FC6]  }
0x94: {  	s6 =	sld [smem:$0x3FD0]  }
0x95: {  	s7 =	sld [smem:$0x3FC5]  }
0x96: {  	s8 =	sld [smem:$0x3FC4]  }
0x97: {  	s10 =	simm.s32 $0xA;
	s11 =	simm.s32 $0x10;
	s9 =	sld [smem:$0x3FC3]  }
0x98: {  	[smem:s11], [sflag:s10] =	dma.local [hbm:s6], $0x1  }
0x99: {  	_ =	swait.eq [sflag:s10], $0x1  }
0x9a: {  	[sflag:s10] =	ssyncset.done $0x0  }
0x9b: {  	s17 =	sld [smem:$0x10];
	[sflag:s10] =	ssyncadd.s32 $0xFFFFFFFF  }
0x9c: {  	s18 =	sld [smem:$0x11];
	(tm) =	ssettm $0x1  }
0x9d: {  	s19 =	sld [smem:$0x3FFB];
	_ =	sdelay $0x3  }
0x9e: {  	_ =	strace s19  }
0x9f: {  	s11 =	sld [smem:$0x3FFC];
	_ =	sdelay $0x3  }
0xa0: {  	_ =	strace s11  }
0xa1: {  	s11 =	sld [smem:$0x3FFD];
	_ =	sdelay $0x3  }
0xa2: {  	_ =	strace s11  }
0xa3: {  	_ =	strace $0x8FFFFFFF  }
0xa4: {  	s20 =	sld [smem:$0x3FDB];
	_ =	sdelay $0x1  }
0xa5: {  	s12 =	simm.s32 $_scs_section_size  }
0xa6: {  	s13 =	simm.s32 $_size__tile_overlayer_lowered;
	s14 =	simm.s32 $_tile_overlayer_lowered  }
0xa7: {  	s23 =	simm.s32 $0x1BFF;
	s22 =	sshll.u32 s14, $0x1;
	s11 =	sadd.s32 s12, s20  }
0xa8: {  	s21 =	sshll.u32 s13, $0x1;
	s15 =	simm.s32 $0x0;
	s13 =	sadd.s32 s22, s11  }
0xa9: {  	[timem:s15], [sflag:s23] =	dma.local [hbm:s13], s21  }
0xaa: {  	_ =	swait.ge [sflag:s23], s21  }
0xab: {  	s12 =	ssub.s32 $0x0, s21;
	[sflag:s23] =	ssyncset.done $0x0  }
0xac: {  	[sflag:s23] =	ssyncadd.s32 s12;
	_ =	sdelay $0x1  }
0xad: {  	s24 =	simm.s32 $0x1B8B  }
0xae: {  	_ =	swait.ge [sflag:s24], $0x1  }
0xaf: {  	[sflag:s24] =	ssyncset.done $0x0  }
0xb0: {  	s25 =	simm.s32 $0x1B8E;
	[sflag:s24] =	ssyncadd.s32 $0xFFFFFFFF  }
0xb1: {  	s26 =	simm.s32 $execute0_lowered;
	[smem:$0x3FD2] =	sst s25  }
0xb2: {  	s12 =	sshll.u32 s26, $0x1;
	_ =	strace $0x80000046;
	[dreg:$0x1] =	wrdreg $0xFFFFFFFF  }
0xb3: {  	s28 =	simm.s32 $_size_execute0_lowered;
	s11 =	sadd.s32 s11, s12;
	[dreg:$0x0] =	wrdreg $0x0  }
0xb4: {  	s12 =	sshll.u32 s28, $0x1;
	[dreg:$0x2] =	wrdreg s11  }
0xb5: {  	[dreg:$0x3] =	wrdreg s12  }
0xb6: {  	[dreg:$0x4] =	wrdreg $0xC0  }
0xb7: {  	_ =	task [dreg:s15], $0x5FFFF  }
0xb8: {  	[dreg:$0x1] =	wrdreg $0xFFFFFFFF  }
0xb9: {  	[dreg:$0x0] =	wrdreg $0x60  }
0xba: {  	[dreg:$0x2] =	wrdreg s2  }
0xbb: {  	[dreg:$0x3] =	wrdreg s16  }
0xbc: {  	[dreg:$0x4] =	wrdreg s4  }
0xbd: {  	[dreg:$0x5] =	wrdreg s5  }
0xbe: {  	[dreg:$0x6] =	wrdreg s7  }
0xbf: {  	[dreg:$0x7] =	wrdreg s8  }
0xc0: {  	[dreg:$0x8] =	wrdreg s9  }
0xc1: {  	[dreg:$0x9] =	wrdreg s17  }
0xc2: {  	[dreg:$0xa] =	wrdreg s18  }
0xc3: {  	[dreg:$0xb] =	wrdreg $0x0  }
0xc4: {  	[dreg:$0xc] =	wrdreg $0x140000  }
0xc5: {  	[dreg:$0xd] =	wrdreg $0x9  }
0xc6: {  	_ =	task.clear_ibuf [dreg:s15], $0xEFFFF;
	_ =	strace $0x90000046  }
0xc7: {  	s29 =	simm.s32 $0x9;
	_ =	strace $0x80000048  }
0xc8: {  	_ =	swait.ge [sflag:s29], $0x1  }
0xc9: {  	[sflag:s29] =	ssyncadd.s32 $0xFFFFFFFF  }
0xca: {  	_ =	strace $0x90000048  }
0xcb: {  	_ =	sfence  }
0xcc: {  	s30 =	sld [smem:$0x0];
	_ =	sdelay $0x2  }
0xcd: {  	s31 =	sshll.u32 s1, $0xD;
	s1 =	sshrl.u32 s1, $0x2  }
0xce: {  	s3 =	sand.u32 $0x4000, s31;
	s1 =	sadd.s32 s1, s30  }
0xcf: {  	s0 =	sor.u32 s3, s0;
	s1 =	sshll.u32 s1, $0x11  }
0xd0: {  	s0 =	sor.u32 s1, s0  }
0xd1: {  	s0 =	sadd.s32 $0x8F2B, s0  }
0xd2: {  	[sflag:s0] =	ssyncadd.remote.s32 $0x1  }
0xd3: {  	_ =	sfence.sel $0xFFFF  }
0xd4: {  	[dreg:$0x0] =	wrdreg $0xFFFFFFFF;
	(pc) =	sbr.abs _section_cstart, $3  }
0xd5: {  	[dreg:$0x1] =	wrdreg $0xFFFFFFFF  }
0xd6: {  	_ =	task.clear_ibuf [dreg:s15], $0x2FFFF;
	_ =	strace $0x9FFFFFFF  }
0xd7: {  	(tm) =	ssettm $0x7FFFFFFF  }
tec
execute0_lowered:
.L_overlay_start_1:
0x0: {  	(tag) =	ssettag $0x1  }
0x1: {  	s0 =	rddreg [dreg:$0x0]  }
0x2: {  	s1 =	rddreg [dreg:$0x1]  }
0x3: {  	s2 =	rddreg [dreg:$0x2]  }
0x4: {  	s3 =	rddreg [dreg:$0x7]  }
0x5: {  	s4 =	rddreg [dreg:$0x8]  }
0x6: {  	s8 =	rddreg [dreg:$0x9]  }
0x7: {  	s9 =	rddreg [dreg:$0xa];
	s5 =	srdreg.scid  }
0x8: {  	s28 =	simm.s32 $0x0;
	s15 =	stileid.u32;
	s16 =	simm.s32 $0x14400  }
0x9: {  	s18 =	simm.s32 $0x14800;
	s29 =	simm.s32 $0x14580;
	s10 =	smul.u32 $0x50000, s15  }
0xa: {  	s17 =	simm.s32 $0x19680;
	s5 =	sand.u32 $0x1, s5;
	s11 =	smul.u32 $0xA00, s15  }
0xb: {  	[smem:$0x7FF] =	sst s28;
	s19 =	sshll.u32 s15, $0x1;
	s14 =	smul.u32 $0x13800, s15  }
0xc: {  	s13 =	sshll.u32 s15, $0x6;
	s20 =	smul.u32 $0x4E000, s15;
	s22 =	sshll.u32 s15, $0xA  }
0xd: {  	p0 =	sne.s32 s15, $0xF;
	s6 =	ssub.s32 $0x2, s5;
	_ =	strace $0x80000047  }
0xe: {  	s12 =	smul.u32 $0x138800, s5;
	s30 =	sor.u32 $0x1C03, s13;
	p1 =	sgt.u32 @p0 s15, $0x9  }
0xf: {  	s15 =	simm.s32 $0x14600;
	s7 =	sshrl.u32 s6, $0x1;
	s10 =	sshrl.u32 s10, $0x2  }
0x10: {  	s11 =	sshrl.u32 s11, $0x2;
	s23 =	sshrl.u32 s20, $0x2;
	p1 =	por p1, !p0  }
0x11: {  	s20 =	simm.s32 $0x14A00;
	[dreg:$0xd] =	wrdreg s30;
	s6 =	ssub.s32 s6, s7  }
0x12: {  	s7 =	sor.u32 s5, s19;
	s10 =	sadd.s32 s10, s8;
	s11 =	sadd.s32 s11, s9  }
0x13: {  	s14 =	sadd.s32 s14, s12;
	s5 =	smul.u32 $0x2800, s5;
	s12 =	sshrl.u32 s12, $0x3  }
0x14: {  	s19 =	simm.s32 $0x3;
	s7 =	smul.u32 $0xA, s7;
	s21 =	sshrl.u32 s14, $0x3  }
0x15: {  	s24 =	smax.u32 s6, $0x1;
	s25 =	sshrl.u32 s10, $0x3;
	s26 =	sshrl.u32 s11, $0x3  }
0x16: {  	s6 =	simm.s32 $0x14700;
	s14 =	simm.s32 $0x14780;
	[dreg:$0x12] =	wrdreg s24  }
0x17: {  	s11 =	simm.s32 $0x14500;
	s10 =	simm.s32 $0x14980;
	[dreg:$0x13] =	wrdreg s25  }
0x18: {  	s5 =	sadd.s32 s22, s5;
	[dreg:$0x14] =	wrdreg s26;
	s26 =	simm.s32 $0x80  }
0x19: {  	s25 =	simm.s32 $0x14880;
	s24 =	simm.s32 $0x1;
	[dreg:$0xe] =	wrdreg s7  }
0x1a: {  	s7 =	sadd.s32 s3, s21;
	s5 =	sshrl.u32 s5, $0x3;
	s3 =	sadd.s32 s3, s12  }
0x1b: {  	s21 =	simm.s32 $0x14280;
	s12 =	simm.s32 $0x2;
	[dreg:$0xf] =	wrdreg s7  }
0x1c: {  	s7 =	sadd.s32 s23, s8;
	s4 =	sadd.s32 s4, s5;
	s3 =	sadd.s32 $0x27000, s3  }
0x1d: {  	s23 =	simm.s32 $0x14480;
	[dreg:$0x10] =	wrdreg s4;
	s4 =	sadd.s32 s22, s9  }
0x1e: {  	[dreg:$0x11] =	wrdreg s3;
	s3 =	sadd.s32 $0x138000, s8;
	s31 =	sshrl.u32 s7, $0x3  }
0x1f: {  	s22 =	simm.s32 $0x14680;
	[dreg:$0x15] =	wrdreg s31;
	s4 =	sshrl.u32 @!p1 s4, $0x3  }
0x20: {  	s7 =	simm.s32 $0x15680;
	s3 =	sshrl.u32 @!p0 s3, $0x3;
	[dreg:$0x16] =	wrdreg s4  }
0x21: {  	[dreg:$0x17] =	wrdreg s3;
	s4 =	simm.s32 $0x14900;
	s3 =	simm.s32 $0x15280  }
.LBB2_1:
0x22: {  	[dreg:$0xc] =	wrdreg s28  }
0x23: {  	s5 =	rddreg [dreg:$0x5]  }
0x24: {  	s13 =	rddreg [dreg:$0x13]  }
0x25: {  	[spmem:s13], [sflag:s30] =	dma.local [hbm:s5], $0x2800  }
0x26: {  	_ =	swait.ge [sflag:s19], $0x2800  }
0x27: {  	[sflag:s19] =	ssyncset.done $0x0  }
0x28: {  	s31 =	rddreg [dreg:$0x14];
	[sflag:s19] =	ssyncadd.s32 $0xFFFFD800  }
0x29: {  	s13 =	rddreg [dreg:$0x6]  }
0x2a: {  	[spmem:s31], [sflag:s30] =	dma.local [hbm:s13], $0x50  }
0x2b: {  	_ =	swait.ge [sflag:s19], $0x50  }
0x2c: {  	[sflag:s19] =	ssyncset.done $0x0  }
0x2d: {  	[sflag:s19] =	ssyncadd.s32 $0xFFFFFFB0  }
0x2e: {  	s28 =	simm.s32 $0x0;
	[bflag:$0x0] =	sbarrier.arrive $0xFFFF  }
.LBB2_2:
0x2f: {  	s5 =	rddreg [dreg:$0xe]  }
0x30: {  	s13 =	sadd.s32 s5, s28  }
0x31: {  	s5 =	rddreg [dreg:$0x3];
	s13 =	sshll.u32 s13, $0x7  }
0x32: {  	s31 =	simm.s32 $0x0;
	s30 =	sadd.s32 s5, s13  }
0x33: {  	[tilespmem:s21], [sflag:$0x3] =	stream.linear.gather [hbm4b:s30+s31], $0x400, $0x38;
	[tilespmem:$0x1D680] =	vst v63  }
0x34: {  	_ =	swait.ge [sflag:s19], $0x400  }
0x35: {  	[sflag:s19] =	ssyncset.done $0x0  }
0x36: {  	[sflag:s19] =	ssyncadd.s32 $0xFFFFFC00  }
0x37: {  	s5 =	rddreg [dreg:$0x4]  }
0x38: {  	s13 =	sadd.s32 s5, s13  }
0x39: {  	[tilespmem:s22], [sflag:$0x3] =	stream.linear.gather [hbm4b:s13+s31], $0x400, $0x38;
	[tilespmem:$0x1D680] =	vst v63  }
0x3a: {  	_ =	swait.ge [sflag:s19], $0x400  }
0x3b: {  	[sflag:s19] =	ssyncset.done $0x0  }
0x3c: {  	s13 =	simm.s32 $0x14A80;
	[sflag:s19] =	ssyncadd.s32 $0xFFFFFC00  }
0x3d: {  	[tilespmem:s13], [sflag:$0x2] =	stream.indirect.gather [hbm4b:s1+s26], $0x1, s21, s26, $0xb8;
	[tilespmem:$0x1D680] =	vst v63  }
0x3e: {  	s13 =	simm.s32 $0x14E80  }
0x3f: {  	[tilespmem:s13], [sflag:$0x2] =	stream.indirect.gather [hbm4b:s2+s26], $0x1, s22, s26, $0xb8;
	[tilespmem:$0x1D680] =	vst v63  }
0x40: {  	s5 =	simm.s32 $0x14300;
	s13 =	simm.s32 $0x14B00  }
0x41: {  	[tilespmem:s13], [sflag:$0x2] =	stream.indirect.gather [hbm4b:s1+s26], $0x1, s5, s26, $0xb8;
	[tilespmem:$0x1D680] =	vst v63  }
0x42: {  	s13 =	simm.s32 $0x14F00  }
0x43: {  	[tilespmem:s13], [sflag:$0x2] =	stream.indirect.gather [hbm4b:s2+s26], $0x1, s6, s26, $0xb8;
	[tilespmem:$0x1D680] =	vst v63  }
0x44: {  	s30 =	simm.s32 $0x14B80;
	s13 =	simm.s32 $0x14380  }
0x45: {  	[tilespmem:s30], [sflag:$0x2] =	stream.indirect.gather [hbm4b:s1+s26], $0x1, s13, s26, $0xb8;
	[tilespmem:$0x1D680] =	vst v63  }
0x46: {  	s13 =	simm.s32 $0x14F80  }
0x47: {  	[tilespmem:s13], [sflag:$0x2] =	stream.indirect.gather [hbm4b:s2+s26], $0x1, s14, s26, $0xb8;
	[tilespmem:$0x1D680] =	vst v63  }
0x48: {  	s13 =	simm.s32 $0x14C00  }
0x49: {  	[tilespmem:s13], [sflag:$0x2] =	stream.indirect.gather [hbm4b:s1+s26], $0x1, s16, s26, $0xb8;
	[tilespmem:$0x1D680] =	vst v63  }
0x4a: {  	s13 =	simm.s32 $0x15000  }
0x4b: {  	[tilespmem:s13], [sflag:$0x2] =	stream.indirect.gather [hbm4b:s2+s26], $0x1, s18, s26, $0xb8;
	[tilespmem:$0x1D680] =	vst v63  }
0x4c: {  	s13 =	simm.s32 $0x14C80  }
0x4d: {  	[tilespmem:s13], [sflag:$0x2] =	stream.indirect.gather [hbm4b:s1+s26], $0x1, s23, s26, $0xb8;
	[tilespmem:$0x1D680] =	vst v63  }
0x4e: {  	s13 =	simm.s32 $0x15080  }
0x4f: {  	[tilespmem:s13], [sflag:$0x2] =	stream.indirect.gather [hbm4b:s2+s26], $0x1, s25, s26, $0xb8;
	[tilespmem:$0x1D680] =	vst v63  }
0x50: {  	s13 =	simm.s32 $0x14D00  }
0x51: {  	[tilespmem:s13], [sflag:$0x2] =	stream.indirect.gather [hbm4b:s1+s26], $0x1, s11, s26, $0xb8;
	[tilespmem:$0x1D680] =	vst v63  }
0x52: {  	s13 =	simm.s32 $0x15100  }
0x53: {  	[tilespmem:s13], [sflag:$0x2] =	stream.indirect.gather [hbm4b:s2+s26], $0x1, s4, s26, $0xb8;
	[tilespmem:$0x1D680] =	vst v63  }
0x54: {  	s13 =	simm.s32 $0x14D80  }
0x55: {  	[tilespmem:s13], [sflag:$0x2] =	stream.indirect.gather [hbm4b:s1+s26], $0x1, s29, s26, $0xb8;
	[tilespmem:$0x1D680] =	vst v63  }
0x56: {  	s13 =	simm.s32 $0x15180  }
0x57: {  	[tilespmem:s13], [sflag:$0x2] =	stream.indirect.gather [hbm4b:s2+s26], $0x1, s10, s26, $0xb8;
	[tilespmem:$0x1D680] =	vst v63  }
0x58: {  	s13 =	simm.s32 $0x14E00  }
0x59: {  	[tilespmem:s13], [sflag:$0x2] =	stream.indirect.gather [hbm4b:s1+s26], $0x1, s15, s26, $0xb8;
	[tilespmem:$0x1D680] =	vst v63  }
0x5a: {  	s13 =	simm.s32 $0x15200  }
0x5b: {  	[tilespmem:s13], [sflag:$0x2] =	stream.indirect.gather [hbm4b:s2+s26], $0x1, s20, s26, $0xb8;
	[tilespmem:$0x1D680] =	vst v63  }
0x5c: {  	_ =	swait.ge [sflag:s12], $0x80  }
0x5d: {  	[sflag:s12] =	ssyncset.done $0x0  }
0x5e: {  	[sflag:s12] =	ssyncadd.s32 $0xFFFFFF80  }
0x5f: {  	_ =	swait.ge [sflag:s12], $0x80  }
0x60: {  	[sflag:s12] =	ssyncset.done $0x0  }
0x61: {  	[sflag:s12] =	ssyncadd.s32 $0xFFFFFF80  }
0x62: {  	_ =	swait.ge [sflag:s12], $0x80  }
0x63: {  	[sflag:s12] =	ssyncset.done $0x0  }
0x64: {  	[sflag:s12] =	ssyncadd.s32 $0xFFFFFF80  }
0x65: {  	_ =	swait.ge [sflag:s12], $0x80  }
0x66: {  	[sflag:s12] =	ssyncset.done $0x0  }
0x67: {  	[sflag:s12] =	ssyncadd.s32 $0xFFFFFF80  }
0x68: {  	_ =	swait.ge [sflag:s12], $0x80  }
0x69: {  	[sflag:s12] =	ssyncset.done $0x0  }
0x6a: {  	[sflag:s12] =	ssyncadd.s32 $0xFFFFFF80  }
0x6b: {  	_ =	swait.ge [sflag:s12], $0x80  }
0x6c: {  	[sflag:s12] =	ssyncset.done $0x0  }
0x6d: {  	[sflag:s12] =	ssyncadd.s32 $0xFFFFFF80  }
0x6e: {  	_ =	swait.ge [sflag:s12], $0x80  }
0x6f: {  	[sflag:s12] =	ssyncset.done $0x0  }
0x70: {  	[sflag:s12] =	ssyncadd.s32 $0xFFFFFF80  }
0x71: {  	_ =	swait.ge [sflag:s12], $0x80  }
0x72: {  	[sflag:s12] =	ssyncset.done $0x0  }
0x73: {  	[sflag:s12] =	ssyncadd.s32 $0xFFFFFF80  }
0x74: {  	_ =	swait.ge [sflag:s12], $0x80  }
0x75: {  	[sflag:s12] =	ssyncset.done $0x0  }
0x76: {  	[sflag:s12] =	ssyncadd.s32 $0xFFFFFF80  }
0x77: {  	_ =	swait.ge [sflag:s12], $0x80  }
0x78: {  	[sflag:s12] =	ssyncset.done $0x0  }
0x79: {  	[sflag:s12] =	ssyncadd.s32 $0xFFFFFF80  }
0x7a: {  	_ =	swait.ge [sflag:s12], $0x80  }
0x7b: {  	[sflag:s12] =	ssyncset.done $0x0  }
0x7c: {  	[sflag:s12] =	ssyncadd.s32 $0xFFFFFF80  }
0x7d: {  	_ =	swait.ge [sflag:s12], $0x80  }
0x7e: {  	[sflag:s12] =	ssyncset.done $0x0  }
0x7f: {  	[sflag:s12] =	ssyncadd.s32 $0xFFFFFF80  }
0x80: {  	_ =	swait.ge [sflag:s12], $0x80  }
0x81: {  	[sflag:s12] =	ssyncset.done $0x0  }
0x82: {  	[sflag:s12] =	ssyncadd.s32 $0xFFFFFF80  }
0x83: {  	_ =	swait.ge [sflag:s12], $0x80  }
0x84: {  	[sflag:s12] =	ssyncset.done $0x0  }
0x85: {  	[sflag:s12] =	ssyncadd.s32 $0xFFFFFF80  }
0x86: {  	_ =	swait.ge [sflag:s12], $0x80  }
0x87: {  	[sflag:s12] =	ssyncset.done $0x0  }
0x88: {  	[sflag:s12] =	ssyncadd.s32 $0xFFFFFF80  }
0x89: {  	_ =	swait.ge [sflag:s12], $0x80  }
0x8a: {  	[sflag:s12] =	ssyncset.done $0x0  }
0x8b: {  	[sflag:s12] =	ssyncadd.s32 $0xFFFFFF80  }
0x8c: {  	v0 =	vld [tilespmem:$0x14A80]  }
0x8d: {  	v1 =	vld [tilespmem:$0x14E80]  }
0x8e: {  	v2 =	vld [tilespmem:$0x14A90]  }
0x8f: {  	v3 =	vld [tilespmem:$0x14E90]  }
0x90: {  	v4 =	vld [tilespmem:$0x14AA0]  }
0x91: {  	v5 =	vld [tilespmem:$0x14EA0]  }
0x92: {  	v6 =	vld [tilespmem:$0x14AB0]  }
0x93: {  	v7 =	vld [tilespmem:$0x14AC0]  }
0x94: {  	v9 =	vld [tilespmem:$0x14EC0]  }
0x95: {  	v12 =	vld [tilespmem:$0x14EF0]  }
0x96: {  	v49 =	vld [tilespmem:$0x14F50]  }
0x97: {  	v14 =	vld [tilespmem:$0x14FB0]  }
0x98: {  	v50 =	vld [tilespmem:$0x14FC0]  }
0x99: {  	v55 =	vld [tilespmem:$0x14C10]  }
0x9a: {  	v20 =	vld [tilespmem:$0x15010]  }
0x9b: {  	v63 =	vld [tilespmem:$0x14C40]  }
0x9c: {  	v23 =	vld [tilespmem:$0x15040]  }
0x9d: {  	v29 =	vld [tilespmem:$0x14C50]  }
0x9e: {  	v31 =	vld [tilespmem:$0x15050]  }
0x9f: {  	v36 =	vld [tilespmem:$0x14C70]  }
0xa0: {  	v26 =	vld [tilespmem:$0x15070]  }
0xa1: {  	v38 =	vld [tilespmem:$0x14C80]  }
0xa2: {  	v40 =	vld [tilespmem:$0x15080]  }
0xa3: {  	v15 =	vld [tilespmem:$0x14BD0];
	v0 =	vadd.f32 v1, v0  }
0xa4: {  	v1 =	vld [tilespmem:$0x14EB0];
	v2 =	vadd.f32 v3, v2  }
0xa5: {  	v17 =	vld [tilespmem:$0x14FE0];
	v4 =	vadd.f32 v5, v4;
	v28 =	vadd.f32 v20, v55;
	v8 =	vmul.f32 $2.000000030e-01, v0  }
0xa6: {  	v45 =	vld [tilespmem:$0x14CA0];
	v37 =	vadd.f32 v23, v63;
	v20 =	vadd.f32 v31, v29;
	vm0 =	vge.f32 v0, $0.0e+00  }
0xa7: {  	v29 =	vld [tilespmem:$0x150A0];
	v46 =	vadd.f32 v26, v36;
	v23 =	vadd.f32 v40, v38;
	v0 =	vsel vm0, v0, v8  }
0xa8: {  	v3 =	vld [tilespmem:$0x14AD0];
	v10 =	vmul.f32 $2.000000030e-01, v2;
	vm13 =	vge.f32 v2, $0.0e+00;
	v0 =	vmul.f32 $1.442695020e+00, v0  }
0xa9: {  	v32 =	vmul.f32 $2.000000030e-01, v28;
	v41 =	vmul.f32 $2.000000030e-01, v37;
	v8 =	vld [tilespmem:$0x14ED0];
	v1 =	vadd.f32 v1, v6  }
0xaa: {  	v5 =	vld [tilespmem:$0x14AE0];
	vm14 =	vge.f32 v4, $0.0e+00;
	v44 =	vmul.f32 $2.000000030e-01, v20;
	(erf) = vpow2.f32 v0  }
0xab: {  	v6 =	vld [tilespmem:$0x14EE0];
	v0 =	vsel vm13, v2, v10;
	v2 =	vmul.f32 $2.000000030e-01, v4;
	v11 =	vmul.f32 $2.000000030e-01, v1  }
0xac: {  	v55 =	vadd.f32 v29, v45;
	v10 =	vld [tilespmem:$0x14AF0];
	vm15 =	vge.f32 v1, $0.0e+00;
	v0 =	vmul.f32 $1.442695020e+00, v0  }
0xad: {  	v2 =	vsel vm14, v4, v2;
	v4 =	vadd.f32 v9, v7;
	v7 =	vld [tilespmem:$0x14B00];
	v1 =	vsel vm15, v1, v11  }
0xae: {  	v3 =	vadd.f32 v8, v3;
	(erf) = vpow2.f32 v0;
	v0 =	vmul.f32 $1.442695020e+00, v2;
	v2 =	vld [tilespmem:$0x14F00]  }
0xaf: {  	v8 =	vld [tilespmem:$0x14B10];
	v1 =	vmul.f32 $1.442695020e+00, v1;
	v9 =	vmul.f32 $2.000000030e-01, v4;
	vm4 =	vge.f32 v4, $0.0e+00  }
0xb0: {  	v11 =	vld [tilespmem:$0x14F20];
	vm5 =	vge.f32 v3, $0.0e+00;
	(erf) = vpow2.f32 v0;
	v0 =	vadd.f32 v6, v5  }
0xb1: {  	v5 =	vld [tilespmem:$0x14F10];
	(erf) = vpow2.f32 v1;
	v1 =	vsel vm4, v4, v9;
	v4 =	vmul.f32 $2.000000030e-01, v3  }
0xb2: {  	v6 =	vld [tilespmem:$0x14B20];
	v1 =	vmul.f32 $1.442695020e+00, v1;
	v9 =	vmul.f32 $2.000000030e-01, v0;
	vm6 =	vge.f32 v0, $0.0e+00  }
0xb3: {  	v3 =	vsel vm5, v3, v4;
	v4 =	vadd.f32 v12, v10;
	v10 =	vld [tilespmem:$0x14B30];
	v2 =	vadd.f32 v2, v7  }
0xb4: {  	(erf) = vpow2.f32 v1;
	v1 =	vmul.f32 $1.442695020e+00, v3;
	v0 =	vsel vm6, v0, v9;
	v3 =	vld [tilespmem:$0x14F30]  }
0xb5: {  	v47 =	vld [tilespmem:$0x14CB0];
	v0 =	vmul.f32 $1.442695020e+00, v0;
	v9 =	vmul.f32 $2.000000030e-01, v4;
	vm7 =	vge.f32 v4, $0.0e+00  }
0xb6: {  	v7 =	vld [tilespmem:$0x14B40];
	vm8 =	vge.f32 v2, $0.0e+00;
	(erf) = vpow2.f32 v1;
	v1 =	vadd.f32 v5, v8  }
0xb7: {  	v5 =	vld [tilespmem:$0x14F40];
	(erf) = vpow2.f32 v0;
	v0 =	vsel vm7, v4, v9;
	v4 =	vmul.f32 $2.000000030e-01, v2  }
0xb8: {  	v8 =	vld [tilespmem:$0x14B50];
	v0 =	vmul.f32 $1.442695020e+00, v0;
	v9 =	vmul.f32 $2.000000030e-01, v1;
	vm9 =	vge.f32 v1, $0.0e+00  }
0xb9: {  	v2 =	vsel vm8, v2, v4;
	v4 =	vadd.f32 v11, v6;
	v6 =	vld [tilespmem:$0x14B60];
	v3 =	vadd.f32 v3, v10  }
0xba: {  	(erf) = vpow2.f32 v0;
	v0 =	vmul.f32 $1.442695020e+00, v2;
	v1 =	vsel vm9, v1, v9;
	v2 =	vld [tilespmem:$0x14F60]  }
0xbb: {  	v10 =	vld [tilespmem:$0x14B70];
	v1 =	vmul.f32 $1.442695020e+00, v1;
	v9 =	vmul.f32 $2.000000030e-01, v4;
	vm10 =	vge.f32 v4, $0.0e+00  }
0xbc: {  	v11 =	vld [tilespmem:$0x14F80];
	vm11 =	vge.f32 v3, $0.0e+00;
	(erf) = vpow2.f32 v0;
	v0 =	vadd.f32 v5, v7  }
0xbd: {  	v5 =	vld [tilespmem:$0x14F70];
	(erf) = vpow2.f32 v1;
	v1 =	vsel vm10, v4, v9;
	v4 =	vmul.f32 $2.000000030e-01, v3  }
0xbe: {  	v7 =	vld [tilespmem:$0x14B80];
	v1 =	vmul.f32 $1.442695020e+00, v1;
	v9 =	vmul.f32 $2.000000030e-01, v0;
	vm12 =	vge.f32 v0, $0.0e+00  }
0xbf: {  	v3 =	vsel vm11, v3, v4;
	v4 =	vadd.f32 v49, v8;
	v8 =	vld [tilespmem:$0x14B90];
	v2 =	vadd.f32 v2, v6  }
0xc0: {  	v49 =	vld [tilespmem:$0x150B0];
	(erf) = vpow2.f32 v1;
	v1 =	vmul.f32 $1.442695020e+00, v3;
	v0 =	vsel vm12, v0, v9  }
0xc1: {  	v6 =	vld [tilespmem:$0x14BA0];
	v9 =	vmul.f32 $1.442695020e+00, v0;
	v12 =	vmul.f32 $2.000000030e-01, v4;
	vm13 =	vge.f32 v4, $0.0e+00  }
0xc2: {  	v3 =	vld [tilespmem:$0x14F90];
	v5 =	vadd.f32 v5, v10;
	vm14 =	vge.f32 v2, $0.0e+00;
	(erf) = vpow2.f32 v1  }
0xc3: {  	v10 =	vld [tilespmem:$0x14FA0];
	v0 =	vpop (erf);
	(erf) = vpow2.f32 v9;
	v1 =	vsel vm13, v4, v12;
	v4 =	vmul.f32 $2.000000030e-01, v2  }
0xc4: {  	v19 =	vld [tilespmem:$0x14C00];
	v13 =	vmul.f32 $2.000000030e-01, v5;
	vm15 =	vge.f32 v5, $0.0e+00;
	vm13 =	vge.f32 v28, $0.0e+00  }
0xc5: {  	v54 =	vld [tilespmem:$0x15000];
	v12 =	vmul.f32 $1.442695020e+00, v1;
	v34 =	vsel vm13, v28, v32;
	v26 =	vadd.f32 v49, v47  }
0xc6: {  	v58 =	vld [tilespmem:$0x14C20];
	v2 =	vsel vm14, v2, v4;
	v4 =	vadd.f32 v11, v7;
	v5 =	vsel vm15, v5, v13  }
0xc7: {  	v7 =	vld [tilespmem:$0x14BC0];
	v8 =	vadd.f32 v3, v8;
	v1 =	vpop (erf);
	(erf) = vpow2.f32 v12;
	v11 =	vmul.f32 $1.442695020e+00, v2  }
0xc8: {  	v9 =	vld [tilespmem:$0x14BB0];
	v5 =	vmul.f32 $1.442695020e+00, v5;
	v6 =	vadd.f32 v10, v6;
	v51 =	vmul.f32 $2.000000030e-01, v4  }
0xc9: {  	v10 =	vld [tilespmem:$0x14FD0];
	vm4 =	vge.f32 v4, $0.0e+00;
	vm5 =	vge.f32 v8, $0.0e+00;
	v2 =	vpop (erf);
	(erf) = vpow2.f32 v11  }
0xca: {  	v24 =	vld [tilespmem:$0x14C60];
	v16 =	vmul.f32 $2.000000030e-01, v6;
	vm6 =	vge.f32 v6, $0.0e+00;
	v3 =	vpop (erf);
	(erf) = vpow2.f32 v5  }
0xcb: {  	v33 =	vld [tilespmem:$0x15060];
	v4 =	vsel vm4, v4, v51;
	v5 =	vmul.f32 $2.000000030e-01, v8;
	vm4 =	vge.f32 v37, $0.0e+00  }
0xcc: {  	v60 =	vld [tilespmem:$0x15020];
	v13 =	vmul.f32 $1.442695020e+00, v4;
	v6 =	vsel vm6, v6, v16;
	v12 =	vadd.f32 v50, v7  }
0xcd: {  	v11 =	vld [tilespmem:$0x14BE0];
	v43 =	vsel vm4, v37, v41;
	v50 =	vmul.f32 $2.000000030e-01, v46;
	v5 =	vsel vm5, v8, v5  }
0xce: {  	v8 =	vadd.f32 v14, v9;
	v16 =	vmul.f32 $1.442695020e+00, v6;
	v10 =	vadd.f32 v10, v15  }
0xcf: {  	vm5 =	vge.f32 v20, $0.0e+00;
	v4 =	vpop (erf);
	(erf) = vpow2.f32 v13;
	v52 =	vmul.f32 $1.442695020e+00, v5  }
0xd0: {  	v21 =	vld [tilespmem:$0x14C30];
	vm8 =	vge.f32 v12, $0.0e+00;
	v13 =	vadd.f32 v54, v19;
	v19 =	vadd.f32 v33, v24  }
0xd1: {  	v62 =	vld [tilespmem:$0x15030];
	v18 =	vmul.f32 $2.000000030e-01, v8;
	vm7 =	vge.f32 v8, $0.0e+00;
	v57 =	vmul.f32 $2.000000030e-01, v10  }
0xd2: {  	vm9 =	vge.f32 v10, $0.0e+00;
	v11 =	vadd.f32 v17, v11;
	v17 =	vadd.f32 v60, v58  }
0xd3: {  	v53 =	vld [tilespmem:$0x14FF0];
	v5 =	vpop (erf);
	(erf) = vpow2.f32 v52;
	v22 =	vmul.f32 $2.000000030e-01, v13;
	vm12 =	vge.f32 v13, $0.0e+00  }
0xd4: {  	v9 =	vld [tilespmem:$0x14BF0];
	v28 =	vmul.f32 $2.000000030e-01, v19;
	vm6 =	vge.f32 v19, $0.0e+00;
	v6 =	vpop (erf);
	(erf) = vpow2.f32 v16  }
0xd5: {  	v7 =	vsel vm7, v8, v18;
	v8 =	vmul.f32 $2.000000030e-01, v12;
	v10 =	vsel vm9, v10, v57  }
0xd6: {  	v61 =	vmul.f32 $2.000000030e-01, v11;
	vm10 =	vge.f32 v11, $0.0e+00;
	v16 =	vadd.f32 v62, v21  }
0xd7: {  	v35 =	vmul.f32 $2.000000030e-01, v17;
	vm14 =	vge.f32 v17, $0.0e+00;
	v62 =	vmul.f32 $2.000000030e-01, v26  }
0xd8: {  	v32 =	vld [tilespmem:$0x150D0];
	vm7 =	vge.f32 v46, $0.0e+00;
	v56 =	vmul.f32 $1.442695020e+00, v7;
	v10 =	vmul.f32 $1.442695020e+00, v10  }
0xd9: {  	v54 =	vld [tilespmem:$0x14CD0];
	v14 =	vadd.f32 v53, v9;
	v13 =	vsel vm12, v13, v22;
	v22 =	vmul.f32 $1.442695020e+00, v34  }
0xda: {  	v19 =	vsel vm6, v19, v28;
	v52 =	vsel vm7, v46, v50;
	v53 =	vmul.f32 $2.000000030e-01, v23  }
0xdb: {  	v8 =	vsel vm8, v12, v8;
	v13 =	vmul.f32 $1.442695020e+00, v13;
	v25 =	vmul.f32 $2.000000030e-01, v16  }
0xdc: {  	vm15 =	vge.f32 v16, $0.0e+00;
	v19 =	vmul.f32 $1.442695020e+00, v19;
	v59 =	vmul.f32 $1.442695020e+00, v8  }
0xdd: {  	v58 =	vld [tilespmem:$0x150E0];
	v28 =	vmul.f32 $1.442695020e+00, v52;
	vm8 =	vge.f32 v23, $0.0e+00;
	v7 =	vpop (erf);
	(erf) = vpow2.f32 v56  }
0xde: {  	v40 =	vadd.f32 v32, v54;
	vm11 =	vge.f32 v14, $0.0e+00;
	v56 =	vld [tilespmem:$0x14CE0];
	v8 =	vpop (erf);
	(erf) = vpow2.f32 v59  }
0xdf: {  	v9 =	vpop (erf);
	(erf) = vpow2.f32 v10;
	v10 =	vsel vm10, v11, v61;
	v11 =	vmul.f32 $2.000000030e-01, v14  }
0xe0: {  	v16 =	vsel vm15, v16, v25;
	v25 =	vmul.f32 $1.442695020e+00, v43;
	v27 =	vmul.f32 $1.442695020e+00, v10  }
0xe1: {  	v42 =	vld [tilespmem:$0x15090];
	v16 =	vmul.f32 $1.442695020e+00, v16;
	v59 =	vmul.f32 $2.000000030e-01, v55;
	v11 =	vsel vm11, v14, v11  }
0xe2: {  	v14 =	vsel vm14, v17, v35;
	v17 =	vsel vm5, v20, v44;
	v10 =	vpop (erf);
	(erf) = vpow2.f32 v27;
	v27 =	vld [tilespmem:$0x14C90]  }
0xe3: {  	v44 =	vmul.f32 $2.000000030e-01, v40;
	v29 =	vadd.f32 v58, v56;
	v30 =	vmul.f32 $1.442695020e+00, v11  }
0xe4: {  	vm13 =	vge.f32 v40, $0.0e+00;
	v39 =	vmul.f32 $1.442695020e+00, v14;
	v48 =	vmul.f32 $1.442695020e+00, v17;
	v11 =	vpop (erf)  }
0xe5: {  	v51 =	vld [tilespmem:$0x150C0];
	v20 =	vsel vm8, v23, v53;
	v47 =	vmul.f32 $2.000000030e-01, v29;
	v12 =	vpop (erf);
	(erf) = vpow2.f32 v30  }
0xe6: {  	v57 =	vmul.f32 $1.442695020e+00, v20;
	vm14 =	vge.f32 v29, $0.0e+00;
	v30 =	vld [tilespmem:$0x14CC0];
	(erf) = vpow2.f32 v13  }
0xe7: {  	[tilespmem:$0x15290] =	vst v1;
	v1 =	vsel vm14, v29, v47;
	v13 =	vpop (erf);
	(erf) = vpow2.f32 v22;
	v22 =	vadd.f32 v42, v27  }
0xe8: {  	vm11 =	vge.f32 v26, $0.0e+00;
	v1 =	vmul.f32 $1.442695020e+00, v1;
	v14 =	vpop (erf);
	(erf) = vpow2.f32 v39  }
0xe9: {  	v33 =	vld [tilespmem:$0x14CF0];
	v23 =	vsel vm11, v26, v62;
	v15 =	vpop (erf);
	(erf) = vpow2.f32 v16;
	v31 =	vmul.f32 $2.000000030e-01, v22  }
0xea: {  	v60 =	vld [tilespmem:$0x150F0];
	v42 =	vmul.f32 $1.442695020e+00, v23;
	v16 =	vpop (erf);
	vm9 =	vge.f32 v22, $0.0e+00;
	(erf) = vpow2.f32 v25  }
0xeb: {  	v63 =	vld [tilespmem:$0x14D00];
	v17 =	vpop (erf);
	v25 =	vadd.f32 v51, v30;
	(erf) = vpow2.f32 v48;
	v22 =	vsel vm9, v22, v31  }
0xec: {  	vm10 =	vge.f32 v55, $0.0e+00;
	v35 =	vld [tilespmem:$0x15100];
	v18 =	vpop (erf);
	(erf) = vpow2.f32 v19;
	v22 =	vmul.f32 $1.442695020e+00, v22  }
0xed: {  	v36 =	vld [tilespmem:$0x14D20];
	v61 =	vsel vm10, v55, v59;
	v19 =	vpop (erf);
	v34 =	vmul.f32 $2.000000030e-01, v25;
	(erf) = vpow2.f32 v28  }
0xee: {  	v41 =	vld [tilespmem:$0x14D10];
	v31 =	vmul.f32 $1.442695020e+00, v61;
	vm12 =	vge.f32 v25, $0.0e+00;
	v20 =	vpop (erf);
	(erf) = vpow2.f32 v57  }
0xef: {  	v43 =	vld [tilespmem:$0x15110];
	v28 =	vadd.f32 v60, v33;
	v21 =	vpop (erf);
	v25 =	vsel vm12, v25, v34;
	(erf) = vpow2.f32 v22  }
0xf0: {  	v45 =	vld [tilespmem:$0x15120];
	v46 =	vsel vm13, v40, v44;
	v25 =	vmul.f32 $1.442695020e+00, v25;
	v22 =	vpop (erf);
	(erf) = vpow2.f32 v31  }
0xf1: {  	v50 =	vadd.f32 v35, v63;
	v49 =	vmul.f32 $2.000000030e-01, v28;
	v23 =	vpop (erf);
	(erf) = vpow2.f32 v42  }
0xf2: {  	[tilespmem:$0x15280] =	vst v0;
	v37 =	vld [tilespmem:$0x15130];
	vm15 =	vge.f32 v28, $0.0e+00;
	v24 =	vpop (erf);
	(erf) = vpow2.f32 v25;
	v25 =	vmul.f32 $1.442695020e+00, v46  }
0xf3: {  	[tilespmem:$0x152A0] =	vst v2;
	v52 =	vld [tilespmem:$0x15140];
	v53 =	vmul.f32 $2.000000030e-01, v50;
	v2 =	vsel vm15, v28, v49  }
0xf4: {  	[tilespmem:$0x152B0] =	vst v3;
	v27 =	vadd.f32 v43, v41;
	v48 =	vld [tilespmem:$0x14D30];
	v2 =	vmul.f32 $1.442695020e+00, v2;
	v0 =	vpop (erf);
	(erf) = vpow2.f32 v25  }
0xf5: {  	[tilespmem:$0x152C0] =	vst v4;
	v4 =	vadd.f32 v45, v36;
	v54 =	vld [tilespmem:$0x14D50];
	vm4 =	vge.f32 v50, $0.0e+00;
	v3 =	vpop (erf);
	(erf) = vpow2.f32 v1  }
0xf6: {  	[tilespmem:$0x152D0] =	vst v5;
	v5 =	vmul.f32 $2.000000030e-01, v27;
	v51 =	vld [tilespmem:$0x14D40];
	v1 =	vpop (erf);
	(erf) = vpow2.f32 v2;
	v2 =	vsel vm4, v50, v53  }
0xf7: {  	v55 =	vld [tilespmem:$0x15150];
	vm5 =	vge.f32 v27, $0.0e+00;
	v2 =	vmul.f32 $1.442695020e+00, v2  }
0xf8: {  	[tilespmem:$0x152E0] =	vst v6;
	v6 =	vmul.f32 $2.000000030e-01, v4;
	vm6 =	vge.f32 v4, $0.0e+00;
	v59 =	vld [tilespmem:$0x14D70];
	v5 =	vsel vm5, v27, v5  }
0xf9: {  	[tilespmem:$0x152F0] =	vst v7;
	v56 =	vld [tilespmem:$0x14D60];
	v58 =	vadd.f32 v37, v48;
	v7 =	vpop (erf);
	(erf) = vpow2.f32 v2;
	v2 =	vmul.f32 $1.442695020e+00, v5  }
0xfa: {  	v4 =	vsel vm6, v4, v6;
	[tilespmem:$0x15300] =	vst v8;
	v61 =	vld [tilespmem:$0x15180]  }
0xfb: {  	v4 =	vmul.f32 $1.442695020e+00, v4;
	[tilespmem:$0x15310] =	vst v9;
	v57 =	vld [tilespmem:$0x15160];
	v9 =	vadd.f32 v52, v51;
	v8 =	vmul.f32 $2.000000030e-01, v58  }
0xfc: {  	[tilespmem:$0x15320] =	vst v10;
	v10 =	vadd.f32 v55, v54;
	vm7 =	vge.f32 v58, $0.0e+00;
	v6 =	vpop (erf);
	v5 =	vld [tilespmem:$0x15170];
	(erf) = vpow2.f32 v2  }
0xfd: {  	v60 =	vld [tilespmem:$0x14D80];
	v2 =	vpop (erf);
	(erf) = vpow2.f32 v4;
	v4 =	vsel vm7, v58, v8;
	v8 =	vmul.f32 $2.000000030e-01, v9  }
0xfe: {  	vm8 =	vge.f32 v9, $0.0e+00;
	v4 =	vmul.f32 $1.442695020e+00, v4  }
0xff: {  	[tilespmem:$0x15330] =	vst v11;
	v11 =	vld [tilespmem:$0x14D90];
	v62 =	vmul.f32 $2.000000030e-01, v10;
	vm9 =	vge.f32 v10, $0.0e+00;
	v8 =	vsel vm8, v9, v8  }
0x100: {  	v63 =	vld [tilespmem:$0x15190];
	v30 =	vadd.f32 v57, v56;
	v9 =	vpop (erf);
	(erf) = vpow2.f32 v4;
	v4 =	vmul.f32 $1.442695020e+00, v8  }
0x101: {  	v35 =	vld [tilespmem:$0x14DB0];
	v5 =	vadd.f32 v5, v59;
	v8 =	vsel vm9, v10, v62  }
0x102: {  	[tilespmem:$0x15340] =	vst v12;
	v31 =	vld [tilespmem:$0x14DA0];
	v36 =	vadd.f32 v61, v60;
	v34 =	vmul.f32 $2.000000030e-01, v30;
	v8 =	vmul.f32 $1.442695020e+00, v8  }
0x103: {  	[tilespmem:$0x15350] =	vst v13;
	vm10 =	vge.f32 v30, $0.0e+00;
	v10 =	vld [tilespmem:$0x151A0];
	v33 =	vpop (erf);
	v38 =	vmul.f32 $2.000000030e-01, v5;
	(erf) = vpow2.f32 v4  }
0x104: {  	[tilespmem:$0x15360] =	vst v14;
	v37 =	vld [tilespmem:$0x151B0];
	vm11 =	vge.f32 v5, $0.0e+00;
	v4 =	vpop (erf);
	(erf) = vpow2.f32 v8;
	v8 =	vsel vm10, v30, v34  }
0x105: {  	v44 =	vld [tilespmem:$0x151D0];
	[tilespmem:$0x15370] =	vst v15;
	v40 =	vmul.f32 $2.000000030e-01, v36;
	v5 =	vsel vm11, v5, v38;
	v8 =	vmul.f32 $1.442695020e+00, v8  }
0x106: {  	v47 =	vld [tilespmem:$0x14DE0];
	[tilespmem:$0x15380] =	vst v16;
	v11 =	vadd.f32 v63, v11;
	vm12 =	vge.f32 v36, $0.0e+00;
	v5 =	vmul.f32 $1.442695020e+00, v5  }
0x107: {  	v41 =	vld [tilespmem:$0x151C0];
	[tilespmem:$0x15390] =	vst v17;
	v42 =	vpop (erf);
	(erf) = vpow2.f32 v8;
	v8 =	vsel vm12, v36, v40  }
0x108: {  	v39 =	vld [tilespmem:$0x14DC0];
	[tilespmem:$0x153A0] =	vst v18;
	v46 =	vmul.f32 $2.000000030e-01, v11;
	v10 =	vadd.f32 v10, v31;
	v8 =	vmul.f32 $1.442695020e+00, v8  }
0x109: {  	[tilespmem:$0x153B0] =	vst v19;
	vm13 =	vge.f32 v11, $0.0e+00;
	v51 =	vld [tilespmem:$0x151F0];
	v15 =	vadd.f32 v37, v35;
	v45 =	vpop (erf);
	(erf) = vpow2.f32 v5  }
0x10a: {  	[tilespmem:$0x153C0] =	vst v20;
	v49 =	vld [tilespmem:$0x14DF0];
	v5 =	vpop (erf);
	(erf) = vpow2.f32 v8;
	v8 =	vsel vm13, v11, v46;
	v11 =	vmul.f32 $2.000000030e-01, v10  }
0x10b: {  	v43 =	vld [tilespmem:$0x14DD0];
	[tilespmem:$0x153D0] =	vst v21;
	vm14 =	vge.f32 v10, $0.0e+00  }
0x10c: {  	v48 =	vld [tilespmem:$0x151E0];
	[tilespmem:$0x15410] =	vst v0;
	v50 =	vmul.f32 $2.000000030e-01, v15;
	v8 =	vmul.f32 $1.442695020e+00, v8;
	v0 =	vsel vm14, v10, v11  }
0x10d: {  	v52 =	vld [tilespmem:$0x14E00];
	[tilespmem:$0x153E0] =	vst v22;
	vm15 =	vge.f32 v15, $0.0e+00;
	v11 =	vadd.f32 v41, v39;
	v0 =	vmul.f32 $1.442695020e+00, v0  }
0x10e: {  	[tilespmem:$0x15420] =	vst v3;
	v3 =	vsel vm15, v15, v50;
	v10 =	vpop (erf);
	(erf) = vpow2.f32 v8;
	v8 =	vld [tilespmem:$0x15200]  }
0x10f: {  	[tilespmem:$0x15430] =	vst v1;
	v55 =	vadd.f32 v51, v49;
	v3 =	vmul.f32 $1.442695020e+00, v3;
	v53 =	vmul.f32 $2.000000030e-01, v11  }
0x110: {  	v54 =	vld [tilespmem:$0x14E10];
	[tilespmem:$0x15440] =	vst v7;
	v7 =	vadd.f32 v44, v43;
	v1 =	vpop (erf);
	vm4 =	vge.f32 v11, $0.0e+00;
	(erf) = vpow2.f32 v0  }
0x111: {  	v56 =	vld [tilespmem:$0x14E20];
	[tilespmem:$0x15450] =	vst v6;
	v6 =	vadd.f32 v48, v47;
	v0 =	vpop (erf);
	(erf) = vpow2.f32 v3;
	v3 =	vsel vm4, v11, v53  }
0x112: {  	v57 =	vld [tilespmem:$0x15220];
	vm5 =	vge.f32 v7, $0.0e+00;
	[tilespmem:$0x15460] =	vst v2;
	v2 =	vmul.f32 $1.442695020e+00, v3;
	v3 =	vmul.f32 $2.000000030e-01, v7  }
0x113: {  	vm6 =	vge.f32 v6, $0.0e+00;
	[tilespmem:$0x15470] =	vst v9;
	v9 =	vmul.f32 $2.000000030e-01, v6;
	v11 =	vld [tilespmem:$0x15210];
	v8 =	vadd.f32 v8, v52  }
0x114: {  	[tilespmem:$0x153F0] =	vst v23;
	v58 =	vld [tilespmem:$0x14E30];
	vm7 =	vge.f32 v55, $0.0e+00;
	v3 =	vsel vm5, v7, v3;
	v7 =	vmul.f32 $2.000000030e-01, v55  }
0x115: {  	[tilespmem:$0x15490] =	vst v4;
	v4 =	vsel vm6, v6, v9;
	v9 =	vld [tilespmem:$0x15230];
	v6 =	vmul.f32 $2.000000030e-01, v8;
	v3 =	vmul.f32 $1.442695020e+00, v3  }
0x116: {  	[tilespmem:$0x15400] =	vst v24;
	v59 =	vpop (erf);
	vm8 =	vge.f32 v8, $0.0e+00;
	(erf) = vpow2.f32 v2;
	v2 =	vmul.f32 $1.442695020e+00, v4  }
0x117: {  	v63 =	vld [tilespmem:$0x14E70];
	[tilespmem:$0x15480] =	vst v33;
	v7 =	vsel vm7, v55, v7;
	v6 =	vsel vm8, v8, v6  }
0x118: {  	v60 =	vld [tilespmem:$0x14E40];
	[tilespmem:$0x154C0] =	vst v5;
	v8 =	vpop (erf);
	(erf) = vpow2.f32 v3;
	v5 =	vmul.f32 $1.442695020e+00, v7;
	v7 =	vadd.f32 v11, v54  }
0x119: {  	v61 =	vld [tilespmem:$0x15250];
	[tilespmem:$0x154D0] =	vst v10;
	v10 =	vadd.f32 v57, v56;
	v3 =	vpop (erf);
	(erf) = vpow2.f32 v2  }
0x11a: {  	[tilespmem:$0x154A0] =	vst v42;
	v9 =	vadd.f32 v9, v58;
	v4 =	vld [tilespmem:$0x15240];
	v2 =	vpop (erf);
	(erf) = vpow2.f32 v5;
	v5 =	vmul.f32 $2.000000030e-01, v7  }
0x11b: {  	v62 =	vld [tilespmem:$0x14E60];
	[tilespmem:$0x154F0] =	vst v0;
	v0 =	vmul.f32 $2.000000030e-01, v10;
	v6 =	vmul.f32 $1.442695020e+00, v6;
	vm9 =	vge.f32 v7, $0.0e+00  }
0x11c: {  	[tilespmem:$0x154B0] =	vst v45;
	vm10 =	vge.f32 v10, $0.0e+00;
	v11 =	vld [tilespmem:$0x14E50];
	v5 =	vsel vm9, v7, v5;
	v7 =	vmul.f32 $2.000000030e-01, v9  }
0x11d: {  	[tilespmem:$0x154E0] =	vst v1;
	v0 =	vsel vm10, v10, v0;
	v1 =	vpop (erf);
	(erf) = vpow2.f32 v6;
	v6 =	vld [tilespmem:$0x15260]  }
0x11e: {  	vm11 =	vge.f32 v9, $0.0e+00;
	v0 =	vmul.f32 $1.442695020e+00, v0;
	[tilespmem:$0x15510] =	vst v8;
	v8 =	vld [tilespmem:$0x15270];
	v5 =	vmul.f32 $1.442695020e+00, v5  }
0x11f: {  	v4 =	vadd.f32 v4, v60;
	[tilespmem:$0x15520] =	vst v3;
	v3 =	vsel vm11, v9, v7  }
0x120: {  	[tilespmem:$0x15530] =	vst v2;
	v3 =	vmul.f32 $1.442695020e+00, v3;
	v7 =	vpop (erf);
	(erf) = vpow2.f32 v5  }
0x121: {  	[tilespmem:$0x15540] =	vst v1;
	v1 =	vadd.f32 v61, v11;
	v5 =	vmul.f32 $2.000000030e-01, v4;
	v2 =	vpop (erf);
	(erf) = vpow2.f32 v0  }
0x122: {  	[tilespmem:$0x15500] =	vst v59;
	vm12 =	vge.f32 v4, $0.0e+00;
	v0 =	vpop (erf);
	(erf) = vpow2.f32 v3;
	v3 =	vadd.f32 v6, v62  }
0x123: {  	[tilespmem:$0x15560] =	vst v2;
	v2 =	vsel vm12, v4, v5;
	v4 =	vmul.f32 $2.000000030e-01, v1;
	v5 =	vadd.f32 v8, v63  }
0x124: {  	vm13 =	vge.f32 v1, $0.0e+00;
	v6 =	vpop (erf);
	[tilespmem:$0x15570] =	vst v0;
	v0 =	vmul.f32 $1.442695020e+00, v2;
	v2 =	vmul.f32 $2.000000030e-01, v3  }
0x125: {  	[tilespmem:$0x15550] =	vst v7;
	v7 =	vpop (erf);
	v1 =	vsel vm13, v1, v4;
	vm14 =	vge.f32 v3, $0.0e+00;
	v4 =	vmul.f32 $2.000000030e-01, v5  }
0x126: {  	[tilespmem:$0x15580] =	vst v6;
	vm15 =	vge.f32 v5, $0.0e+00;
	v6 =	vpop (erf);
	v1 =	vmul.f32 $1.442695020e+00, v1;
	v2 =	vsel vm14, v3, v2  }
0x127: {  	[tilespmem:$0x15590] =	vst v7;
	(erf) = vpow2.f32 v0;
	v3 =	vpop (erf);
	v0 =	vmul.f32 $1.442695020e+00, v2;
	v2 =	vsel vm15, v5, v4  }
0x128: {  	[tilespmem:$0x155B0] =	vst v3;
	v3 =	vpop (erf);
	(erf) = vpow2.f32 v1;
	v1 =	vmul.f32 $1.442695020e+00, v2  }
0x129: {  	[tilespmem:$0x155A0] =	vst v6  }
0x12a: {  	[tilespmem:$0x155C0] =	vst v3;
	v2 =	vpop (erf);
	(erf) = vpow2.f32 v0  }
0x12b: {  	[tilespmem:$0x155D0] =	vst v2;
	v0 =	vpop (erf);
	(erf) = vpow2.f32 v1  }
0x12c: {  	v1 =	vpop (erf);
	[tilespmem:$0x155E0] =	vst v0  }
0x12d: {  	v0 =	vpop (erf);
	[tilespmem:$0x155F0] =	vst v1  }
0x12e: {  	v1 =	vpop (erf);
	[tilespmem:$0x15600] =	vst v0  }
0x12f: {  	v0 =	vpop (erf);
	[tilespmem:$0x15610] =	vst v1  }
0x130: {  	v1 =	vpop (erf);
	[tilespmem:$0x15620] =	vst v0  }
0x131: {  	v0 =	vpop (erf);
	[tilespmem:$0x15630] =	vst v1  }
0x132: {  	v1 =	vpop (erf);
	[tilespmem:$0x15640] =	vst v0  }
0x133: {  	v0 =	vpop (erf);
	[tilespmem:$0x15650] =	vst v1  }
0x134: {  	[tilespmem:$0x15660] =	vst v0;
	v0 =	vpop (erf)  }
0x135: {  	[tilespmem:$0x15670] =	vst v0  }
0x136: {  	[spmem:s9] =	stream.indirect.scatter.add.f32 [tilespmem:s3], [sflag:$0x3], $0x1, s22, s26, $0xb8;
	[tilespmem:$0x1D680] =	vst v63  }
0x137: {  	_ =	swait.ge [sflag:s19], $0x80  }
0x138: {  	[sflag:s19] =	ssyncset.done $0x0  }
0x139: {  	s13 =	simm.s32 $0x15300;
	[sflag:s19] =	ssyncadd.s32 $0xFFFFFF80  }
0x13a: {  	[spmem:s9] =	stream.indirect.scatter.add.f32 [tilespmem:s13], [sflag:$0x3], $0x1, s6, s26, $0xb8;
	[tilespmem:$0x1D680] =	vst v63  }
0x13b: {  	_ =	swait.ge [sflag:s19], $0x80  }
0x13c: {  	[sflag:s19] =	ssyncset.done $0x0  }
0x13d: {  	s13 =	simm.s32 $0x15380;
	[sflag:s19] =	ssyncadd.s32 $0xFFFFFF80  }
0x13e: {  	[spmem:s9] =	stream.indirect.scatter.add.f32 [tilespmem:s13], [sflag:$0x3], $0x1, s14, s26, $0xb8;
	[tilespmem:$0x1D680] =	vst v63  }
0x13f: {  	_ =	swait.ge [sflag:s19], $0x80  }
0x140: {  	[sflag:s19] =	ssyncset.done $0x0  }
0x141: {  	s13 =	simm.s32 $0x15400;
	[sflag:s19] =	ssyncadd.s32 $0xFFFFFF80  }
0x142: {  	[spmem:s9] =	stream.indirect.scatter.add.f32 [tilespmem:s13], [sflag:$0x3], $0x1, s18, s26, $0xb8;
	[tilespmem:$0x1D680] =	vst v63  }
0x143: {  	_ =	swait.ge [sflag:s19], $0x80  }
0x144: {  	[sflag:s19] =	ssyncset.done $0x0  }
0x145: {  	s13 =	simm.s32 $0x15480;
	[sflag:s19] =	ssyncadd.s32 $0xFFFFFF80  }
0x146: {  	[spmem:s9] =	stream.indirect.scatter.add.f32 [tilespmem:s13], [sflag:$0x3], $0x1, s25, s26, $0xb8;
	[tilespmem:$0x1D680] =	vst v63  }
0x147: {  	_ =	swait.ge [sflag:s19], $0x80  }
0x148: {  	[sflag:s19] =	ssyncset.done $0x0  }
0x149: {  	s13 =	simm.s32 $0x15500;
	[sflag:s19] =	ssyncadd.s32 $0xFFFFFF80  }
0x14a: {  	[spmem:s9] =	stream.indirect.scatter.add.f32 [tilespmem:s13], [sflag:$0x3], $0x1, s4, s26, $0xb8;
	[tilespmem:$0x1D680] =	vst v63  }
0x14b: {  	_ =	swait.ge [sflag:s19], $0x80  }
0x14c: {  	[sflag:s19] =	ssyncset.done $0x0  }
0x14d: {  	s13 =	simm.s32 $0x15580;
	[sflag:s19] =	ssyncadd.s32 $0xFFFFFF80  }
0x14e: {  	[spmem:s9] =	stream.indirect.scatter.add.f32 [tilespmem:s13], [sflag:$0x3], $0x1, s10, s26, $0xb8;
	[tilespmem:$0x1D680] =	vst v63  }
0x14f: {  	_ =	swait.ge [sflag:s19], $0x80  }
0x150: {  	[sflag:s19] =	ssyncset.done $0x0  }
0x151: {  	s13 =	simm.s32 $0x15600;
	[sflag:s19] =	ssyncadd.s32 $0xFFFFFF80  }
0x152: {  	[spmem:s9] =	stream.indirect.scatter.add.f32 [tilespmem:s13], [sflag:$0x3], $0x1, s20, s26, $0xb8;
	[tilespmem:$0x1D680] =	vst v63  }
0x153: {  	_ =	swait.ge [sflag:s19], $0x80  }
0x154: {  	[sflag:s19] =	ssyncset.done $0x0  }
0x155: {  	[sflag:s19] =	ssyncadd.s32 $0xFFFFFF80  }
0x156: {  	[tilespmem:s7], [sflag:$0x1] =	stream.indirect.gather [hbm4b:s0+s26], $0x80, s21, s26, $0xb8;
	[tilespmem:$0x1D680] =	vst v63  }
0x157: {  	_ = 	snop  }
0x158: {  	[tilespmem:s17], [sflag:$0x1] =	stream.indirect.gather [hbm4b:s0+s26], $0x80, s5, s26, $0xb8;
	[tilespmem:$0x1D680] =	vst v63  }
0x159: {  	_ =	swait.ge [sflag:s24], $0x4000  }
0x15a: {  	[sflag:s24] =	ssyncset.done $0x0  }
0x15b: {  	[sflag:s24] =	ssyncadd.s32 $0xFFFFC000  }
0x15c: {  	_ =	swait.ge [sflag:s24], $0x4000  }
0x15d: {  	v0 =	vmov s31;
	[sflag:s24] =	ssyncset.done $0x0  }
0x15e: {  	s31 =	simm.s32 $0x156C0;
	[sflag:s24] =	ssyncadd.s32 $0xFFFFC000  }
0x15f: {  	v4 =	vld [tilespmem:s31+$0x30]  }
0x160: {  	v7 =	vld [tilespmem:s31+$0x10]  }
0x161: {  	v5 =	vld [tilespmem:s31+$0xFFFFFFC0]  }
0x162: {  	v1 =	vld.idx.msk [tilespmem:v0+s3+$0x0], $0xffff  }
0x163: {  	v9 =	vld [tilespmem:s31+$0xFFFFFFE0]  }
0x164: {  	v0 =	vld [tilespmem:s31+$0xFFFFFFF0]  }
0x165: {  	v2 =	vld [tilespmem:s31+$0x20]  }
0x166: {  	v3 =	vld [tilespmem:s31+$0xFFFFFFD0]  }
0x167: {  	v8 =	vmul.f32 v4, v1;
	v4 =	vld [tilespmem:s31+$0x0]  }
0x168: {  	v6 =	vmul.f32 v5, v1  }
0x169: {  	s30 =	simm.s32 $0x156C0;
	s13 =	simm.s32 $0x1;
	v5 =	vmul.f32 v9, v1;
	v7 =	vmul.f32 v7, v1  }
.LBB2_3:
0x16a: {  	p2 =	sne.s32 s13, $0xFF  }
0x16b: {  	v3 =	vmul.f32 v3, v1;
	v2 =	vmul.f32 v2, v1;
	[tilespmem:s31+$0x30] =	vst v8;
	s30 =	sadd.s32 $0x80, s30;
	s5 =	smov.u32 s13;
	s13 =	sadd.s32 $0x1, s13  }
0x16c: {  	[tilespmem:s31+$0xFFFFFFC0] =	vst v6;
	v6 =	vmul.f32 v0, v1;
	v1 =	vmul.f32 v4, v1  }
0x16d: {  	[tilespmem:s31+$0x10] =	vst v7  }
0x16e: {  	v4 =	vmov s5;
	[tilespmem:s31+$0xFFFFFFE0] =	vst v5  }
0x16f: {  	v0 =	vld [tilespmem:s30+$0xFFFFFFF0];
	[tilespmem:s31+$0xFFFFFFF0] =	vst v6  }
0x170: {  	v5 =	vld [tilespmem:s30+$0x30];
	[tilespmem:s31+$0x0] =	vst v1  }
0x171: {  	v7 =	vld [tilespmem:s30+$0x10];
	[tilespmem:s31+$0x20] =	vst v2  }
0x172: {  	v6 =	vld [tilespmem:s30+$0xFFFFFFC0];
	[tilespmem:s31+$0xFFFFFFD0] =	vst v3;
	s31 =	smov.u32 s30  }
0x173: {  	v1 =	vld.idx.msk [tilespmem:v4+s3+$0x0], $0xffff  }
0x174: {  	v9 =	vld [tilespmem:s30+$0xFFFFFFE0]  }
0x175: {  	v2 =	vld [tilespmem:s30+$0x20]  }
.Ltmp0:
0x176: {  	v3 =	vld [tilespmem:s30+$0xFFFFFFD0];
	(pc) =	sbr.rel @p2 .LBB2_3-.Ltmp0, $3  }
0x177: {  	v4 =	vld [tilespmem:s30+$0x0];
	_ =	sdelay $0x1  }
0x178: {  	v6 =	vmul.f32 v6, v1;
	v8 =	vmul.f32 v5, v1  }
0x179: {  	v7 =	vmul.f32 v7, v1;
	v5 =	vmul.f32 v9, v1  }
0x17a: {  	[tilespmem:s31+$0x30] =	vst v8  }
0x17b: {  	[tilespmem:s31+$0xFFFFFFC0] =	vst v6  }
0x17c: {  	v0 =	vmul.f32 v0, v1;
	[tilespmem:s31+$0x10] =	vst v7  }
0x17d: {  	v2 =	vmul.f32 v2, v1;
	[tilespmem:s31+$0xFFFFFFE0] =	vst v5  }
0x17e: {  	v4 =	vmul.f32 v4, v1;
	[tilespmem:s31+$0xFFFFFFF0] =	vst v0  }
0x17f: {  	v0 =	vmul.f32 v3, v1;
	[tilespmem:s31+$0x20] =	vst v2  }
0x180: {  	[tilespmem:s31+$0x0] =	vst v4  }
0x181: {  	[tilespmem:s31+$0xFFFFFFD0] =	vst v0  }
0x182: {  	[spmem:s8] =	stream.indirect.scatter.add.f32 [tilespmem:s7], [sflag:$0x3], $0x80, s22, s26, $0xb8;
	[tilespmem:$0x1D680] =	vst v63  }
0x183: {  	_ =	swait.ge [sflag:s19], $0x4000  }
0x184: {  	[sflag:s19] =	ssyncset.done $0x0  }
0x185: {  	[sflag:s19] =	ssyncadd.s32 $0xFFFFC000  }
0x186: {  	[spmem:s8] =	stream.indirect.scatter.add.f32 [tilespmem:s17], [sflag:$0x3], $0x80, s6, s26, $0xb8;
	[tilespmem:$0x1D680] =	vst v63  }
0x187: {  	_ =	swait.ge [sflag:s19], $0x4000  }
0x188: {  	[sflag:s19] =	ssyncset.done $0x0  }
0x189: {  	s5 =	simm.s32 $0x14380;
	[sflag:s19] =	ssyncadd.s32 $0xFFFFC000  }
0x18a: {  	[tilespmem:s7], [sflag:$0x1] =	stream.indirect.gather [hbm4b:s0+s26], $0x80, s5, s26, $0xb8;
	[tilespmem:$0x1D680] =	vst v63  }
0x18b: {  	_ = 	snop  }
0x18c: {  	[tilespmem:s17], [sflag:$0x1] =	stream.indirect.gather [hbm4b:s0+s26], $0x80, s16, s26, $0xb8;
	[tilespmem:$0x1D680] =	vst v63  }
0x18d: {  	_ =	swait.ge [sflag:s24], $0x4000  }
0x18e: {  	[sflag:s24] =	ssyncset.done $0x0  }
0x18f: {  	[sflag:s24] =	ssyncadd.s32 $0xFFFFC000  }
0x190: {  	s13 =	simm.s32 $0x100;
	_ =	swait.ge [sflag:s24], $0x4000  }
0x191: {  	v0 =	vmov s13;
	[sflag:s24] =	ssyncset.done $0x0  }
0x192: {  	s31 =	simm.s32 $0x156C0;
	[sflag:s24] =	ssyncadd.s32 $0xFFFFC000  }
0x193: {  	v4 =	vld [tilespmem:s31+$0x30]  }
0x194: {  	v7 =	vld [tilespmem:s31+$0x10]  }
0x195: {  	v5 =	vld [tilespmem:s31+$0xFFFFFFC0]  }
0x196: {  	v1 =	vld.idx.msk [tilespmem:v0+s3+$0x0], $0xffff  }
0x197: {  	v9 =	vld [tilespmem:s31+$0xFFFFFFE0]  }
0x198: {  	v0 =	vld [tilespmem:s31+$0xFFFFFFF0]  }
0x199: {  	v2 =	vld [tilespmem:s31+$0x20]  }
0x19a: {  	v3 =	vld [tilespmem:s31+$0xFFFFFFD0]  }
0x19b: {  	v8 =	vmul.f32 v4, v1;
	v4 =	vld [tilespmem:s31+$0x0]  }
0x19c: {  	v6 =	vmul.f32 v5, v1  }
0x19d: {  	s30 =	simm.s32 $0x156C0;
	s13 =	simm.s32 $0x101;
	v5 =	vmul.f32 v9, v1;
	v7 =	vmul.f32 v7, v1  }
.LBB2_5:
0x19e: {  	p2 =	sne.s32 s13, $0x1FF  }
0x19f: {  	v3 =	vmul.f32 v3, v1;
	v2 =	vmul.f32 v2, v1;
	[tilespmem:s31+$0x30] =	vst v8;
	s30 =	sadd.s32 $0x80, s30;
	s5 =	smov.u32 s13;
	s13 =	sadd.s32 $0x1, s13  }
0x1a0: {  	[tilespmem:s31+$0xFFFFFFC0] =	vst v6;
	v6 =	vmul.f32 v0, v1;
	v1 =	vmul.f32 v4, v1  }
0x1a1: {  	[tilespmem:s31+$0x10] =	vst v7  }
0x1a2: {  	v4 =	vmov s5;
	[tilespmem:s31+$0xFFFFFFE0] =	vst v5  }
0x1a3: {  	v0 =	vld [tilespmem:s30+$0xFFFFFFF0];
	[tilespmem:s31+$0xFFFFFFF0] =	vst v6  }
0x1a4: {  	v5 =	vld [tilespmem:s30+$0x30];
	[tilespmem:s31+$0x0] =	vst v1  }
0x1a5: {  	v7 =	vld [tilespmem:s30+$0x10];
	[tilespmem:s31+$0x20] =	vst v2  }
0x1a6: {  	v6 =	vld [tilespmem:s30+$0xFFFFFFC0];
	[tilespmem:s31+$0xFFFFFFD0] =	vst v3;
	s31 =	smov.u32 s30  }
0x1a7: {  	v1 =	vld.idx.msk [tilespmem:v4+s3+$0x0], $0xffff  }
0x1a8: {  	v9 =	vld [tilespmem:s30+$0xFFFFFFE0]  }
0x1a9: {  	v2 =	vld [tilespmem:s30+$0x20]  }
.Ltmp1:
0x1aa: {  	v3 =	vld [tilespmem:s30+$0xFFFFFFD0];
	(pc) =	sbr.rel @p2 .LBB2_5-.Ltmp1, $3  }
0x1ab: {  	v4 =	vld [tilespmem:s30+$0x0];
	_ =	sdelay $0x1  }
0x1ac: {  	v6 =	vmul.f32 v6, v1;
	v8 =	vmul.f32 v5, v1  }
0x1ad: {  	v7 =	vmul.f32 v7, v1;
	v5 =	vmul.f32 v9, v1  }
0x1ae: {  	[tilespmem:s31+$0x30] =	vst v8  }
0x1af: {  	[tilespmem:s31+$0xFFFFFFC0] =	vst v6  }
0x1b0: {  	v0 =	vmul.f32 v0, v1;
	[tilespmem:s31+$0x10] =	vst v7  }
0x1b1: {  	v2 =	vmul.f32 v2, v1;
	[tilespmem:s31+$0xFFFFFFE0] =	vst v5  }
0x1b2: {  	v4 =	vmul.f32 v4, v1;
	[tilespmem:s31+$0xFFFFFFF0] =	vst v0  }
0x1b3: {  	v0 =	vmul.f32 v3, v1;
	[tilespmem:s31+$0x20] =	vst v2  }
0x1b4: {  	[tilespmem:s31+$0x0] =	vst v4  }
0x1b5: {  	[tilespmem:s31+$0xFFFFFFD0] =	vst v0  }
0x1b6: {  	[spmem:s8] =	stream.indirect.scatter.add.f32 [tilespmem:s7], [sflag:$0x3], $0x80, s14, s26, $0xb8;
	[tilespmem:$0x1D680] =	vst v63  }
0x1b7: {  	_ =	swait.ge [sflag:s19], $0x4000  }
0x1b8: {  	[sflag:s19] =	ssyncset.done $0x0  }
0x1b9: {  	[sflag:s19] =	ssyncadd.s32 $0xFFFFC000  }
0x1ba: {  	[spmem:s8] =	stream.indirect.scatter.add.f32 [tilespmem:s17], [sflag:$0x3], $0x80, s18, s26, $0xb8;
	[tilespmem:$0x1D680] =	vst v63  }
0x1bb: {  	_ =	swait.ge [sflag:s19], $0x4000  }
0x1bc: {  	[sflag:s19] =	ssyncset.done $0x0  }
0x1bd: {  	[sflag:s19] =	ssyncadd.s32 $0xFFFFC000  }
0x1be: {  	[tilespmem:s7], [sflag:$0x1] =	stream.indirect.gather [hbm4b:s0+s26], $0x80, s23, s26, $0xb8;
	[tilespmem:$0x1D680] =	vst v63  }
0x1bf: {  	_ = 	snop  }
0x1c0: {  	[tilespmem:s17], [sflag:$0x1] =	stream.indirect.gather [hbm4b:s0+s26], $0x80, s11, s26, $0xb8;
	[tilespmem:$0x1D680] =	vst v63  }
0x1c1: {  	_ =	swait.ge [sflag:s24], $0x4000  }
0x1c2: {  	[sflag:s24] =	ssyncset.done $0x0  }
0x1c3: {  	[sflag:s24] =	ssyncadd.s32 $0xFFFFC000  }
0x1c4: {  	s5 =	simm.s32 $0x200;
	_ =	swait.ge [sflag:s24], $0x4000  }
0x1c5: {  	v0 =	vmov s5;
	[sflag:s24] =	ssyncset.done $0x0  }
0x1c6: {  	s31 =	simm.s32 $0x156C0;
	[sflag:s24] =	ssyncadd.s32 $0xFFFFC000  }
0x1c7: {  	v4 =	vld [tilespmem:s31+$0x30]  }
0x1c8: {  	v7 =	vld [tilespmem:s31+$0x10]  }
0x1c9: {  	v5 =	vld [tilespmem:s31+$0xFFFFFFC0]  }
0x1ca: {  	v1 =	vld.idx.msk [tilespmem:v0+s3+$0x0], $0xffff  }
0x1cb: {  	v9 =	vld [tilespmem:s31+$0xFFFFFFE0]  }
0x1cc: {  	v0 =	vld [tilespmem:s31+$0xFFFFFFF0]  }
0x1cd: {  	v2 =	vld [tilespmem:s31+$0x20]  }
0x1ce: {  	v3 =	vld [tilespmem:s31+$0xFFFFFFD0]  }
0x1cf: {  	v8 =	vmul.f32 v4, v1;
	v4 =	vld [tilespmem:s31+$0x0]  }
0x1d0: {  	v6 =	vmul.f32 v5, v1  }
0x1d1: {  	s13 =	simm.s32 $0x201;
	s30 =	simm.s32 $0x156C0;
	v5 =	vmul.f32 v9, v1;
	v7 =	vmul.f32 v7, v1  }
.LBB2_7:
0x1d2: {  	p2 =	sne.s32 s13, $0x2FF  }
0x1d3: {  	v3 =	vmul.f32 v3, v1;
	v2 =	vmul.f32 v2, v1;
	[tilespmem:s31+$0x30] =	vst v8;
	s30 =	sadd.s32 $0x80, s30;
	s5 =	smov.u32 s13;
	s13 =	sadd.s32 $0x1, s13  }
0x1d4: {  	[tilespmem:s31+$0xFFFFFFC0] =	vst v6;
	v6 =	vmul.f32 v0, v1;
	v1 =	vmul.f32 v4, v1  }
0x1d5: {  	[tilespmem:s31+$0x10] =	vst v7  }
0x1d6: {  	v4 =	vmov s5;
	[tilespmem:s31+$0xFFFFFFE0] =	vst v5  }
0x1d7: {  	v0 =	vld [tilespmem:s30+$0xFFFFFFF0];
	[tilespmem:s31+$0xFFFFFFF0] =	vst v6  }
0x1d8: {  	v5 =	vld [tilespmem:s30+$0x30];
	[tilespmem:s31+$0x0] =	vst v1  }
0x1d9: {  	v7 =	vld [tilespmem:s30+$0x10];
	[tilespmem:s31+$0x20] =	vst v2  }
0x1da: {  	v6 =	vld [tilespmem:s30+$0xFFFFFFC0];
	[tilespmem:s31+$0xFFFFFFD0] =	vst v3;
	s31 =	smov.u32 s30  }
0x1db: {  	v1 =	vld.idx.msk [tilespmem:v4+s3+$0x0], $0xffff  }
0x1dc: {  	v9 =	vld [tilespmem:s30+$0xFFFFFFE0]  }
0x1dd: {  	v2 =	vld [tilespmem:s30+$0x20]  }
.Ltmp2:
0x1de: {  	v3 =	vld [tilespmem:s30+$0xFFFFFFD0];
	(pc) =	sbr.rel @p2 .LBB2_7-.Ltmp2, $3  }
0x1df: {  	v4 =	vld [tilespmem:s30+$0x0];
	_ =	sdelay $0x1  }
0x1e0: {  	v6 =	vmul.f32 v6, v1;
	v8 =	vmul.f32 v5, v1  }
0x1e1: {  	v7 =	vmul.f32 v7, v1;
	v5 =	vmul.f32 v9, v1  }
0x1e2: {  	[tilespmem:s31+$0x30] =	vst v8  }
0x1e3: {  	[tilespmem:s31+$0xFFFFFFC0] =	vst v6  }
0x1e4: {  	v0 =	vmul.f32 v0, v1;
	[tilespmem:s31+$0x10] =	vst v7  }
0x1e5: {  	v2 =	vmul.f32 v2, v1;
	[tilespmem:s31+$0xFFFFFFE0] =	vst v5  }
0x1e6: {  	v4 =	vmul.f32 v4, v1;
	[tilespmem:s31+$0xFFFFFFF0] =	vst v0  }
0x1e7: {  	v0 =	vmul.f32 v3, v1;
	[tilespmem:s31+$0x20] =	vst v2  }
0x1e8: {  	[tilespmem:s31+$0x0] =	vst v4  }
0x1e9: {  	[tilespmem:s31+$0xFFFFFFD0] =	vst v0  }
0x1ea: {  	[spmem:s8] =	stream.indirect.scatter.add.f32 [tilespmem:s7], [sflag:$0x3], $0x80, s25, s26, $0xb8;
	[tilespmem:$0x1D680] =	vst v63  }
0x1eb: {  	_ =	swait.ge [sflag:s19], $0x4000  }
0x1ec: {  	[sflag:s19] =	ssyncset.done $0x0  }
0x1ed: {  	[sflag:s19] =	ssyncadd.s32 $0xFFFFC000  }
0x1ee: {  	[spmem:s8] =	stream.indirect.scatter.add.f32 [tilespmem:s17], [sflag:$0x3], $0x80, s4, s26, $0xb8;
	[tilespmem:$0x1D680] =	vst v63  }
0x1ef: {  	_ =	swait.ge [sflag:s19], $0x4000  }
0x1f0: {  	[sflag:s19] =	ssyncset.done $0x0  }
0x1f1: {  	[sflag:s19] =	ssyncadd.s32 $0xFFFFC000  }
0x1f2: {  	[tilespmem:s7], [sflag:$0x1] =	stream.indirect.gather [hbm4b:s0+s26], $0x80, s29, s26, $0xb8;
	[tilespmem:$0x1D680] =	vst v63  }
0x1f3: {  	_ = 	snop  }
0x1f4: {  	[tilespmem:s17], [sflag:$0x1] =	stream.indirect.gather [hbm4b:s0+s26], $0x80, s15, s26, $0xb8;
	[tilespmem:$0x1D680] =	vst v63  }
0x1f5: {  	_ =	swait.ge [sflag:s24], $0x4000  }
0x1f6: {  	[sflag:s24] =	ssyncset.done $0x0  }
0x1f7: {  	[sflag:s24] =	ssyncadd.s32 $0xFFFFC000  }
0x1f8: {  	s5 =	simm.s32 $0x300;
	_ =	swait.ge [sflag:s24], $0x4000  }
0x1f9: {  	v0 =	vmov s5;
	[sflag:s24] =	ssyncset.done $0x0  }
0x1fa: {  	s31 =	simm.s32 $0x156C0;
	[sflag:s24] =	ssyncadd.s32 $0xFFFFC000  }
0x1fb: {  	v4 =	vld [tilespmem:s31+$0x30]  }
0x1fc: {  	v7 =	vld [tilespmem:s31+$0x10]  }
0x1fd: {  	v5 =	vld [tilespmem:s31+$0xFFFFFFC0]  }
0x1fe: {  	v1 =	vld.idx.msk [tilespmem:v0+s3+$0x0], $0xffff  }
0x1ff: {  	v9 =	vld [tilespmem:s31+$0xFFFFFFE0]  }
0x200: {  	v0 =	vld [tilespmem:s31+$0xFFFFFFF0]  }
0x201: {  	v2 =	vld [tilespmem:s31+$0x20]  }
0x202: {  	v3 =	vld [tilespmem:s31+$0xFFFFFFD0]  }
0x203: {  	v8 =	vmul.f32 v4, v1;
	v4 =	vld [tilespmem:s31+$0x0]  }
0x204: {  	v6 =	vmul.f32 v5, v1  }
0x205: {  	s13 =	simm.s32 $0x301;
	s30 =	simm.s32 $0x156C0;
	v5 =	vmul.f32 v9, v1;
	v7 =	vmul.f32 v7, v1  }
.LBB2_9:
0x206: {  	p2 =	sne.s32 s13, $0x3FF  }
0x207: {  	v3 =	vmul.f32 v3, v1;
	v2 =	vmul.f32 v2, v1;
	[tilespmem:s31+$0x30] =	vst v8;
	s30 =	sadd.s32 $0x80, s30;
	s5 =	smov.u32 s13;
	s13 =	sadd.s32 $0x1, s13  }
0x208: {  	[tilespmem:s31+$0xFFFFFFC0] =	vst v6;
	v6 =	vmul.f32 v0, v1;
	v1 =	vmul.f32 v4, v1  }
0x209: {  	[tilespmem:s31+$0x10] =	vst v7  }
0x20a: {  	v4 =	vmov s5;
	[tilespmem:s31+$0xFFFFFFE0] =	vst v5  }
0x20b: {  	v0 =	vld [tilespmem:s30+$0xFFFFFFF0];
	[tilespmem:s31+$0xFFFFFFF0] =	vst v6  }
0x20c: {  	v5 =	vld [tilespmem:s30+$0x30];
	[tilespmem:s31+$0x0] =	vst v1  }
0x20d: {  	v7 =	vld [tilespmem:s30+$0x10];
	[tilespmem:s31+$0x20] =	vst v2  }
0x20e: {  	v6 =	vld [tilespmem:s30+$0xFFFFFFC0];
	[tilespmem:s31+$0xFFFFFFD0] =	vst v3;
	s31 =	smov.u32 s30  }
0x20f: {  	v1 =	vld.idx.msk [tilespmem:v4+s3+$0x0], $0xffff  }
0x210: {  	v9 =	vld [tilespmem:s30+$0xFFFFFFE0]  }
0x211: {  	v2 =	vld [tilespmem:s30+$0x20]  }
.Ltmp3:
0x212: {  	v3 =	vld [tilespmem:s30+$0xFFFFFFD0];
	(pc) =	sbr.rel @p2 .LBB2_9-.Ltmp3, $3  }
0x213: {  	v4 =	vld [tilespmem:s30+$0x0];
	_ =	sdelay $0x1  }
0x214: {  	v6 =	vmul.f32 v6, v1;
	v8 =	vmul.f32 v5, v1  }
0x215: {  	v7 =	vmul.f32 v7, v1;
	v5 =	vmul.f32 v9, v1  }
0x216: {  	[tilespmem:s31+$0x30] =	vst v8  }
0x217: {  	[tilespmem:s31+$0xFFFFFFC0] =	vst v6  }
0x218: {  	v0 =	vmul.f32 v0, v1;
	[tilespmem:s31+$0x10] =	vst v7  }
0x219: {  	v2 =	vmul.f32 v2, v1;
	[tilespmem:s31+$0xFFFFFFE0] =	vst v5  }
0x21a: {  	v63 =	vmul.f32 v3, v1;
	[tilespmem:s31+$0xFFFFFFF0] =	vst v0  }
0x21b: {  	v4 =	vmul.f32 v4, v1;
	[tilespmem:s31+$0x20] =	vst v2  }
0x21c: {  	[tilespmem:s31+$0xFFFFFFD0] =	vst v63  }
0x21d: {  	[tilespmem:s31+$0x0] =	vst v4  }
0x21e: {  	[spmem:s8] =	stream.indirect.scatter.add.f32 [tilespmem:s7], [sflag:$0x3], $0x80, s10, s26, $0xb8;
	[tilespmem:$0x1D680] =	vst v63  }
0x21f: {  	s28 =	sadd.s32 $0x1, s28;
	_ =	swait.ge [sflag:s19], $0x4000  }
0x220: {  	p2 =	sne.s32 s28, $0xA;
	[sflag:s19] =	ssyncset.done $0x0  }
.Ltmp4:
0x221: {  	[sflag:s19] =	ssyncadd.s32 $0xFFFFC000;
	(pc) =	sbr.rel @p2 .LBB2_2-.Ltmp4, $4  }
0x222: {  	[spmem:s8] =	stream.indirect.scatter.add.f32 [tilespmem:s17], [sflag:$0x3], $0x80, s20, s26, $0xb8;
	[tilespmem:$0x1D680] =	vst v63  }
0x223: {  	_ =	swait.ge [sflag:s19], $0x4000  }
0x224: {  	[sflag:s19] =	ssyncset.done $0x0  }
0x225: {  	[sflag:s19] =	ssyncadd.s32 $0xFFFFC000  }
0x226: {  	[bflag:$0x0] =	sbarrier.arrive $0xFFFF  }
0x227: {  	s30 =	rddreg [dreg:$0xd]  }
0x228: {  	s5 =	rddreg [dreg:$0xf]  }
0x229: {  	s13 =	rddreg [dreg:$0x15]  }
0x22a: {  	[hbm:s5], [sflag:s30] =	dma.local [spmem:s13], $0x2700  }
0x22b: {  	_ =	swait.ge [sflag:s19], $0x2700  }
0x22c: {  	[sflag:s19] =	ssyncset.done $0x0;
	s5 =	rddreg [dreg:$0x10]  }
0x22d: {  	s13 =	rddreg [dreg:$0x16];
	[sflag:s19] =	ssyncadd.s32 $0xFFFFD900  }
0x22e: {  	[hbm:s5], [sflag:s30] =	dma.local @!p1 [spmem:s13], $0x80  }
0x22f: {  	s5 =	simm.s32 @!p1 $0x3  }
0x230: {  	_ =	swait.ge @!p1 [sflag:s5], $0x80  }
0x231: {  	[sflag:s5] =	ssyncset.done @!p1 $0x0;
	s13 =	rddreg [dreg:$0x17]  }
0x232: {  	[sflag:s5] =	ssyncadd.s32 @!p1 $0xFFFFFF80;
	s5 =	rddreg [dreg:$0x11]  }
0x233: {  	[hbm:s5], [sflag:s30] =	dma.local @!p0 [spmem:s13], $0x100  }
0x234: {  	s5 =	simm.s32 @!p0 $0x3  }
0x235: {  	_ =	swait.ge @!p0 [sflag:s5], $0x100  }
0x236: {  	s28 =	rddreg [dreg:$0xc]  }
0x237: {  	s31 =	rddreg [dreg:$0x12];
	s28 =	sadd.s32 $0x1, s28  }
0x238: {  	p2 =	sne.s32 s28, s31  }
.Ltmp5:
0x239: {  	_ = 	snop;
	(pc) =	sbr.rel @p2 .LBB2_1-.Ltmp5, $3  }
0x23a: {  	_ =	sdelay $0x1  }
0x23b: {  	[sflag:s5] =	ssyncset.done @!p0 $0x0  }
0x23c: {  	[sflag:s5] =	ssyncadd.s32 @!p0 $0xFFFFFF00  }
0x23d: {  	_ =	sfence.sel $0x180000  }
0x23e: {  	[bflag:$0x0] =	sbarrier.arrive $0xFFFF  }
0x23f: {  	_ =	strace $0x90000047  }
0x240: {  	s0 =	stileid.u32;
	[bflag:$0x2] =	sbarrier.arrive $0xFFFF  }
0x241: {  	p0 =	sne.s32 s0, $0x0;
	s0 =	rddreg [dreg:$0xb]  }
0x242: {  	s0 =	sadd.s32 @!p0 $0x100000, s0  }
0x243: {  	[sflag:s0] =	ssyncadd.tile.s32 @!p0 $0x1;
	_ =	shalt  }
.Lfunc_end2:
_tile_overlayer_lowered:
.L_overlay_start_2:
0x244: {  	(tag) =	ssettag $0x2  }
0x245: {  	s0 =	rddreg [dreg:$0x0];
	s2 =	stileid.u32  }
0x246: {  	s1 =	rddreg [dreg:$0x1];
	p0 =	sne.s32 s2, $0x0  }
0x247: {  	s3 =	rddreg [dreg:$0x2];
	[bflag:$0x3] =	sbarrier.arrive $0xFFFF;
	s2 =	simm.s32 @!p0 $0x1C03  }
0x248: {  	[timem:s3], [sflag:s2] =	dma.local @!p0 [hbm:s0], s1  }
0x249: {  	s0 =	simm.s32 @!p0 $0x3  }
0x24a: {  	_ =	swait.ge @!p0 [sflag:s0], s1  }
0x24b: {  	s1 =	ssub.s32 @!p0 $0x0, s1;
	[sflag:s0] =	ssyncset.done @!p0 $0x0  }
0x24c: {  	[sflag:s0] =	ssyncadd.s32 @!p0 s1  }
0x24d: {  	[bflag:$0x3] =	sbarrier.arrive $0xFFFF  }
0x24e: {  	_ =	shalt  }

</sc_bundles>
